<compile_context>
chip_gen: v7x
topology: tpu7x:2x2x1
jax: 0.10.2.dev20260603
libtpu: 0.0.44.dev20260713+nightly
codegen_flags: <defaults>
</compile_context>

<pallas_src>
import functools

import jax
import jax.numpy as jnp
from jax import lax
from jax.experimental import pallas as pl
from jax.experimental.pallas import tpu as pltpu
from jax.experimental.pallas import tpu_sc as plsc

D = 2048
N_EXPERTS = 64
K = 2
TOKENS = 16384

NC = 2
NS = 16
LANES = 16
NW = NC * NS
TPW = TOKENS // NW
HALF = TPW // 2
GROUPS_H = HALF // LANES
NSTREAM = 4
SLEN = N_EXPERTS // NSTREAM

BT = 1024


def _logits_body(h_ref, w_ref, out_ref):
    out_ref[...] = lax.dot_general(
        w_ref[...], h_ref[...],
        dimension_numbers=(((1,), (1,)), ((), ())),
        preferred_element_type=jnp.float32,
    )


def _logits_call(h, W):
    return pl.pallas_call(
        _logits_body,
        grid=(TOKENS // BT,),
        in_specs=[
            pl.BlockSpec((BT, D), lambda i: (i, 0)),
            pl.BlockSpec((N_EXPERTS, D), lambda i: (0, 0)),
        ],
        out_specs=pl.BlockSpec((N_EXPERTS, BT), lambda i: (0, i)),
        out_shape=jax.ShapeDtypeStruct((N_EXPERTS, TOKENS), jnp.float32),
    )(h, W)


def _merge(am1, ai1, am2, ai2, bm1, bi1, bm2, bi2):
    a_first = am1 >= bm1
    m1 = jnp.maximum(am1, bm1)
    i1 = jnp.where(a_first, ai1, bi1)
    sec_a = am2 >= bm1
    m2a = jnp.maximum(am2, bm1)
    i2a = jnp.where(sec_a, ai2, bi1)
    sec_b = am1 >= bm2
    m2b = jnp.maximum(am1, bm2)
    i2b = jnp.where(sec_b, ai1, bi2)
    m2 = jnp.where(a_first, m2a, m2b)
    i2 = jnp.where(a_first, i2a, i2b)
    return m1, i1, m2, i2


def _topk_body(logits_hbm, v1_hbm, v2_hbm, i1_hbm, i2_hbm,
               slab, v1_v, v2_v, i1_v, i2_v, sem0, sem1):
    wid = lax.axis_index("s") * NC + lax.axis_index("c")
    t0 = wid * TPW
    cp0 = pltpu.async_copy(
        logits_hbm.at[:, pl.ds(t0, HALF)], slab.at[:, pl.ds(0, HALF)], sem0)
    cp1 = pltpu.async_copy(
        logits_hbm.at[:, pl.ds(t0 + HALF, HALF)],
        slab.at[:, pl.ds(HALF, HALF)], sem1)

    neg_inf = jnp.full((LANES,), -jnp.inf, jnp.float32)

    zero_i = jnp.zeros((LANES,), jnp.int32)

    def group(g, carry):
        base = g * LANES
        sl = pl.ds(base, LANES)
        st = [[neg_inf, zero_i, neg_inf, zero_i] for _ in range(NSTREAM)]
        for j in range(SLEN):
            for s in range(NSTREAM):
                e = s * SLEN + j
                v = slab[e, sl]
                e_vec = jnp.full((LANES,), e, jnp.int32)
                m1, i1, m2, i2 = st[s]
                gt1 = v > m1
                loser = jnp.minimum(m1, v)
                li = jnp.where(gt1, i1, e_vec)
                m1 = jnp.maximum(m1, v)
                i1 = jnp.where(gt1, e_vec, i1)
                gt2 = loser > m2
                m2 = jnp.maximum(m2, loser)
                i2 = jnp.where(gt2, li, i2)
                st[s] = [m1, i1, m2, i2]
        ab = _merge(*st[0], *st[1])
        cd = _merge(*st[2], *st[3])
        val1, idx1, val2, idx2 = _merge(*ab, *cd)
        t = jnp.exp(val2 - val1)
        p1 = 1.0 / (1.0 + t)
        p2 = t * p1
        v1_v[sl] = p1
        v2_v[sl] = p2
        i1_v[sl] = idx1
        i2_v[sl] = idx2
        return carry

    cp0.wait()
    lax.fori_loop(0, GROUPS_H, group, 0)
    cp1.wait()
    lax.fori_loop(GROUPS_H, 2 * GROUPS_H, group, 0)

    sl_out = pl.ds(t0, TPW)
    pltpu.sync_copy(v1_v, v1_hbm.at[sl_out])
    pltpu.sync_copy(v2_v, v2_hbm.at[sl_out])
    pltpu.sync_copy(i1_v, i1_hbm.at[sl_out])
    pltpu.sync_copy(i2_v, i2_hbm.at[sl_out])


_topk_sc = functools.partial(
    pl.kernel,
    out_type=(
        jax.ShapeDtypeStruct((TOKENS,), jnp.float32),
        jax.ShapeDtypeStruct((TOKENS,), jnp.float32),
        jax.ShapeDtypeStruct((TOKENS,), jnp.int32),
        jax.ShapeDtypeStruct((TOKENS,), jnp.int32),
    ),
    mesh=plsc.VectorSubcoreMesh(core_axis_name="c", subcore_axis_name="s"),
    scratch_types=[
        pltpu.VMEM((N_EXPERTS, TPW), jnp.float32),
        pltpu.VMEM((TPW,), jnp.float32),
        pltpu.VMEM((TPW,), jnp.float32),
        pltpu.VMEM((TPW,), jnp.int32),
        pltpu.VMEM((TPW,), jnp.int32),
        pltpu.SemaphoreType.DMA,
        pltpu.SemaphoreType.DMA,
    ],
)(_topk_body)


@jax.jit
def kernel(h, W):
    logits_t = _logits_call(h, W)
    v1, v2, i1, i2 = _topk_sc(logits_t)
    vals = jnp.stack([v1, v2], axis=-1)
    idx = jnp.stack([i1, i2], axis=-1)
    return vals, idx

# --- scband reference (transcript-rebuilt; emitter-appended) ---
"""Pipeline reference for scband-top-kgate-9964324127039 (READ-ONLY COPY).

The authoritative reference and input builder live on the scoring server;
editing this copy changes nothing except your own understanding.
"""

import jax, jax.numpy as jnp
import numpy as np

D = 2048
N_EXPERTS = 64
K = 2
TOKENS = 16384

def setup_inputs(seed: int = 0) -> dict:
    key = jax.random.key(seed)
    k1, k2 = jax.random.split(key)
    h = jax.random.normal(k1, (TOKENS, D), dtype=jnp.float32)
    # nn.Linear(d, n_experts, bias=False) weight has shape [n_experts, d]
    W = jax.random.normal(k2, (N_EXPERTS, D), dtype=jnp.float32) * (1.0 / np.sqrt(D))
    return {"h": h, "W": W}

def reference(h, W):
    # logits = self.proj(h)  -> h @ W.T
    logits = jnp.dot(h, W.T)
    # val, idx = torch.topk(logits, k, dim=-1)
    val, idx = jax.lax.top_k(logits, K)
    # return val.softmax(-1), idx
    return jax.nn.softmax(val, axis=-1), idx

if __name__ == "__main__":
    import jax
    _d = setup_inputs()
    print(jax.jit(kernel)(*tuple(_d.values())))

</pallas_src>

<mosaic_0001>
#map = affine_map<(d0, d1) -> (0, 0)>
#map1 = affine_map<(d0, d1) -> (0)>
module attributes {stable_mosaic.version = 14 : i64} {
  func.func @_topk_body(%arg0: i32, %arg1: i32, %arg2: memref<64x16384xf32, #tpu.memory_space<hbm>>, %arg3: memref<16384xf32, #tpu.memory_space<hbm>>, %arg4: memref<16384xf32, #tpu.memory_space<hbm>>, %arg5: memref<16384xi32, #tpu.memory_space<hbm>>, %arg6: memref<16384xi32, #tpu.memory_space<hbm>>, %arg7: memref<64x512xf32, #tpu.memory_space<vmem>>, %arg8: memref<512xf32, #tpu.memory_space<vmem>>, %arg9: memref<512xf32, #tpu.memory_space<vmem>>, %arg10: memref<512xi32, #tpu.memory_space<vmem>>, %arg11: memref<512xi32, #tpu.memory_space<vmem>>, %arg12: memref<!tpu.dma_semaphore, #tpu.memory_space<semaphore_mem>>, %arg13: memref<!tpu.dma_semaphore, #tpu.memory_space<semaphore_mem>>) attributes {dimension_semantics = [#tpu.dimension_semantics<core_parallel>, #tpu.dimension_semantics<subcore_parallel>], iteration_bounds = array<i64: 2, 16>, scalar_prefetch = 0 : i64, scratch_operands = 7 : i64, tpu.core_type = #tpu.core_type<sc_vector_subcore>, window_params = [{transform_indices = #map}, {transform_indices = #map1}, {transform_indices = #map1}, {transform_indices = #map1}, {transform_indices = #map1}]} {
    %mul3A = arith.constant 2 : i32
    %mul3A_0 = arith.muli %arg1, %mul3A : i32
    %add3A = arith.addi %mul3A_0, %arg0 : i32
    %mul3A_1 = arith.constant 512 : i32
    %mul3A_2 = arith.muli %add3A, %mul3A_1 : i32
    %dma_start3A = arith.constant 0 : i32
    %dma_start3A_3 = arith.constant 0 : i32
    %dma_start3A_4 = tpu.memref_slice %arg7[%dma_start3A, %dma_start3A_3] : memref<64x512xf32, #tpu.memory_space<vmem>> -> memref<64x256xf32, #tpu.memory_space<vmem>>
    %dma_start3A_5 = arith.constant 0 : i32
    %dma_start3A_6 = tpu.memref_slice %arg2[%dma_start3A_5, %mul3A_2] : memref<64x16384xf32, #tpu.memory_space<hbm>> -> memref<64x256xf32, #tpu.memory_space<hbm>>
    %dma_start3A_7 = arith.constant 0 : i32
    %dma_start3A_8 = arith.constant 0 : i32
    %dma_start3A_9 = tpu.memref_slice %arg7[%dma_start3A_7, %dma_start3A_8] : memref<64x512xf32, #tpu.memory_space<vmem>> -> memref<64x256xf32, #tpu.memory_space<vmem>>
    %dma_start3A_10 = arith.constant 0 : i32
    %dma_start3A_11 = tpu.memref_slice %arg2[%dma_start3A_10, %mul3A_2] : memref<64x16384xf32, #tpu.memory_space<hbm>> -> memref<64x256xf32, #tpu.memory_space<hbm>>
    tpu.enqueue_dma source(%dma_start3A_11 : memref<64x256xf32, #tpu.memory_space<hbm>>) target(%dma_start3A_9 : memref<64x256xf32, #tpu.memory_space<vmem>>) target_semaphore(%arg12 : memref<!tpu.dma_semaphore, #tpu.memory_space<semaphore_mem>>)
    %add3A_12 = arith.constant 256 : i32
    %add3A_13 = arith.addi %mul3A_2, %add3A_12 : i32
    %dma_start3A_14 = arith.constant 0 : i32
    %dma_start3A_15 = arith.constant 256 : i32
    %dma_start3A_16 = tpu.memref_slice %arg7[%dma_start3A_14, %dma_start3A_15] : memref<64x512xf32, #tpu.memory_space<vmem>> -> memref<64x256xf32, #tpu.memory_space<vmem>>
    %dma_start3A_17 = arith.constant 0 : i32
    %dma_start3A_18 = tpu.memref_slice %arg2[%dma_start3A_17, %add3A_13] : memref<64x16384xf32, #tpu.memory_space<hbm>> -> memref<64x256xf32, #tpu.memory_space<hbm>>
    %dma_start3A_19 = arith.constant 0 : i32
    %dma_start3A_20 = arith.constant 256 : i32
    %dma_start3A_21 = tpu.memref_slice %arg7[%dma_start3A_19, %dma_start3A_20] : memref<64x512xf32, #tpu.memory_space<vmem>> -> memref<64x256xf32, #tpu.memory_space<vmem>>
    %dma_start3A_22 = arith.constant 0 : i32
    %dma_start3A_23 = tpu.memref_slice %arg2[%dma_start3A_22, %add3A_13] : memref<64x16384xf32, #tpu.memory_space<hbm>> -> memref<64x256xf32, #tpu.memory_space<hbm>>
    tpu.enqueue_dma source(%dma_start3A_23 : memref<64x256xf32, #tpu.memory_space<hbm>>) target(%dma_start3A_21 : memref<64x256xf32, #tpu.memory_space<vmem>>) target_semaphore(%arg13 : memref<!tpu.dma_semaphore, #tpu.memory_space<semaphore_mem>>)
    %broadcast_in_dim3A = arith.constant 0xFF800000 : f32
    %broadcast_in_dim3A_24 = vector.broadcast %broadcast_in_dim3A : f32 to vector<16xf32>
    %broadcast_in_dim3A_25 = arith.constant 0 : i32
    %broadcast_in_dim3A_26 = vector.broadcast %broadcast_in_dim3A_25 : i32 to vector<16xi32>
    %dma_wait3A = arith.constant 0 : i32
    %dma_wait3A_27 = arith.constant 0 : i32
    %dma_wait3A_28 = tpu.memref_slice %arg7[%dma_wait3A, %dma_wait3A_27] : memref<64x512xf32, #tpu.memory_space<vmem>> -> memref<64x256xf32, #tpu.memory_space<vmem>>
    %dma_wait3A_29 = arith.constant 0 : i32
    %dma_wait3A_30 = tpu.memref_slice %arg2[%dma_wait3A_29, %mul3A_2] : memref<64x16384xf32, #tpu.memory_space<hbm>> -> memref<64x256xf32, #tpu.memory_space<hbm>>
    %dma_wait3A_31 = arith.constant 0 : i32
    %dma_wait3A_32 = arith.constant 0 : i32
    %dma_wait3A_33 = tpu.memref_slice %arg7[%dma_wait3A_31, %dma_wait3A_32] : memref<64x512xf32, #tpu.memory_space<vmem>> -> memref<64x256xf32, #tpu.memory_space<vmem>>
    %dma_wait3A_34 = arith.constant 0 : i32
    %dma_wait3A_35 = tpu.memref_slice %arg2[%dma_wait3A_34, %mul3A_2] : memref<64x16384xf32, #tpu.memory_space<hbm>> -> memref<64x256xf32, #tpu.memory_space<hbm>>
    tpu.wait_dma2 semaphore(%arg12 : memref<!tpu.dma_semaphore, #tpu.memory_space<semaphore_mem>>) src(%dma_wait3A_35 : memref<64x256xf32, #tpu.memory_space<hbm>>) dst(%dma_wait3A_33 : memref<64x256xf32, #tpu.memory_space<vmem>>)
    %scan3A = arith.constant 0 : i32
    %scan3A_36 = arith.constant 0 : i32
    %scan3A_37 = arith.constant 16 : i32
    %scan3A_38 = arith.addi %scan3A_36, %scan3A_37 : i32
    %scan3A_39 = arith.constant 1 : i32
    scf.for %scan3A_57 = %scan3A_36 to %scan3A_38 step %scan3A_39  : i32 {
      %mul3A_58 = arith.constant 16 : i32
      %mul3A_59 = arith.muli %scan3A_57, %mul3A_58 : i32
      %get3A = arith.constant 0 : i32
      %get3A_60 = arith.index_cast %get3A : i32 to index
      %get3A_61 = arith.index_cast %mul3A_59 : i32 to index
      %get3A_62 = tpu.vector_load %arg7[%get3A_60, %get3A_61] {strides = array<i32>} : memref<64x512xf32, #tpu.memory_space<vmem>>, vector<1x16xf32>,
      %get3A_63 = vector.shape_cast %get3A_62 : vector<1x16xf32> to vector<16xf32>
      %broadcast_in_dim3A_64 = arith.constant 0 : i32
      %broadcast_in_dim3A_65 = vector.broadcast %broadcast_in_dim3A_64 : i32 to vector<16xi32>
      %gt3A = arith.cmpf ogt, %get3A_63, %broadcast_in_dim3A_24 : vector<16xf32>
      %min3A = arith.minimumf %broadcast_in_dim3A_24, %get3A_63 : vector<16xf32>
      %select_n3A = arith.select %gt3A, %broadcast_in_dim3A_26, %broadcast_in_dim3A_65 : vector<16xi1>, vector<16xi32>
      %max3A = arith.maximumf %broadcast_in_dim3A_24, %get3A_63 : vector<16xf32>
      %select_n3A_66 = arith.select %gt3A, %broadcast_in_dim3A_65, %broadcast_in_dim3A_26 : vector<16xi1>, vector<16xi32>
      %gt3A_67 = arith.cmpf ogt, %min3A, %broadcast_in_dim3A_24 : vector<16xf32>
      %max3A_68 = arith.maximumf %broadcast_in_dim3A_24, %min3A : vector<16xf32>
      %select_n3A_69 = arith.select %gt3A_67, %select_n3A, %broadcast_in_dim3A_26 : vector<16xi1>, vector<16xi32>
      %get3A_70 = arith.constant 16 : i32
      %get3A_71 = arith.index_cast %get3A_70 : i32 to index
      %get3A_72 = arith.index_cast %mul3A_59 : i32 to index
      %get3A_73 = tpu.vector_load %arg7[%get3A_71, %get3A_72] {strides = array<i32>} : memref<64x512xf32, #tpu.memory_space<vmem>>, vector<1x16xf32>,
      %get3A_74 = vector.shape_cast %get3A_73 : vector<1x16xf32> to vector<16xf32>
      %broadcast_in_dim3A_75 = arith.constant 16 : i32
      %broadcast_in_dim3A_76 = vector.broadcast %broadcast_in_dim3A_75 : i32 to vector<16xi32>
      %gt3A_77 = arith.cmpf ogt, %get3A_74, %broadcast_in_dim3A_24 : vector<16xf32>
      %min3A_78 = arith.minimumf %broadcast_in_dim3A_24, %get3A_74 : vector<16xf32>
      %select_n3A_79 = arith.select %gt3A_77, %broadcast_in_dim3A_26, %broadcast_in_dim3A_76 : vector<16xi1>, vector<16xi32>
      %max3A_80 = arith.maximumf %broadcast_in_dim3A_24, %get3A_74 : vector<16xf32>
      %select_n3A_81 = arith.select %gt3A_77, %broadcast_in_dim3A_76, %broadcast_in_dim3A_26 : vector<16xi1>, vector<16xi32>
      %gt3A_82 = arith.cmpf ogt, %min3A_78, %broadcast_in_dim3A_24 : vector<16xf32>
      %max3A_83 = arith.maximumf %broadcast_in_dim3A_24, %min3A_78 : vector<16xf32>
      %select_n3A_84 = arith.select %gt3A_82, %select_n3A_79, %broadcast_in_dim3A_26 : vector<16xi1>, vector<16xi32>
      %get3A_85 = arith.constant 32 : i32
      %get3A_86 = arith.index_cast %get3A_85 : i32 to index
      %get3A_87 = arith.index_cast %mul3A_59 : i32 to index
      %get3A_88 = tpu.vector_load %arg7[%get3A_86, %get3A_87] {strides = array<i32>} : memref<64x512xf32, #tpu.memory_space<vmem>>, vector<1x16xf32>,
      %get3A_89 = vector.shape_cast %get3A_88 : vector<1x16xf32> to vector<16xf32>
      %broadcast_in_dim3A_90 = arith.constant 32 : i32
      %broadcast_in_dim3A_91 = vector.broadcast %broadcast_in_dim3A_90 : i32 to vector<16xi32>
      %gt3A_92 = arith.cmpf ogt, %get3A_89, %broadcast_in_dim3A_24 : vector<16xf32>
      %min3A_93 = arith.minimumf %broadcast_in_dim3A_24, %get3A_89 : vector<16xf32>
      %select_n3A_94 = arith.select %gt3A_92, %broadcast_in_dim3A_26, %broadcast_in_dim3A_91 : vector<16xi1>, vector<16xi32>
      %max3A_95 = arith.maximumf %broadcast_in_dim3A_24, %get3A_89 : vector<16xf32>
      %select_n3A_96 = arith.select %gt3A_92, %broadcast_in_dim3A_91, %broadcast_in_dim3A_26 : vector<16xi1>, vector<16xi32>
      %gt3A_97 = arith.cmpf ogt, %min3A_93, %broadcast_in_dim3A_24 : vector<16xf32>
      %max3A_98 = arith.maximumf %broadcast_in_dim3A_24, %min3A_93 : vector<16xf32>
      %select_n3A_99 = arith.select %gt3A_97, %select_n3A_94, %broadcast_in_dim3A_26 : vector<16xi1>, vector<16xi32>
      %get3A_100 = arith.constant 48 : i32
      %get3A_101 = arith.index_cast %get3A_100 : i32 to index
      %get3A_102 = arith.index_cast %mul3A_59 : i32 to index
      %get3A_103 = tpu.vector_load %arg7[%get3A_101, %get3A_102] {strides = array<i32>} : memref<64x512xf32, #tpu.memory_space<vmem>>, vector<1x16xf32>,
      %get3A_104 = vector.shape_cast %get3A_103 : vector<1x16xf32> to vector<16xf32>
      %broadcast_in_dim3A_105 = arith.constant 48 : i32
      %broadcast_in_dim3A_106 = vector.broadcast %broadcast_in_dim3A_105 : i32 to vector<16xi32>
      %gt3A_107 = arith.cmpf ogt, %get3A_104, %broadcast_in_dim3A_24 : vector<16xf32>
      %min3A_108 = arith.minimumf %broadcast_in_dim3A_24, %get3A_104 : vector<16xf32>
      %select_n3A_109 = arith.select %gt3A_107, %broadcast_in_dim3A_26, %broadcast_in_dim3A_106 : vector<16xi1>, vector<16xi32>
      %max3A_110 = arith.maximumf %broadcast_in_dim3A_24, %get3A_104 : vector<16xf32>
      %select_n3A_111 = arith.select %gt3A_107, %broadcast_in_dim3A_106, %broadcast_in_dim3A_26 : vector<16xi1>, vector<16xi32>
      %gt3A_112 = arith.cmpf ogt, %min3A_108, %broadcast_in_dim3A_24 : vector<16xf32>
      %max3A_113 = arith.maximumf %broadcast_in_dim3A_24, %min3A_108 : vector<16xf32>
      %select_n3A_114 = arith.select %gt3A_112, %select_n3A_109, %broadcast_in_dim3A_26 : vector<16xi1>, vector<16xi32>
      %get3A_115 = arith.constant 1 : i32
      %get3A_116 = arith.index_cast %get3A_115 : i32 to index
      %get3A_117 = arith.index_cast %mul3A_59 : i32 to index
      %get3A_118 = tpu.vector_load %arg7[%get3A_116, %get3A_117] {strides = array<i32>} : memref<64x512xf32, #tpu.memory_space<vmem>>, vector<1x16xf32>,
      %get3A_119 = vector.shape_cast %get3A_118 : vector<1x16xf32> to vector<16xf32>
      %broadcast_in_dim3A_120 = arith.constant 1 : i32
      %broadcast_in_dim3A_121 = vector.broadcast %broadcast_in_dim3A_120 : i32 to vector<16xi32>
      %gt3A_122 = arith.cmpf ogt, %get3A_119, %max3A : vector<16xf32>
      %min3A_123 = arith.minimumf %max3A, %get3A_119 : vector<16xf32>
      %select_n3A_124 = arith.select %gt3A_122, %select_n3A_66, %broadcast_in_dim3A_121 : vector<16xi1>, vector<16xi32>
      %max3A_125 = arith.maximumf %max3A, %get3A_119 : vector<16xf32>
      %select_n3A_126 = arith.select %gt3A_122, %broadcast_in_dim3A_121, %select_n3A_66 : vector<16xi1>, vector<16xi32>
      %gt3A_127 = arith.cmpf ogt, %min3A_123, %max3A_68 : vector<16xf32>
      %max3A_128 = arith.maximumf %max3A_68, %min3A_123 : vector<16xf32>
      %select_n3A_129 = arith.select %gt3A_127, %select_n3A_124, %select_n3A_69 : vector<16xi1>, vector<16xi32>
      %get3A_130 = arith.constant 17 : i32
      %get3A_131 = arith.index_cast %get3A_130 : i32 to index
      %get3A_132 = arith.index_cast %mul3A_59 : i32 to index
      %get3A_133 = tpu.vector_load %arg7[%get3A_131, %get3A_132] {strides = array<i32>} : memref<64x512xf32, #tpu.memory_space<vmem>>, vector<1x16xf32>,
      %get3A_134 = vector.shape_cast %get3A_133 : vector<1x16xf32> to vector<16xf32>
      %broadcast_in_dim3A_135 = arith.constant 17 : i32
      %broadcast_in_dim3A_136 = vector.broadcast %broadcast_in_dim3A_135 : i32 to vector<16xi32>
      %gt3A_137 = arith.cmpf ogt, %get3A_134, %max3A_80 : vector<16xf32>
      %min3A_138 = arith.minimumf %max3A_80, %get3A_134 : vector<16xf32>
      %select_n3A_139 = arith.select %gt3A_137, %select_n3A_81, %broadcast_in_dim3A_136 : vector<16xi1>, vector<16xi32>
      %max3A_140 = arith.maximumf %max3A_80, %get3A_134 : vector<16xf32>
      %select_n3A_141 = arith.select %gt3A_137, %broadcast_in_dim3A_136, %select_n3A_81 : vector<16xi1>, vector<16xi32>
      %gt3A_142 = arith.cmpf ogt, %min3A_138, %max3A_83 : vector<16xf32>
      %max3A_143 = arith.maximumf %max3A_83, %min3A_138 : vector<16xf32>
      %select_n3A_144 = arith.select %gt3A_142, %select_n3A_139, %select_n3A_84 : vector<16xi1>, vector<16xi32>
      %get3A_145 = arith.constant 33 : i32
      %get3A_146 = arith.index_cast %get3A_145 : i32 to index
      %get3A_147 = arith.index_cast %mul3A_59 : i32 to index
      %get3A_148 = tpu.vector_load %arg7[%get3A_146, %get3A_147] {strides = array<i32>} : memref<64x512xf32, #tpu.memory_space<vmem>>, vector<1x16xf32>,
      %get3A_149 = vector.shape_cast %get3A_148 : vector<1x16xf32> to vector<16xf32>
      %broadcast_in_dim3A_150 = arith.constant 33 : i32
      %broadcast_in_dim3A_151 = vector.broadcast %broadcast_in_dim3A_150 : i32 to vector<16xi32>
      %gt3A_152 = arith.cmpf ogt, %get3A_149, %max3A_95 : vector<16xf32>
      %min3A_153 = arith.minimumf %max3A_95, %get3A_149 : vector<16xf32>
      %select_n3A_154 = arith.select %gt3A_152, %select_n3A_96, %broadcast_in_dim3A_151 : vector<16xi1>, vector<16xi32>
      %max3A_155 = arith.maximumf %max3A_95, %get3A_149 : vector<16xf32>
      %select_n3A_156 = arith.select %gt3A_152, %broadcast_in_dim3A_151, %select_n3A_96 : vector<16xi1>, vector<16xi32>
      %gt3A_157 = arith.cmpf ogt, %min3A_153, %max3A_98 : vector<16xf32>
      %max3A_158 = arith.maximumf %max3A_98, %min3A_153 : vector<16xf32>
      %select_n3A_159 = arith.select %gt3A_157, %select_n3A_154, %select_n3A_99 : vector<16xi1>, vector<16xi32>
      %get3A_160 = arith.constant 49 : i32
      %get3A_161 = arith.index_cast %get3A_160 : i32 to index
      %get3A_162 = arith.index_cast %mul3A_59 : i32 to index
      %get3A_163 = tpu.vector_load %arg7[%get3A_161, %get3A_162] {strides = array<i32>} : memref<64x512xf32, #tpu.memory_space<vmem>>, vector<1x16xf32>,
      %get3A_164 = vector.shape_cast %get3A_163 : vector<1x16xf32> to vector<16xf32>
      %broadcast_in_dim3A_165 = arith.constant 49 : i32
      %broadcast_in_dim3A_166 = vector.broadcast %broadcast_in_dim3A_165 : i32 to vector<16xi32>
      %gt3A_167 = arith.cmpf ogt, %get3A_164, %max3A_110 : vector<16xf32>
      %min3A_168 = arith.minimumf %max3A_110, %get3A_164 : vector<16xf32>
      %select_n3A_169 = arith.select %gt3A_167, %select_n3A_111, %broadcast_in_dim3A_166 : vector<16xi1>, vector<16xi32>
      %max3A_170 = arith.maximumf %max3A_110, %get3A_164 : vector<16xf32>
      %select_n3A_171 = arith.select %gt3A_167, %broadcast_in_dim3A_166, %select_n3A_111 : vector<16xi1>, vector<16xi32>
      %gt3A_172 = arith.cmpf ogt, %min3A_168, %max3A_113 : vector<16xf32>
      %max3A_173 = arith.maximumf %max3A_113, %min3A_168 : vector<16xf32>
      %select_n3A_174 = arith.select %gt3A_172, %select_n3A_169, %select_n3A_114 : vector<16xi1>, vector<16xi32>
      %get3A_175 = arith.constant 2 : i32
      %get3A_176 = arith.index_cast %get3A_175 : i32 to index
      %get3A_177 = arith.index_cast %mul3A_59 : i32 to index
      %get3A_178 = tpu.vector_load %arg7[%get3A_176, %get3A_177] {strides = array<i32>} : memref<64x512xf32, #tpu.memory_space<vmem>>, vector<1x16xf32>,
      %get3A_179 = vector.shape_cast %get3A_178 : vector<1x16xf32> to vector<16xf32>
      %broadcast_in_dim3A_180 = arith.constant 2 : i32
      %broadcast_in_dim3A_181 = vector.broadcast %broadcast_in_dim3A_180 : i32 to vector<16xi32>
      %gt3A_182 = arith.cmpf ogt, %get3A_179, %max3A_125 : vector<16xf32>
      %min3A_183 = arith.minimumf %max3A_125, %get3A_179 : vector<16xf32>
      %select_n3A_184 = arith.select %gt3A_182, %select_n3A_126, %broadcast_in_dim3A_181 : vector<16xi1>, vector<16xi32>
      %max3A_185 = arith.maximumf %max3A_125, %get3A_179 : vector<16xf32>
      %select_n3A_186 = arith.select %gt3A_182, %broadcast_in_dim3A_181, %select_n3A_126 : vector<16xi1>, vector<16xi32>
      %gt3A_187 = arith.cmpf ogt, %min3A_183, %max3A_128 : vector<16xf32>
      %max3A_188 = arith.maximumf %max3A_128, %min3A_183 : vector<16xf32>
      %select_n3A_189 = arith.select %gt3A_187, %select_n3A_184, %select_n3A_129 : vector<16xi1>, vector<16xi32>
      %get3A_190 = arith.constant 18 : i32
      %get3A_191 = arith.index_cast %get3A_190 : i32 to index
      %get3A_192 = arith.index_cast %mul3A_59 : i32 to index
      %get3A_193 = tpu.vector_load %arg7[%get3A_191, %get3A_192] {strides = array<i32>} : memref<64x512xf32, #tpu.memory_space<vmem>>, vector<1x16xf32>,
      %get3A_194 = vector.shape_cast %get3A_193 : vector<1x16xf32> to vector<16xf32>
      %broadcast_in_dim3A_195 = arith.constant 18 : i32
      %broadcast_in_dim3A_196 = vector.broadcast %broadcast_in_dim3A_195 : i32 to vector<16xi32>
      %gt3A_197 = arith.cmpf ogt, %get3A_194, %max3A_140 : vector<16xf32>
      %min3A_198 = arith.minimumf %max3A_140, %get3A_194 : vector<16xf32>
      %select_n3A_199 = arith.select %gt3A_197, %select_n3A_141, %broadcast_in_dim3A_196 : vector<16xi1>, vector<16xi32>
      %max3A_200 = arith.maximumf %max3A_140, %get3A_194 : vector<16xf32>
      %select_n3A_201 = arith.select %gt3A_197, %broadcast_in_dim3A_196, %select_n3A_141 : vector<16xi1>, vector<16xi32>
      %gt3A_202 = arith.cmpf ogt, %min3A_198, %max3A_143 : vector<16xf32>
      %max3A_203 = arith.maximumf %max3A_143, %min3A_198 : vector<16xf32>
      %select_n3A_204 = arith.select %gt3A_202, %select_n3A_199, %select_n3A_144 : vector<16xi1>, vector<16xi32>
      %get3A_205 = arith.constant 34 : i32
      %get3A_206 = arith.index_cast %get3A_205 : i32 to index
      %get3A_207 = arith.index_cast %mul3A_59 : i32 to index
      %get3A_208 = tpu.vector_load %arg7[%get3A_206, %get3A_207] {strides = array<i32>} : memref<64x512xf32, #tpu.memory_space<vmem>>, vector<1x16xf32>,
      %get3A_209 = vector.shape_cast %get3A_208 : vector<1x16xf32> to vector<16xf32>
      %broadcast_in_dim3A_210 = arith.constant 34 : i32
      %broadcast_in_dim3A_211 = vector.broadcast %broadcast_in_dim3A_210 : i32 to vector<16xi32>
      %gt3A_212 = arith.cmpf ogt, %get3A_209, %max3A_155 : vector<16xf32>
      %min3A_213 = arith.minimumf %max3A_155, %get3A_209 : vector<16xf32>
      %select_n3A_214 = arith.select %gt3A_212, %select_n3A_156, %broadcast_in_dim3A_211 : vector<16xi1>, vector<16xi32>
      %max3A_215 = arith.maximumf %max3A_155, %get3A_209 : vector<16xf32>
      %select_n3A_216 = arith.select %gt3A_212, %broadcast_in_dim3A_211, %select_n3A_156 : vector<16xi1>, vector<16xi32>
      %gt3A_217 = arith.cmpf ogt, %min3A_213, %max3A_158 : vector<16xf32>
      %max3A_218 = arith.maximumf %max3A_158, %min3A_213 : vector<16xf32>
      %select_n3A_219 = arith.select %gt3A_217, %select_n3A_214, %select_n3A_159 : vector<16xi1>, vector<16xi32>
      %get3A_220 = arith.constant 50 : i32
      %get3A_221 = arith.index_cast %get3A_220 : i32 to index
      %get3A_222 = arith.index_cast %mul3A_59 : i32 to index
      %get3A_223 = tpu.vector_load %arg7[%get3A_221, %get3A_222] {strides = array<i32>} : memref<64x512xf32, #tpu.memory_space<vmem>>, vector<1x16xf32>,
      %get3A_224 = vector.shape_cast %get3A_223 : vector<1x16xf32> to vector<16xf32>
      %broadcast_in_dim3A_225 = arith.constant 50 : i32
      %broadcast_in_dim3A_226 = vector.broadcast %broadcast_in_dim3A_225 : i32 to vector<16xi32>
      %gt3A_227 = arith.cmpf ogt, %get3A_224, %max3A_170 : vector<16xf32>
      %min3A_228 = arith.minimumf %max3A_170, %get3A_224 : vector<16xf32>
      %select_n3A_229 = arith.select %gt3A_227, %select_n3A_171, %broadcast_in_dim3A_226 : vector<16xi1>, vector<16xi32>
      %max3A_230 = arith.maximumf %max3A_170, %get3A_224 : vector<16xf32>
      %select_n3A_231 = arith.select %gt3A_227, %broadcast_in_dim3A_226, %select_n3A_171 : vector<16xi1>, vector<16xi32>
      %gt3A_232 = arith.cmpf ogt, %min3A_228, %max3A_173 : vector<16xf32>
      %max3A_233 = arith.maximumf %max3A_173, %min3A_228 : vector<16xf32>
      %select_n3A_234 = arith.select %gt3A_232, %select_n3A_229, %select_n3A_174 : vector<16xi1>, vector<16xi32>
      %get3A_235 = arith.constant 3 : i32
      %get3A_236 = arith.index_cast %get3A_235 : i32 to index
      %get3A_237 = arith.index_cast %mul3A_59 : i32 to index
      %get3A_238 = tpu.vector_load %arg7[%get3A_236, %get3A_237] {strides = array<i32>} : memref<64x512xf32, #tpu.memory_space<vmem>>, vector<1x16xf32>,
      %get3A_239 = vector.shape_cast %get3A_238 : vector<1x16xf32> to vector<16xf32>
      %broadcast_in_dim3A_240 = arith.constant 3 : i32
      %broadcast_in_dim3A_241 = vector.broadcast %broadcast_in_dim3A_240 : i32 to vector<16xi32>
      %gt3A_242 = arith.cmpf ogt, %get3A_239, %max3A_185 : vector<16xf32>
      %min3A_243 = arith.minimumf %max3A_185, %get3A_239 : vector<16xf32>
      %select_n3A_244 = arith.select %gt3A_242, %select_n3A_186, %broadcast_in_dim3A_241 : vector<16xi1>, vector<16xi32>
      %max3A_245 = arith.maximumf %max3A_185, %get3A_239 : vector<16xf32>
      %select_n3A_246 = arith.select %gt3A_242, %broadcast_in_dim3A_241, %select_n3A_186 : vector<16xi1>, vector<16xi32>
      %gt3A_247 = arith.cmpf ogt, %min3A_243, %max3A_188 : vector<16xf32>
      %max3A_248 = arith.maximumf %max3A_188, %min3A_243 : vector<16xf32>
      %select_n3A_249 = arith.select %gt3A_247, %select_n3A_244, %select_n3A_189 : vector<16xi1>, vector<16xi32>
      %get3A_250 = arith.constant 19 : i32
      %get3A_251 = arith.index_cast %get3A_250 : i32 to index
      %get3A_252 = arith.index_cast %mul3A_59 : i32 to index
      %get3A_253 = tpu.vector_load %arg7[%get3A_251, %get3A_252] {strides = array<i32>} : memref<64x512xf32, #tpu.memory_space<vmem>>, vector<1x16xf32>,
      %get3A_254 = vector.shape_cast %get3A_253 : vector<1x16xf32> to vector<16xf32>
      %broadcast_in_dim3A_255 = arith.constant 19 : i32
      %broadcast_in_dim3A_256 = vector.broadcast %broadcast_in_dim3A_255 : i32 to vector<16xi32>
      %gt3A_257 = arith.cmpf ogt, %get3A_254, %max3A_200 : vector<16xf32>
      %min3A_258 = arith.minimumf %max3A_200, %get3A_254 : vector<16xf32>
      %select_n3A_259 = arith.select %gt3A_257, %select_n3A_201, %broadcast_in_dim3A_256 : vector<16xi1>, vector<16xi32>
      %max3A_260 = arith.maximumf %max3A_200, %get3A_254 : vector<16xf32>
      %select_n3A_261 = arith.select %gt3A_257, %broadcast_in_dim3A_256, %select_n3A_201 : vector<16xi1>, vector<16xi32>
      %gt3A_262 = arith.cmpf ogt, %min3A_258, %max3A_203 : vector<16xf32>
      %max3A_263 = arith.maximumf %max3A_203, %min3A_258 : vector<16xf32>
      %select_n3A_264 = arith.select %gt3A_262, %select_n3A_259, %select_n3A_204 : vector<16xi1>, vector<16xi32>
      %get3A_265 = arith.constant 35 : i32
      %get3A_266 = arith.index_cast %get3A_265 : i32 to index
      %get3A_267 = arith.index_cast %mul3A_59 : i32 to index
      %get3A_268 = tpu.vector_load %arg7[%get3A_266, %get3A_267] {strides = array<i32>} : memref<64x512xf32, #tpu.memory_space<vmem>>, vector<1x16xf32>,
      %get3A_269 = vector.shape_cast %get3A_268 : vector<1x16xf32> to vector<16xf32>
      %broadcast_in_dim3A_270 = arith.constant 35 : i32
      %broadcast_in_dim3A_271 = vector.broadcast %broadcast_in_dim3A_270 : i32 to vector<16xi32>
      %gt3A_272 = arith.cmpf ogt, %get3A_269, %max3A_215 : vector<16xf32>
      %min3A_273 = arith.minimumf %max3A_215, %get3A_269 : vector<16xf32>
      %select_n3A_274 = arith.select %gt3A_272, %select_n3A_216, %broadcast_in_dim3A_271 : vector<16xi1>, vector<16xi32>
      %max3A_275 = arith.maximumf %max3A_215, %get3A_269 : vector<16xf32>
      %select_n3A_276 = arith.select %gt3A_272, %broadcast_in_dim3A_271, %select_n3A_216 : vector<16xi1>, vector<16xi32>
      %gt3A_277 = arith.cmpf ogt, %min3A_273, %max3A_218 : vector<16xf32>
      %max3A_278 = arith.maximumf %max3A_218, %min3A_273 : vector<16xf32>
      %select_n3A_279 = arith.select %gt3A_277, %select_n3A_274, %select_n3A_219 : vector<16xi1>, vector<16xi32>
      %get3A_280 = arith.constant 51 : i32
      %get3A_281 = arith.index_cast %get3A_280 : i32 to index
      %get3A_282 = arith.index_cast %mul3A_59 : i32 to index
      %get3A_283 = tpu.vector_load %arg7[%get3A_281, %get3A_282] {strides = array<i32>} : memref<64x512xf32, #tpu.memory_space<vmem>>, vector<1x16xf32>,
      %get3A_284 = vector.shape_cast %get3A_283 : vector<1x16xf32> to vector<16xf32>
      %broadcast_in_dim3A_285 = arith.constant 51 : i32
      %broadcast_in_dim3A_286 = vector.broadcast %broadcast_in_dim3A_285 : i32 to vector<16xi32>
      %gt3A_287 = arith.cmpf ogt, %get3A_284, %max3A_230 : vector<16xf32>
      %min3A_288 = arith.minimumf %max3A_230, %get3A_284 : vector<16xf32>
      %select_n3A_289 = arith.select %gt3A_287, %select_n3A_231, %broadcast_in_dim3A_286 : vector<16xi1>, vector<16xi32>
      %max3A_290 = arith.maximumf %max3A_230, %get3A_284 : vector<16xf32>
      %select_n3A_291 = arith.select %gt3A_287, %broadcast_in_dim3A_286, %select_n3A_231 : vector<16xi1>, vector<16xi32>
      %gt3A_292 = arith.cmpf ogt, %min3A_288, %max3A_233 : vector<16xf32>
      %max3A_293 = arith.maximumf %max3A_233, %min3A_288 : vector<16xf32>
      %select_n3A_294 = arith.select %gt3A_292, %select_n3A_289, %select_n3A_234 : vector<16xi1>, vector<16xi32>
      %get3A_295 = arith.constant 4 : i32
      %get3A_296 = arith.index_cast %get3A_295 : i32 to index
      %get3A_297 = arith.index_cast %mul3A_59 : i32 to index
      %get3A_298 = tpu.vector_load %arg7[%get3A_296, %get3A_297] {strides = array<i32>} : memref<64x512xf32, #tpu.memory_space<vmem>>, vector<1x16xf32>,
      %get3A_299 = vector.shape_cast %get3A_298 : vector<1x16xf32> to vector<16xf32>
      %broadcast_in_dim3A_300 = arith.constant 4 : i32
      %broadcast_in_dim3A_301 = vector.broadcast %broadcast_in_dim3A_300 : i32 to vector<16xi32>
      %gt3A_302 = arith.cmpf ogt, %get3A_299, %max3A_245 : vector<16xf32>
      %min3A_303 = arith.minimumf %max3A_245, %get3A_299 : vector<16xf32>
      %select_n3A_304 = arith.select %gt3A_302, %select_n3A_246, %broadcast_in_dim3A_301 : vector<16xi1>, vector<16xi32>
      %max3A_305 = arith.maximumf %max3A_245, %get3A_299 : vector<16xf32>
      %select_n3A_306 = arith.select %gt3A_302, %broadcast_in_dim3A_301, %select_n3A_246 : vector<16xi1>, vector<16xi32>
      %gt3A_307 = arith.cmpf ogt, %min3A_303, %max3A_248 : vector<16xf32>
      %max3A_308 = arith.maximumf %max3A_248, %min3A_303 : vector<16xf32>
      %select_n3A_309 = arith.select %gt3A_307, %select_n3A_304, %select_n3A_249 : vector<16xi1>, vector<16xi32>
      %get3A_310 = arith.constant 20 : i32
      %get3A_311 = arith.index_cast %get3A_310 : i32 to index
      %get3A_312 = arith.index_cast %mul3A_59 : i32 to index
      %get3A_313 = tpu.vector_load %arg7[%get3A_311, %get3A_312] {strides = array<i32>} : memref<64x512xf32, #tpu.memory_space<vmem>>, vector<1x16xf32>,
      %get3A_314 = vector.shape_cast %get3A_313 : vector<1x16xf32> to vector<16xf32>
      %broadcast_in_dim3A_315 = arith.constant 20 : i32
      %broadcast_in_dim3A_316 = vector.broadcast %broadcast_in_dim3A_315 : i32 to vector<16xi32>
      %gt3A_317 = arith.cmpf ogt, %get3A_314, %max3A_260 : vector<16xf32>
      %min3A_318 = arith.minimumf %max3A_260, %get3A_314 : vector<16xf32>
      %select_n3A_319 = arith.select %gt3A_317, %select_n3A_261, %broadcast_in_dim3A_316 : vector<16xi1>, vector<16xi32>
      %max3A_320 = arith.maximumf %max3A_260, %get3A_314 : vector<16xf32>
      %select_n3A_321 = arith.select %gt3A_317, %broadcast_in_dim3A_316, %select_n3A_261 : vector<16xi1>, vector<16xi32>
      %gt3A_322 = arith.cmpf ogt, %min3A_318, %max3A_263 : vector<16xf32>
      %max3A_323 = arith.maximumf %max3A_263, %min3A_318 : vector<16xf32>
      %select_n3A_324 = arith.select %gt3A_322, %select_n3A_319, %select_n3A_264 : vector<16xi1>, vector<16xi32>
      %get3A_325 = arith.constant 36 : i32
      %get3A_326 = arith.index_cast %get3A_325 : i32 to index
      %get3A_327 = arith.index_cast %mul3A_59 : i32 to index
      %get3A_328 = tpu.vector_load %arg7[%get3A_326, %get3A_327] {strides = array<i32>} : memref<64x512xf32, #tpu.memory_space<vmem>>, vector<1x16xf32>,
      %get3A_329 = vector.shape_cast %get3A_328 : vector<1x16xf32> to vector<16xf32>
      %broadcast_in_dim3A_330 = arith.constant 36 : i32
      %broadcast_in_dim3A_331 = vector.broadcast %broadcast_in_dim3A_330 : i32 to vector<16xi32>
      %gt3A_332 = arith.cmpf ogt, %get3A_329, %max3A_275 : vector<16xf32>
      %min3A_333 = arith.minimumf %max3A_275, %get3A_329 : vector<16xf32>
      %select_n3A_334 = arith.select %gt3A_332, %select_n3A_276, %broadcast_in_dim3A_331 : vector<16xi1>, vector<16xi32>
      %max3A_335 = arith.maximumf %max3A_275, %get3A_329 : vector<16xf32>
      %select_n3A_336 = arith.select %gt3A_332, %broadcast_in_dim3A_331, %select_n3A_276 : vector<16xi1>, vector<16xi32>
      %gt3A_337 = arith.cmpf ogt, %min3A_333, %max3A_278 : vector<16xf32>
      %max3A_338 = arith.maximumf %max3A_278, %min3A_333 : vector<16xf32>
      %select_n3A_339 = arith.select %gt3A_337, %select_n3A_334, %select_n3A_279 : vector<16xi1>, vector<16xi32>
      %get3A_340 = arith.constant 52 : i32
      %get3A_341 = arith.index_cast %get3A_340 : i32 to index
      %get3A_342 = arith.index_cast %mul3A_59 : i32 to index
      %get3A_343 = tpu.vector_load %arg7[%get3A_341, %get3A_342] {strides = array<i32>} : memref<64x512xf32, #tpu.memory_space<vmem>>, vector<1x16xf32>,
      %get3A_344 = vector.shape_cast %get3A_343 : vector<1x16xf32> to vector<16xf32>
      %broadcast_in_dim3A_345 = arith.constant 52 : i32
      %broadcast_in_dim3A_346 = vector.broadcast %broadcast_in_dim3A_345 : i32 to vector<16xi32>
      %gt3A_347 = arith.cmpf ogt, %get3A_344, %max3A_290 : vector<16xf32>
      %min3A_348 = arith.minimumf %max3A_290, %get3A_344 : vector<16xf32>
      %select_n3A_349 = arith.select %gt3A_347, %select_n3A_291, %broadcast_in_dim3A_346 : vector<16xi1>, vector<16xi32>
      %max3A_350 = arith.maximumf %max3A_290, %get3A_344 : vector<16xf32>
      %select_n3A_351 = arith.select %gt3A_347, %broadcast_in_dim3A_346, %select_n3A_291 : vector<16xi1>, vector<16xi32>
      %gt3A_352 = arith.cmpf ogt, %min3A_348, %max3A_293 : vector<16xf32>
      %max3A_353 = arith.maximumf %max3A_293, %min3A_348 : vector<16xf32>
      %select_n3A_354 = arith.select %gt3A_352, %select_n3A_349, %select_n3A_294 : vector<16xi1>, vector<16xi32>
      %get3A_355 = arith.constant 5 : i32
      %get3A_356 = arith.index_cast %get3A_355 : i32 to index
      %get3A_357 = arith.index_cast %mul3A_59 : i32 to index
      %get3A_358 = tpu.vector_load %arg7[%get3A_356, %get3A_357] {strides = array<i32>} : memref<64x512xf32, #tpu.memory_space<vmem>>, vector<1x16xf32>,
      %get3A_359 = vector.shape_cast %get3A_358 : vector<1x16xf32> to vector<16xf32>
      %broadcast_in_dim3A_360 = arith.constant 5 : i32
      %broadcast_in_dim3A_361 = vector.broadcast %broadcast_in_dim3A_360 : i32 to vector<16xi32>
      %gt3A_362 = arith.cmpf ogt, %get3A_359, %max3A_305 : vector<16xf32>
      %min3A_363 = arith.minimumf %max3A_305, %get3A_359 : vector<16xf32>
      %select_n3A_364 = arith.select %gt3A_362, %select_n3A_306, %broadcast_in_dim3A_361 : vector<16xi1>, vector<16xi32>
      %max3A_365 = arith.maximumf %max3A_305, %get3A_359 : vector<16xf32>
      %select_n3A_366 = arith.select %gt3A_362, %broadcast_in_dim3A_361, %select_n3A_306 : vector<16xi1>, vector<16xi32>
      %gt3A_367 = arith.cmpf ogt, %min3A_363, %max3A_308 : vector<16xf32>
      %max3A_368 = arith.maximumf %max3A_308, %min3A_363 : vector<16xf32>
      %select_n3A_369 = arith.select %gt3A_367, %select_n3A_364, %select_n3A_309 : vector<16xi1>, vector<16xi32>
      %get3A_370 = arith.constant 21 : i32
      %get3A_371 = arith.index_cast %get3A_370 : i32 to index
      %get3A_372 = arith.index_cast %mul3A_59 : i32 to index
      %get3A_373 = tpu.vector_load %arg7[%get3A_371, %get3A_372] {strides = array<i32>} : memref<64x512xf32, #tpu.memory_space<vmem>>, vector<1x16xf32>,
      %get3A_374 = vector.shape_cast %get3A_373 : vector<1x16xf32> to vector<16xf32>
      %broadcast_in_dim3A_375 = arith.constant 21 : i32
      %broadcast_in_dim3A_376 = vector.broadcast %broadcast_in_dim3A_375 : i32 to vector<16xi32>
      %gt3A_377 = arith.cmpf ogt, %get3A_374, %max3A_320 : vector<16xf32>
      %min3A_378 = arith.minimumf %max3A_320, %get3A_374 : vector<16xf32>
      %select_n3A_379 = arith.select %gt3A_377, %select_n3A_321, %broadcast_in_dim3A_376 : vector<16xi1>, vector<16xi32>
      %max3A_380 = arith.maximumf %max3A_320, %get3A_374 : vector<16xf32>
      %select_n3A_381 = arith.select %gt3A_377, %broadcast_in_dim3A_376, %select_n3A_321 : vector<16xi1>, vector<16xi32>
      %gt3A_382 = arith.cmpf ogt, %min3A_378, %max3A_323 : vector<16xf32>
      %max3A_383 = arith.maximumf %max3A_323, %min3A_378 : vector<16xf32>
      %select_n3A_384 = arith.select %gt3A_382, %select_n3A_379, %select_n3A_324 : vector<16xi1>, vector<16xi32>
      %get3A_385 = arith.constant 37 : i32
      %get3A_386 = arith.index_cast %get3A_385 : i32 to index
      %get3A_387 = arith.index_cast %mul3A_59 : i32 to index
      %get3A_388 = tpu.vector_load %arg7[%get3A_386, %get3A_387] {strides = array<i32>} : memref<64x512xf32, #tpu.memory_space<vmem>>, vector<1x16xf32>,
      %get3A_389 = vector.shape_cast %get3A_388 : vector<1x16xf32> to vector<16xf32>
      %broadcast_in_dim3A_390 = arith.constant 37 : i32
      %broadcast_in_dim3A_391 = vector.broadcast %broadcast_in_dim3A_390 : i32 to vector<16xi32>
      %gt3A_392 = arith.cmpf ogt, %get3A_389, %max3A_335 : vector<16xf32>
      %min3A_393 = arith.minimumf %max3A_335, %get3A_389 : vector<16xf32>
      %select_n3A_394 = arith.select %gt3A_392, %select_n3A_336, %broadcast_in_dim3A_391 : vector<16xi1>, vector<16xi32>
      %max3A_395 = arith.maximumf %max3A_335, %get3A_389 : vector<16xf32>
      %select_n3A_396 = arith.select %gt3A_392, %broadcast_in_dim3A_391, %select_n3A_336 : vector<16xi1>, vector<16xi32>
      %gt3A_397 = arith.cmpf ogt, %min3A_393, %max3A_338 : vector<16xf32>
      %max3A_398 = arith.maximumf %max3A_338, %min3A_393 : vector<16xf32>
      %select_n3A_399 = arith.select %gt3A_397, %select_n3A_394, %select_n3A_339 : vector<16xi1>, vector<16xi32>
      %get3A_400 = arith.constant 53 : i32
      %get3A_401 = arith.index_cast %get3A_400 : i32 to index
      %get3A_402 = arith.index_cast %mul3A_59 : i32 to index
      %get3A_403 = tpu.vector_load %arg7[%get3A_401, %get3A_402] {strides = array<i32>} : memref<64x512xf32, #tpu.memory_space<vmem>>, vector<1x16xf32>,
      %get3A_404 = vector.shape_cast %get3A_403 : vector<1x16xf32> to vector<16xf32>
      %broadcast_in_dim3A_405 = arith.constant 53 : i32
      %broadcast_in_dim3A_406 = vector.broadcast %broadcast_in_dim3A_405 : i32 to vector<16xi32>
      %gt3A_407 = arith.cmpf ogt, %get3A_404, %max3A_350 : vector<16xf32>
      %min3A_408 = arith.minimumf %max3A_350, %get3A_404 : vector<16xf32>
      %select_n3A_409 = arith.select %gt3A_407, %select_n3A_351, %broadcast_in_dim3A_406 : vector<16xi1>, vector<16xi32>
      %max3A_410 = arith.maximumf %max3A_350, %get3A_404 : vector<16xf32>
      %select_n3A_411 = arith.select %gt3A_407, %broadcast_in_dim3A_406, %select_n3A_351 : vector<16xi1>, vector<16xi32>
      %gt3A_412 = arith.cmpf ogt, %min3A_408, %max3A_353 : vector<16xf32>
      %max3A_413 = arith.maximumf %max3A_353, %min3A_408 : vector<16xf32>
      %select_n3A_414 = arith.select %gt3A_412, %select_n3A_409, %select_n3A_354 : vector<16xi1>, vector<16xi32>
      %get3A_415 = arith.constant 6 : i32
      %get3A_416 = arith.index_cast %get3A_415 : i32 to index
      %get3A_417 = arith.index_cast %mul3A_59 : i32 to index
      %get3A_418 = tpu.vector_load %arg7[%get3A_416, %get3A_417] {strides = array<i32>} : memref<64x512xf32, #tpu.memory_space<vmem>>, vector<1x16xf32>,
      %get3A_419 = vector.shape_cast %get3A_418 : vector<1x16xf32> to vector<16xf32>
      %broadcast_in_dim3A_420 = arith.constant 6 : i32
      %broadcast_in_dim3A_421 = vector.broadcast %broadcast_in_dim3A_420 : i32 to vector<16xi32>
      %gt3A_422 = arith.cmpf ogt, %get3A_419, %max3A_365 : vector<16xf32>
      %min3A_423 = arith.minimumf %max3A_365, %get3A_419 : vector<16xf32>
      %select_n3A_424 = arith.select %gt3A_422, %select_n3A_366, %broadcast_in_dim3A_421 : vector<16xi1>, vector<16xi32>
      %max3A_425 = arith.maximumf %max3A_365, %get3A_419 : vector<16xf32>
      %select_n3A_426 = arith.select %gt3A_422, %broadcast_in_dim3A_421, %select_n3A_366 : vector<16xi1>, vector<16xi32>
      %gt3A_427 = arith.cmpf ogt, %min3A_423, %max3A_368 : vector<16xf32>
      %max3A_428 = arith.maximumf %max3A_368, %min3A_423 : vector<16xf32>
      %select_n3A_429 = arith.select %gt3A_427, %select_n3A_424, %select_n3A_369 : vector<16xi1>, vector<16xi32>
      %get3A_430 = arith.constant 22 : i32
      %get3A_431 = arith.index_cast %get3A_430 : i32 to index
      %get3A_432 = arith.index_cast %mul3A_59 : i32 to index
      %get3A_433 = tpu.vector_load %arg7[%get3A_431, %get3A_432] {strides = array<i32>} : memref<64x512xf32, #tpu.memory_space<vmem>>, vector<1x16xf32>,
      %get3A_434 = vector.shape_cast %get3A_433 : vector<1x16xf32> to vector<16xf32>
      %broadcast_in_dim3A_435 = arith.constant 22 : i32
      %broadcast_in_dim3A_436 = vector.broadcast %broadcast_in_dim3A_435 : i32 to vector<16xi32>
      %gt3A_437 = arith.cmpf ogt, %get3A_434, %max3A_380 : vector<16xf32>
      %min3A_438 = arith.minimumf %max3A_380, %get3A_434 : vector<16xf32>
      %select_n3A_439 = arith.select %gt3A_437, %select_n3A_381, %broadcast_in_dim3A_436 : vector<16xi1>, vector<16xi32>
      %max3A_440 = arith.maximumf %max3A_380, %get3A_434 : vector<16xf32>
      %select_n3A_441 = arith.select %gt3A_437, %broadcast_in_dim3A_436, %select_n3A_381 : vector<16xi1>, vector<16xi32>
      %gt3A_442 = arith.cmpf ogt, %min3A_438, %max3A_383 : vector<16xf32>
      %max3A_443 = arith.maximumf %max3A_383, %min3A_438 : vector<16xf32>
      %select_n3A_444 = arith.select %gt3A_442, %select_n3A_439, %select_n3A_384 : vector<16xi1>, vector<16xi32>
      %get3A_445 = arith.constant 38 : i32
      %get3A_446 = arith.index_cast %get3A_445 : i32 to index
      %get3A_447 = arith.index_cast %mul3A_59 : i32 to index
      %get3A_448 = tpu.vector_load %arg7[%get3A_446, %get3A_447] {strides = array<i32>} : memref<64x512xf32, #tpu.memory_space<vmem>>, vector<1x16xf32>,
      %get3A_449 = vector.shape_cast %get3A_448 : vector<1x16xf32> to vector<16xf32>
      %broadcast_in_dim3A_450 = arith.constant 38 : i32
      %broadcast_in_dim3A_451 = vector.broadcast %broadcast_in_dim3A_450 : i32 to vector<16xi32>
      %gt3A_452 = arith.cmpf ogt, %get3A_449, %max3A_395 : vector<16xf32>
      %min3A_453 = arith.minimumf %max3A_395, %get3A_449 : vector<16xf32>
      %select_n3A_454 = arith.select %gt3A_452, %select_n3A_396, %broadcast_in_dim3A_451 : vector<16xi1>, vector<16xi32>
      %max3A_455 = arith.maximumf %max3A_395, %get3A_449 : vector<16xf32>
      %select_n3A_456 = arith.select %gt3A_452, %broadcast_in_dim3A_451, %select_n3A_396 : vector<16xi1>, vector<16xi32>
      %gt3A_457 = arith.cmpf ogt, %min3A_453, %max3A_398 : vector<16xf32>
      %max3A_458 = arith.maximumf %max3A_398, %min3A_453 : vector<16xf32>
      %select_n3A_459 = arith.select %gt3A_457, %select_n3A_454, %select_n3A_399 : vector<16xi1>, vector<16xi32>
      %get3A_460 = arith.constant 54 : i32
      %get3A_461 = arith.index_cast %get3A_460 : i32 to index
      %get3A_462 = arith.index_cast %mul3A_59 : i32 to index
      %get3A_463 = tpu.vector_load %arg7[%get3A_461, %get3A_462] {strides = array<i32>} : memref<64x512xf32, #tpu.memory_space<vmem>>, vector<1x16xf32>,
      %get3A_464 = vector.shape_cast %get3A_463 : vector<1x16xf32> to vector<16xf32>
      %broadcast_in_dim3A_465 = arith.constant 54 : i32
      %broadcast_in_dim3A_466 = vector.broadcast %broadcast_in_dim3A_465 : i32 to vector<16xi32>
      %gt3A_467 = arith.cmpf ogt, %get3A_464, %max3A_410 : vector<16xf32>
      %min3A_468 = arith.minimumf %max3A_410, %get3A_464 : vector<16xf32>
      %select_n3A_469 = arith.select %gt3A_467, %select_n3A_411, %broadcast_in_dim3A_466 : vector<16xi1>, vector<16xi32>
      %max3A_470 = arith.maximumf %max3A_410, %get3A_464 : vector<16xf32>
      %select_n3A_471 = arith.select %gt3A_467, %broadcast_in_dim3A_466, %select_n3A_411 : vector<16xi1>, vector<16xi32>
      %gt3A_472 = arith.cmpf ogt, %min3A_468, %max3A_413 : vector<16xf32>
      %max3A_473 = arith.maximumf %max3A_413, %min3A_468 : vector<16xf32>
      %select_n3A_474 = arith.select %gt3A_472, %select_n3A_469, %select_n3A_414 : vector<16xi1>, vector<16xi32>
      %get3A_475 = arith.constant 7 : i32
      %get3A_476 = arith.index_cast %get3A_475 : i32 to index
      %get3A_477 = arith.index_cast %mul3A_59 : i32 to index
      %get3A_478 = tpu.vector_load %arg7[%get3A_476, %get3A_477] {strides = array<i32>} : memref<64x512xf32, #tpu.memory_space<vmem>>, vector<1x16xf32>,
      %get3A_479 = vector.shape_cast %get3A_478 : vector<1x16xf32> to vector<16xf32>
      %broadcast_in_dim3A_480 = arith.constant 7 : i32
      %broadcast_in_dim3A_481 = vector.broadcast %broadcast_in_dim3A_480 : i32 to vector<16xi32>
      %gt3A_482 = arith.cmpf ogt, %get3A_479, %max3A_425 : vector<16xf32>
      %min3A_483 = arith.minimumf %max3A_425, %get3A_479 : vector<16xf32>
      %select_n3A_484 = arith.select %gt3A_482, %select_n3A_426, %broadcast_in_dim3A_481 : vector<16xi1>, vector<16xi32>
      %max3A_485 = arith.maximumf %max3A_425, %get3A_479 : vector<16xf32>
      %select_n3A_486 = arith.select %gt3A_482, %broadcast_in_dim3A_481, %select_n3A_426 : vector<16xi1>, vector<16xi32>
      %gt3A_487 = arith.cmpf ogt, %min3A_483, %max3A_428 : vector<16xf32>
      %max3A_488 = arith.maximumf %max3A_428, %min3A_483 : vector<16xf32>
      %select_n3A_489 = arith.select %gt3A_487, %select_n3A_484, %select_n3A_429 : vector<16xi1>, vector<16xi32>
      %get3A_490 = arith.constant 23 : i32
      %get3A_491 = arith.index_cast %get3A_490 : i32 to index
      %get3A_492 = arith.index_cast %mul3A_59 : i32 to index
      %get3A_493 = tpu.vector_load %arg7[%get3A_491, %get3A_492] {strides = array<i32>} : memref<64x512xf32, #tpu.memory_space<vmem>>, vector<1x16xf32>,
      %get3A_494 = vector.shape_cast %get3A_493 : vector<1x16xf32> to vector<16xf32>
      %broadcast_in_dim3A_495 = arith.constant 23 : i32
      %broadcast_in_dim3A_496 = vector.broadcast %broadcast_in_dim3A_495 : i32 to vector<16xi32>
      %gt3A_497 = arith.cmpf ogt, %get3A_494, %max3A_440 : vector<16xf32>
      %min3A_498 = arith.minimumf %max3A_440, %get3A_494 : vector<16xf32>
      %select_n3A_499 = arith.select %gt3A_497, %select_n3A_441, %broadcast_in_dim3A_496 : vector<16xi1>, vector<16xi32>
      %max3A_500 = arith.maximumf %max3A_440, %get3A_494 : vector<16xf32>
      %select_n3A_501 = arith.select %gt3A_497, %broadcast_in_dim3A_496, %select_n3A_441 : vector<16xi1>, vector<16xi32>
      %gt3A_502 = arith.cmpf ogt, %min3A_498, %max3A_443 : vector<16xf32>
      %max3A_503 = arith.maximumf %max3A_443, %min3A_498 : vector<16xf32>
      %select_n3A_504 = arith.select %gt3A_502, %select_n3A_499, %select_n3A_444 : vector<16xi1>, vector<16xi32>
      %get3A_505 = arith.constant 39 : i32
      %get3A_506 = arith.index_cast %get3A_505 : i32 to index
      %get3A_507 = arith.index_cast %mul3A_59 : i32 to index
      %get3A_508 = tpu.vector_load %arg7[%get3A_506, %get3A_507] {strides = array<i32>} : memref<64x512xf32, #tpu.memory_space<vmem>>, vector<1x16xf32>,
      %get3A_509 = vector.shape_cast %get3A_508 : vector<1x16xf32> to vector<16xf32>
      %broadcast_in_dim3A_510 = arith.constant 39 : i32
      %broadcast_in_dim3A_511 = vector.broadcast %broadcast_in_dim3A_510 : i32 to vector<16xi32>
      %gt3A_512 = arith.cmpf ogt, %get3A_509, %max3A_455 : vector<16xf32>
      %min3A_513 = arith.minimumf %max3A_455, %get3A_509 : vector<16xf32>
      %select_n3A_514 = arith.select %gt3A_512, %select_n3A_456, %broadcast_in_dim3A_511 : vector<16xi1>, vector<16xi32>
      %max3A_515 = arith.maximumf %max3A_455, %get3A_509 : vector<16xf32>
      %select_n3A_516 = arith.select %gt3A_512, %broadcast_in_dim3A_511, %select_n3A_456 : vector<16xi1>, vector<16xi32>
      %gt3A_517 = arith.cmpf ogt, %min3A_513, %max3A_458 : vector<16xf32>
      %max3A_518 = arith.maximumf %max3A_458, %min3A_513 : vector<16xf32>
      %select_n3A_519 = arith.select %gt3A_517, %select_n3A_514, %select_n3A_459 : vector<16xi1>, vector<16xi32>
      %get3A_520 = arith.constant 55 : i32
      %get3A_521 = arith.index_cast %get3A_520 : i32 to index
      %get3A_522 = arith.index_cast %mul3A_59 : i32 to index
      %get3A_523 = tpu.vector_load %arg7[%get3A_521, %get3A_522] {strides = array<i32>} : memref<64x512xf32, #tpu.memory_space<vmem>>, vector<1x16xf32>,
      %get3A_524 = vector.shape_cast %get3A_523 : vector<1x16xf32> to vector<16xf32>
      %broadcast_in_dim3A_525 = arith.constant 55 : i32
      %broadcast_in_dim3A_526 = vector.broadcast %broadcast_in_dim3A_525 : i32 to vector<16xi32>
      %gt3A_527 = arith.cmpf ogt, %get3A_524, %max3A_470 : vector<16xf32>
      %min3A_528 = arith.minimumf %max3A_470, %get3A_524 : vector<16xf32>
      %select_n3A_529 = arith.select %gt3A_527, %select_n3A_471, %broadcast_in_dim3A_526 : vector<16xi1>, vector<16xi32>
      %max3A_530 = arith.maximumf %max3A_470, %get3A_524 : vector<16xf32>
      %select_n3A_531 = arith.select %gt3A_527, %broadcast_in_dim3A_526, %select_n3A_471 : vector<16xi1>, vector<16xi32>
      %gt3A_532 = arith.cmpf ogt, %min3A_528, %max3A_473 : vector<16xf32>
      %max3A_533 = arith.maximumf %max3A_473, %min3A_528 : vector<16xf32>
      %select_n3A_534 = arith.select %gt3A_532, %select_n3A_529, %select_n3A_474 : vector<16xi1>, vector<16xi32>
      %get3A_535 = arith.constant 8 : i32
      %get3A_536 = arith.index_cast %get3A_535 : i32 to index
      %get3A_537 = arith.index_cast %mul3A_59 : i32 to index
      %get3A_538 = tpu.vector_load %arg7[%get3A_536, %get3A_537] {strides = array<i32>} : memref<64x512xf32, #tpu.memory_space<vmem>>, vector<1x16xf32>,
      %get3A_539 = vector.shape_cast %get3A_538 : vector<1x16xf32> to vector<16xf32>
      %broadcast_in_dim3A_540 = arith.constant 8 : i32
      %broadcast_in_dim3A_541 = vector.broadcast %broadcast_in_dim3A_540 : i32 to vector<16xi32>
      %gt3A_542 = arith.cmpf ogt, %get3A_539, %max3A_485 : vector<16xf32>
      %min3A_543 = arith.minimumf %max3A_485, %get3A_539 : vector<16xf32>
      %select_n3A_544 = arith.select %gt3A_542, %select_n3A_486, %broadcast_in_dim3A_541 : vector<16xi1>, vector<16xi32>
      %max3A_545 = arith.maximumf %max3A_485, %get3A_539 : vector<16xf32>
      %select_n3A_546 = arith.select %gt3A_542, %broadcast_in_dim3A_541, %select_n3A_486 : vector<16xi1>, vector<16xi32>
      %gt3A_547 = arith.cmpf ogt, %min3A_543, %max3A_488 : vector<16xf32>
      %max3A_548 = arith.maximumf %max3A_488, %min3A_543 : vector<16xf32>
      %select_n3A_549 = arith.select %gt3A_547, %select_n3A_544, %select_n3A_489 : vector<16xi1>, vector<16xi32>
      %get3A_550 = arith.constant 24 : i32
      %get3A_551 = arith.index_cast %get3A_550 : i32 to index
      %get3A_552 = arith.index_cast %mul3A_59 : i32 to index
      %get3A_553 = tpu.vector_load %arg7[%get3A_551, %get3A_552] {strides = array<i32>} : memref<64x512xf32, #tpu.memory_space<vmem>>, vector<1x16xf32>,
      %get3A_554 = vector.shape_cast %get3A_553 : vector<1x16xf32> to vector<16xf32>
      %broadcast_in_dim3A_555 = arith.constant 24 : i32
      %broadcast_in_dim3A_556 = vector.broadcast %broadcast_in_dim3A_555 : i32 to vector<16xi32>
      %gt3A_557 = arith.cmpf ogt, %get3A_554, %max3A_500 : vector<16xf32>
      %min3A_558 = arith.minimumf %max3A_500, %get3A_554 : vector<16xf32>
      %select_n3A_559 = arith.select %gt3A_557, %select_n3A_501, %broadcast_in_dim3A_556 : vector<16xi1>, vector<16xi32>
      %max3A_560 = arith.maximumf %max3A_500, %get3A_554 : vector<16xf32>
      %select_n3A_561 = arith.select %gt3A_557, %broadcast_in_dim3A_556, %select_n3A_501 : vector<16xi1>, vector<16xi32>
      %gt3A_562 = arith.cmpf ogt, %min3A_558, %max3A_503 : vector<16xf32>
      %max3A_563 = arith.maximumf %max3A_503, %min3A_558 : vector<16xf32>
      %select_n3A_564 = arith.select %gt3A_562, %select_n3A_559, %select_n3A_504 : vector<16xi1>, vector<16xi32>
      %get3A_565 = arith.constant 40 : i32
      %get3A_566 = arith.index_cast %get3A_565 : i32 to index
      %get3A_567 = arith.index_cast %mul3A_59 : i32 to index
      %get3A_568 = tpu.vector_load %arg7[%get3A_566, %get3A_567] {strides = array<i32>} : memref<64x512xf32, #tpu.memory_space<vmem>>, vector<1x16xf32>,
      %get3A_569 = vector.shape_cast %get3A_568 : vector<1x16xf32> to vector<16xf32>
      %broadcast_in_dim3A_570 = arith.constant 40 : i32
      %broadcast_in_dim3A_571 = vector.broadcast %broadcast_in_dim3A_570 : i32 to vector<16xi32>
      %gt3A_572 = arith.cmpf ogt, %get3A_569, %max3A_515 : vector<16xf32>
      %min3A_573 = arith.minimumf %max3A_515, %get3A_569 : vector<16xf32>
      %select_n3A_574 = arith.select %gt3A_572, %select_n3A_516, %broadcast_in_dim3A_571 : vector<16xi1>, vector<16xi32>
      %max3A_575 = arith.maximumf %max3A_515, %get3A_569 : vector<16xf32>
      %select_n3A_576 = arith.select %gt3A_572, %broadcast_in_dim3A_571, %select_n3A_516 : vector<16xi1>, vector<16xi32>
      %gt3A_577 = arith.cmpf ogt, %min3A_573, %max3A_518 : vector<16xf32>
      %max3A_578 = arith.maximumf %max3A_518, %min3A_573 : vector<16xf32>
      %select_n3A_579 = arith.select %gt3A_577, %select_n3A_574, %select_n3A_519 : vector<16xi1>, vector<16xi32>
      %get3A_580 = arith.constant 56 : i32
      %get3A_581 = arith.index_cast %get3A_580 : i32 to index
      %get3A_582 = arith.index_cast %mul3A_59 : i32 to index
      %get3A_583 = tpu.vector_load %arg7[%get3A_581, %get3A_582] {strides = array<i32>} : memref<64x512xf32, #tpu.memory_space<vmem>>, vector<1x16xf32>,
      %get3A_584 = vector.shape_cast %get3A_583 : vector<1x16xf32> to vector<16xf32>
      %broadcast_in_dim3A_585 = arith.constant 56 : i32
      %broadcast_in_dim3A_586 = vector.broadcast %broadcast_in_dim3A_585 : i32 to vector<16xi32>
      %gt3A_587 = arith.cmpf ogt, %get3A_584, %max3A_530 : vector<16xf32>
      %min3A_588 = arith.minimumf %max3A_530, %get3A_584 : vector<16xf32>
      %select_n3A_589 = arith.select %gt3A_587, %select_n3A_531, %broadcast_in_dim3A_586 : vector<16xi1>, vector<16xi32>
      %max3A_590 = arith.maximumf %max3A_530, %get3A_584 : vector<16xf32>
      %select_n3A_591 = arith.select %gt3A_587, %broadcast_in_dim3A_586, %select_n3A_531 : vector<16xi1>, vector<16xi32>
      %gt3A_592 = arith.cmpf ogt, %min3A_588, %max3A_533 : vector<16xf32>
      %max3A_593 = arith.maximumf %max3A_533, %min3A_588 : vector<16xf32>
      %select_n3A_594 = arith.select %gt3A_592, %select_n3A_589, %select_n3A_534 : vector<16xi1>, vector<16xi32>
      %get3A_595 = arith.constant 9 : i32
      %get3A_596 = arith.index_cast %get3A_595 : i32 to index
      %get3A_597 = arith.index_cast %mul3A_59 : i32 to index
      %get3A_598 = tpu.vector_load %arg7[%get3A_596, %get3A_597] {strides = array<i32>} : memref<64x512xf32, #tpu.memory_space<vmem>>, vector<1x16xf32>,
      %get3A_599 = vector.shape_cast %get3A_598 : vector<1x16xf32> to vector<16xf32>
      %broadcast_in_dim3A_600 = arith.constant 9 : i32
      %broadcast_in_dim3A_601 = vector.broadcast %broadcast_in_dim3A_600 : i32 to vector<16xi32>
      %gt3A_602 = arith.cmpf ogt, %get3A_599, %max3A_545 : vector<16xf32>
      %min3A_603 = arith.minimumf %max3A_545, %get3A_599 : vector<16xf32>
      %select_n3A_604 = arith.select %gt3A_602, %select_n3A_546, %broadcast_in_dim3A_601 : vector<16xi1>, vector<16xi32>
      %max3A_605 = arith.maximumf %max3A_545, %get3A_599 : vector<16xf32>
      %select_n3A_606 = arith.select %gt3A_602, %broadcast_in_dim3A_601, %select_n3A_546 : vector<16xi1>, vector<16xi32>
      %gt3A_607 = arith.cmpf ogt, %min3A_603, %max3A_548 : vector<16xf32>
      %max3A_608 = arith.maximumf %max3A_548, %min3A_603 : vector<16xf32>
      %select_n3A_609 = arith.select %gt3A_607, %select_n3A_604, %select_n3A_549 : vector<16xi1>, vector<16xi32>
      %get3A_610 = arith.constant 25 : i32
      %get3A_611 = arith.index_cast %get3A_610 : i32 to index
      %get3A_612 = arith.index_cast %mul3A_59 : i32 to index
      %get3A_613 = tpu.vector_load %arg7[%get3A_611, %get3A_612] {strides = array<i32>} : memref<64x512xf32, #tpu.memory_space<vmem>>, vector<1x16xf32>,
      %get3A_614 = vector.shape_cast %get3A_613 : vector<1x16xf32> to vector<16xf32>
      %broadcast_in_dim3A_615 = arith.constant 25 : i32
      %broadcast_in_dim3A_616 = vector.broadcast %broadcast_in_dim3A_615 : i32 to vector<16xi32>
      %gt3A_617 = arith.cmpf ogt, %get3A_614, %max3A_560 : vector<16xf32>
      %min3A_618 = arith.minimumf %max3A_560, %get3A_614 : vector<16xf32>
      %select_n3A_619 = arith.select %gt3A_617, %select_n3A_561, %broadcast_in_dim3A_616 : vector<16xi1>, vector<16xi32>
      %max3A_620 = arith.maximumf %max3A_560, %get3A_614 : vector<16xf32>
      %select_n3A_621 = arith.select %gt3A_617, %broadcast_in_dim3A_616, %select_n3A_561 : vector<16xi1>, vector<16xi32>
      %gt3A_622 = arith.cmpf ogt, %min3A_618, %max3A_563 : vector<16xf32>
      %max3A_623 = arith.maximumf %max3A_563, %min3A_618 : vector<16xf32>
      %select_n3A_624 = arith.select %gt3A_622, %select_n3A_619, %select_n3A_564 : vector<16xi1>, vector<16xi32>
      %get3A_625 = arith.constant 41 : i32
      %get3A_626 = arith.index_cast %get3A_625 : i32 to index
      %get3A_627 = arith.index_cast %mul3A_59 : i32 to index
      %get3A_628 = tpu.vector_load %arg7[%get3A_626, %get3A_627] {strides = array<i32>} : memref<64x512xf32, #tpu.memory_space<vmem>>, vector<1x16xf32>,
      %get3A_629 = vector.shape_cast %get3A_628 : vector<1x16xf32> to vector<16xf32>
      %broadcast_in_dim3A_630 = arith.constant 41 : i32
      %broadcast_in_dim3A_631 = vector.broadcast %broadcast_in_dim3A_630 : i32 to vector<16xi32>
      %gt3A_632 = arith.cmpf ogt, %get3A_629, %max3A_575 : vector<16xf32>
      %min3A_633 = arith.minimumf %max3A_575, %get3A_629 : vector<16xf32>
      %select_n3A_634 = arith.select %gt3A_632, %select_n3A_576, %broadcast_in_dim3A_631 : vector<16xi1>, vector<16xi32>
      %max3A_635 = arith.maximumf %max3A_575, %get3A_629 : vector<16xf32>
      %select_n3A_636 = arith.select %gt3A_632, %broadcast_in_dim3A_631, %select_n3A_576 : vector<16xi1>, vector<16xi32>
      %gt3A_637 = arith.cmpf ogt, %min3A_633, %max3A_578 : vector<16xf32>
      %max3A_638 = arith.maximumf %max3A_578, %min3A_633 : vector<16xf32>
      %select_n3A_639 = arith.select %gt3A_637, %select_n3A_634, %select_n3A_579 : vector<16xi1>, vector<16xi32>
      %get3A_640 = arith.constant 57 : i32
      %get3A_641 = arith.index_cast %get3A_640 : i32 to index
      %get3A_642 = arith.index_cast %mul3A_59 : i32 to index
      %get3A_643 = tpu.vector_load %arg7[%get3A_641, %get3A_642] {strides = array<i32>} : memref<64x512xf32, #tpu.memory_space<vmem>>, vector<1x16xf32>,
      %get3A_644 = vector.shape_cast %get3A_643 : vector<1x16xf32> to vector<16xf32>
      %broadcast_in_dim3A_645 = arith.constant 57 : i32
      %broadcast_in_dim3A_646 = vector.broadcast %broadcast_in_dim3A_645 : i32 to vector<16xi32>
      %gt3A_647 = arith.cmpf ogt, %get3A_644, %max3A_590 : vector<16xf32>
      %min3A_648 = arith.minimumf %max3A_590, %get3A_644 : vector<16xf32>
      %select_n3A_649 = arith.select %gt3A_647, %select_n3A_591, %broadcast_in_dim3A_646 : vector<16xi1>, vector<16xi32>
      %max3A_650 = arith.maximumf %max3A_590, %get3A_644 : vector<16xf32>
      %select_n3A_651 = arith.select %gt3A_647, %broadcast_in_dim3A_646, %select_n3A_591 : vector<16xi1>, vector<16xi32>
      %gt3A_652 = arith.cmpf ogt, %min3A_648, %max3A_593 : vector<16xf32>
      %max3A_653 = arith.maximumf %max3A_593, %min3A_648 : vector<16xf32>
      %select_n3A_654 = arith.select %gt3A_652, %select_n3A_649, %select_n3A_594 : vector<16xi1>, vector<16xi32>
      %get3A_655 = arith.constant 10 : i32
      %get3A_656 = arith.index_cast %get3A_655 : i32 to index
      %get3A_657 = arith.index_cast %mul3A_59 : i32 to index
      %get3A_658 = tpu.vector_load %arg7[%get3A_656, %get3A_657] {strides = array<i32>} : memref<64x512xf32, #tpu.memory_space<vmem>>, vector<1x16xf32>,
      %get3A_659 = vector.shape_cast %get3A_658 : vector<1x16xf32> to vector<16xf32>
      %broadcast_in_dim3A_660 = arith.constant 10 : i32
      %broadcast_in_dim3A_661 = vector.broadcast %broadcast_in_dim3A_660 : i32 to vector<16xi32>
      %gt3A_662 = arith.cmpf ogt, %get3A_659, %max3A_605 : vector<16xf32>
      %min3A_663 = arith.minimumf %max3A_605, %get3A_659 : vector<16xf32>
      %select_n3A_664 = arith.select %gt3A_662, %select_n3A_606, %broadcast_in_dim3A_661 : vector<16xi1>, vector<16xi32>
      %max3A_665 = arith.maximumf %max3A_605, %get3A_659 : vector<16xf32>
      %select_n3A_666 = arith.select %gt3A_662, %broadcast_in_dim3A_661, %select_n3A_606 : vector<16xi1>, vector<16xi32>
      %gt3A_667 = arith.cmpf ogt, %min3A_663, %max3A_608 : vector<16xf32>
      %max3A_668 = arith.maximumf %max3A_608, %min3A_663 : vector<16xf32>
      %select_n3A_669 = arith.select %gt3A_667, %select_n3A_664, %select_n3A_609 : vector<16xi1>, vector<16xi32>
      %get3A_670 = arith.constant 26 : i32
      %get3A_671 = arith.index_cast %get3A_670 : i32 to index
      %get3A_672 = arith.index_cast %mul3A_59 : i32 to index
      %get3A_673 = tpu.vector_load %arg7[%get3A_671, %get3A_672] {strides = array<i32>} : memref<64x512xf32, #tpu.memory_space<vmem>>, vector<1x16xf32>,
      %get3A_674 = vector.shape_cast %get3A_673 : vector<1x16xf32> to vector<16xf32>
      %broadcast_in_dim3A_675 = arith.constant 26 : i32
      %broadcast_in_dim3A_676 = vector.broadcast %broadcast_in_dim3A_675 : i32 to vector<16xi32>
      %gt3A_677 = arith.cmpf ogt, %get3A_674, %max3A_620 : vector<16xf32>
      %min3A_678 = arith.minimumf %max3A_620, %get3A_674 : vector<16xf32>
      %select_n3A_679 = arith.select %gt3A_677, %select_n3A_621, %broadcast_in_dim3A_676 : vector<16xi1>, vector<16xi32>
      %max3A_680 = arith.maximumf %max3A_620, %get3A_674 : vector<16xf32>
      %select_n3A_681 = arith.select %gt3A_677, %broadcast_in_dim3A_676, %select_n3A_621 : vector<16xi1>, vector<16xi32>
      %gt3A_682 = arith.cmpf ogt, %min3A_678, %max3A_623 : vector<16xf32>
      %max3A_683 = arith.maximumf %max3A_623, %min3A_678 : vector<16xf32>
      %select_n3A_684 = arith.select %gt3A_682, %select_n3A_679, %select_n3A_624 : vector<16xi1>, vector<16xi32>
      %get3A_685 = arith.constant 42 : i32
      %get3A_686 = arith.index_cast %get3A_685 : i32 to index
      %get3A_687 = arith.index_cast %mul3A_59 : i32 to index
      %get3A_688 = tpu.vector_load %arg7[%get3A_686, %get3A_687] {strides = array<i32>} : memref<64x512xf32, #tpu.memory_space<vmem>>, vector<1x16xf32>,
      %get3A_689 = vector.shape_cast %get3A_688 : vector<1x16xf32> to vector<16xf32>
      %broadcast_in_dim3A_690 = arith.constant 42 : i32
      %broadcast_in_dim3A_691 = vector.broadcast %broadcast_in_dim3A_690 : i32 to vector<16xi32>
      %gt3A_692 = arith.cmpf ogt, %get3A_689, %max3A_635 : vector<16xf32>
      %min3A_693 = arith.minimumf %max3A_635, %get3A_689 : vector<16xf32>
      %select_n3A_694 = arith.select %gt3A_692, %select_n3A_636, %broadcast_in_dim3A_691 : vector<16xi1>, vector<16xi32>
      %max3A_695 = arith.maximumf %max3A_635, %get3A_689 : vector<16xf32>
      %select_n3A_696 = arith.select %gt3A_692, %broadcast_in_dim3A_691, %select_n3A_636 : vector<16xi1>, vector<16xi32>
      %gt3A_697 = arith.cmpf ogt, %min3A_693, %max3A_638 : vector<16xf32>
      %max3A_698 = arith.maximumf %max3A_638, %min3A_693 : vector<16xf32>
      %select_n3A_699 = arith.select %gt3A_697, %select_n3A_694, %select_n3A_639 : vector<16xi1>, vector<16xi32>
      %get3A_700 = arith.constant 58 : i32
      %get3A_701 = arith.index_cast %get3A_700 : i32 to index
      %get3A_702 = arith.index_cast %mul3A_59 : i32 to index
      %get3A_703 = tpu.vector_load %arg7[%get3A_701, %get3A_702] {strides = array<i32>} : memref<64x512xf32, #tpu.memory_space<vmem>>, vector<1x16xf32>,
      %get3A_704 = vector.shape_cast %get3A_703 : vector<1x16xf32> to vector<16xf32>
      %broadcast_in_dim3A_705 = arith.constant 58 : i32
      %broadcast_in_dim3A_706 = vector.broadcast %broadcast_in_dim3A_705 : i32 to vector<16xi32>
      %gt3A_707 = arith.cmpf ogt, %get3A_704, %max3A_650 : vector<16xf32>
      %min3A_708 = arith.minimumf %max3A_650, %get3A_704 : vector<16xf32>
      %select_n3A_709 = arith.select %gt3A_707, %select_n3A_651, %broadcast_in_dim3A_706 : vector<16xi1>, vector<16xi32>
      %max3A_710 = arith.maximumf %max3A_650, %get3A_704 : vector<16xf32>
      %select_n3A_711 = arith.select %gt3A_707, %broadcast_in_dim3A_706, %select_n3A_651 : vector<16xi1>, vector<16xi32>
      %gt3A_712 = arith.cmpf ogt, %min3A_708, %max3A_653 : vector<16xf32>
      %max3A_713 = arith.maximumf %max3A_653, %min3A_708 : vector<16xf32>
      %select_n3A_714 = arith.select %gt3A_712, %select_n3A_709, %select_n3A_654 : vector<16xi1>, vector<16xi32>
      %get3A_715 = arith.constant 11 : i32
      %get3A_716 = arith.index_cast %get3A_715 : i32 to index
      %get3A_717 = arith.index_cast %mul3A_59 : i32 to index
      %get3A_718 = tpu.vector_load %arg7[%get3A_716, %get3A_717] {strides = array<i32>} : memref<64x512xf32, #tpu.memory_space<vmem>>, vector<1x16xf32>,
      %get3A_719 = vector.shape_cast %get3A_718 : vector<1x16xf32> to vector<16xf32>
      %broadcast_in_dim3A_720 = arith.constant 11 : i32
      %broadcast_in_dim3A_721 = vector.broadcast %broadcast_in_dim3A_720 : i32 to vector<16xi32>
      %gt3A_722 = arith.cmpf ogt, %get3A_719, %max3A_665 : vector<16xf32>
      %min3A_723 = arith.minimumf %max3A_665, %get3A_719 : vector<16xf32>
      %select_n3A_724 = arith.select %gt3A_722, %select_n3A_666, %broadcast_in_dim3A_721 : vector<16xi1>, vector<16xi32>
      %max3A_725 = arith.maximumf %max3A_665, %get3A_719 : vector<16xf32>
      %select_n3A_726 = arith.select %gt3A_722, %broadcast_in_dim3A_721, %select_n3A_666 : vector<16xi1>, vector<16xi32>
      %gt3A_727 = arith.cmpf ogt, %min3A_723, %max3A_668 : vector<16xf32>
      %max3A_728 = arith.maximumf %max3A_668, %min3A_723 : vector<16xf32>
      %select_n3A_729 = arith.select %gt3A_727, %select_n3A_724, %select_n3A_669 : vector<16xi1>, vector<16xi32>
      %get3A_730 = arith.constant 27 : i32
      %get3A_731 = arith.index_cast %get3A_730 : i32 to index
      %get3A_732 = arith.index_cast %mul3A_59 : i32 to index
      %get3A_733 = tpu.vector_load %arg7[%get3A_731, %get3A_732] {strides = array<i32>} : memref<64x512xf32, #tpu.memory_space<vmem>>, vector<1x16xf32>,
      %get3A_734 = vector.shape_cast %get3A_733 : vector<1x16xf32> to vector<16xf32>
      %broadcast_in_dim3A_735 = arith.constant 27 : i32
      %broadcast_in_dim3A_736 = vector.broadcast %broadcast_in_dim3A_735 : i32 to vector<16xi32>
      %gt3A_737 = arith.cmpf ogt, %get3A_734, %max3A_680 : vector<16xf32>
      %min3A_738 = arith.minimumf %max3A_680, %get3A_734 : vector<16xf32>
      %select_n3A_739 = arith.select %gt3A_737, %select_n3A_681, %broadcast_in_dim3A_736 : vector<16xi1>, vector<16xi32>
      %max3A_740 = arith.maximumf %max3A_680, %get3A_734 : vector<16xf32>
      %select_n3A_741 = arith.select %gt3A_737, %broadcast_in_dim3A_736, %select_n3A_681 : vector<16xi1>, vector<16xi32>
      %gt3A_742 = arith.cmpf ogt, %min3A_738, %max3A_683 : vector<16xf32>
      %max3A_743 = arith.maximumf %max3A_683, %min3A_738 : vector<16xf32>
      %select_n3A_744 = arith.select %gt3A_742, %select_n3A_739, %select_n3A_684 : vector<16xi1>, vector<16xi32>
      %get3A_745 = arith.constant 43 : i32
      %get3A_746 = arith.index_cast %get3A_745 : i32 to index
      %get3A_747 = arith.index_cast %mul3A_59 : i32 to index
      %get3A_748 = tpu.vector_load %arg7[%get3A_746, %get3A_747] {strides = array<i32>} : memref<64x512xf32, #tpu.memory_space<vmem>>, vector<1x16xf32>,
      %get3A_749 = vector.shape_cast %get3A_748 : vector<1x16xf32> to vector<16xf32>
      %broadcast_in_dim3A_750 = arith.constant 43 : i32
      %broadcast_in_dim3A_751 = vector.broadcast %broadcast_in_dim3A_750 : i32 to vector<16xi32>
      %gt3A_752 = arith.cmpf ogt, %get3A_749, %max3A_695 : vector<16xf32>
      %min3A_753 = arith.minimumf %max3A_695, %get3A_749 : vector<16xf32>
      %select_n3A_754 = arith.select %gt3A_752, %select_n3A_696, %broadcast_in_dim3A_751 : vector<16xi1>, vector<16xi32>
      %max3A_755 = arith.maximumf %max3A_695, %get3A_749 : vector<16xf32>
      %select_n3A_756 = arith.select %gt3A_752, %broadcast_in_dim3A_751, %select_n3A_696 : vector<16xi1>, vector<16xi32>
      %gt3A_757 = arith.cmpf ogt, %min3A_753, %max3A_698 : vector<16xf32>
      %max3A_758 = arith.maximumf %max3A_698, %min3A_753 : vector<16xf32>
      %select_n3A_759 = arith.select %gt3A_757, %select_n3A_754, %select_n3A_699 : vector<16xi1>, vector<16xi32>
      %get3A_760 = arith.constant 59 : i32
      %get3A_761 = arith.index_cast %get3A_760 : i32 to index
      %get3A_762 = arith.index_cast %mul3A_59 : i32 to index
      %get3A_763 = tpu.vector_load %arg7[%get3A_761, %get3A_762] {strides = array<i32>} : memref<64x512xf32, #tpu.memory_space<vmem>>, vector<1x16xf32>,
      %get3A_764 = vector.shape_cast %get3A_763 : vector<1x16xf32> to vector<16xf32>
      %broadcast_in_dim3A_765 = arith.constant 59 : i32
      %broadcast_in_dim3A_766 = vector.broadcast %broadcast_in_dim3A_765 : i32 to vector<16xi32>
      %gt3A_767 = arith.cmpf ogt, %get3A_764, %max3A_710 : vector<16xf32>
      %min3A_768 = arith.minimumf %max3A_710, %get3A_764 : vector<16xf32>
      %select_n3A_769 = arith.select %gt3A_767, %select_n3A_711, %broadcast_in_dim3A_766 : vector<16xi1>, vector<16xi32>
      %max3A_770 = arith.maximumf %max3A_710, %get3A_764 : vector<16xf32>
      %select_n3A_771 = arith.select %gt3A_767, %broadcast_in_dim3A_766, %select_n3A_711 : vector<16xi1>, vector<16xi32>
      %gt3A_772 = arith.cmpf ogt, %min3A_768, %max3A_713 : vector<16xf32>
      %max3A_773 = arith.maximumf %max3A_713, %min3A_768 : vector<16xf32>
      %select_n3A_774 = arith.select %gt3A_772, %select_n3A_769, %select_n3A_714 : vector<16xi1>, vector<16xi32>
      %get3A_775 = arith.constant 12 : i32
      %get3A_776 = arith.index_cast %get3A_775 : i32 to index
      %get3A_777 = arith.index_cast %mul3A_59 : i32 to index
      %get3A_778 = tpu.vector_load %arg7[%get3A_776, %get3A_777] {strides = array<i32>} : memref<64x512xf32, #tpu.memory_space<vmem>>, vector<1x16xf32>,
      %get3A_779 = vector.shape_cast %get3A_778 : vector<1x16xf32> to vector<16xf32>
      %broadcast_in_dim3A_780 = arith.constant 12 : i32
      %broadcast_in_dim3A_781 = vector.broadcast %broadcast_in_dim3A_780 : i32 to vector<16xi32>
      %gt3A_782 = arith.cmpf ogt, %get3A_779, %max3A_725 : vector<16xf32>
      %min3A_783 = arith.minimumf %max3A_725, %get3A_779 : vector<16xf32>
      %select_n3A_784 = arith.select %gt3A_782, %select_n3A_726, %broadcast_in_dim3A_781 : vector<16xi1>, vector<16xi32>
      %max3A_785 = arith.maximumf %max3A_725, %get3A_779 : vector<16xf32>
      %select_n3A_786 = arith.select %gt3A_782, %broadcast_in_dim3A_781, %select_n3A_726 : vector<16xi1>, vector<16xi32>
      %gt3A_787 = arith.cmpf ogt, %min3A_783, %max3A_728 : vector<16xf32>
      %max3A_788 = arith.maximumf %max3A_728, %min3A_783 : vector<16xf32>
      %select_n3A_789 = arith.select %gt3A_787, %select_n3A_784, %select_n3A_729 : vector<16xi1>, vector<16xi32>
      %get3A_790 = arith.constant 28 : i32
      %get3A_791 = arith.index_cast %get3A_790 : i32 to index
      %get3A_792 = arith.index_cast %mul3A_59 : i32 to index
      %get3A_793 = tpu.vector_load %arg7[%get3A_791, %get3A_792] {strides = array<i32>} : memref<64x512xf32, #tpu.memory_space<vmem>>, vector<1x16xf32>,
      %get3A_794 = vector.shape_cast %get3A_793 : vector<1x16xf32> to vector<16xf32>
      %broadcast_in_dim3A_795 = arith.constant 28 : i32
      %broadcast_in_dim3A_796 = vector.broadcast %broadcast_in_dim3A_795 : i32 to vector<16xi32>
      %gt3A_797 = arith.cmpf ogt, %get3A_794, %max3A_740 : vector<16xf32>
      %min3A_798 = arith.minimumf %max3A_740, %get3A_794 : vector<16xf32>
      %select_n3A_799 = arith.select %gt3A_797, %select_n3A_741, %broadcast_in_dim3A_796 : vector<16xi1>, vector<16xi32>
      %max3A_800 = arith.maximumf %max3A_740, %get3A_794 : vector<16xf32>
      %select_n3A_801 = arith.select %gt3A_797, %broadcast_in_dim3A_796, %select_n3A_741 : vector<16xi1>, vector<16xi32>
      %gt3A_802 = arith.cmpf ogt, %min3A_798, %max3A_743 : vector<16xf32>
      %max3A_803 = arith.maximumf %max3A_743, %min3A_798 : vector<16xf32>
      %select_n3A_804 = arith.select %gt3A_802, %select_n3A_799, %select_n3A_744 : vector<16xi1>, vector<16xi32>
      %get3A_805 = arith.constant 44 : i32
      %get3A_806 = arith.index_cast %get3A_805 : i32 to index
      %get3A_807 = arith.index_cast %mul3A_59 : i32 to index
      %get3A_808 = tpu.vector_load %arg7[%get3A_806, %get3A_807] {strides = array<i32>} : memref<64x512xf32, #tpu.memory_space<vmem>>, vector<1x16xf32>,
      %get3A_809 = vector.shape_cast %get3A_808 : vector<1x16xf32> to vector<16xf32>
      %broadcast_in_dim3A_810 = arith.constant 44 : i32
      %broadcast_in_dim3A_811 = vector.broadcast %broadcast_in_dim3A_810 : i32 to vector<16xi32>
      %gt3A_812 = arith.cmpf ogt, %get3A_809, %max3A_755 : vector<16xf32>
      %min3A_813 = arith.minimumf %max3A_755, %get3A_809 : vector<16xf32>
      %select_n3A_814 = arith.select %gt3A_812, %select_n3A_756, %broadcast_in_dim3A_811 : vector<16xi1>, vector<16xi32>
      %max3A_815 = arith.maximumf %max3A_755, %get3A_809 : vector<16xf32>
      %select_n3A_816 = arith.select %gt3A_812, %broadcast_in_dim3A_811, %select_n3A_756 : vector<16xi1>, vector<16xi32>
      %gt3A_817 = arith.cmpf ogt, %min3A_813, %max3A_758 : vector<16xf32>
      %max3A_818 = arith.maximumf %max3A_758, %min3A_813 : vector<16xf32>
      %select_n3A_819 = arith.select %gt3A_817, %select_n3A_814, %select_n3A_759 : vector<16xi1>, vector<16xi32>
      %get3A_820 = arith.constant 60 : i32
      %get3A_821 = arith.index_cast %get3A_820 : i32 to index
      %get3A_822 = arith.index_cast %mul3A_59 : i32 to index
      %get3A_823 = tpu.vector_load %arg7[%get3A_821, %get3A_822] {strides = array<i32>} : memref<64x512xf32, #tpu.memory_space<vmem>>, vector<1x16xf32>,
      %get3A_824 = vector.shape_cast %get3A_823 : vector<1x16xf32> to vector<16xf32>
      %broadcast_in_dim3A_825 = arith.constant 60 : i32
      %broadcast_in_dim3A_826 = vector.broadcast %broadcast_in_dim3A_825 : i32 to vector<16xi32>
      %gt3A_827 = arith.cmpf ogt, %get3A_824, %max3A_770 : vector<16xf32>
      %min3A_828 = arith.minimumf %max3A_770, %get3A_824 : vector<16xf32>
      %select_n3A_829 = arith.select %gt3A_827, %select_n3A_771, %broadcast_in_dim3A_826 : vector<16xi1>, vector<16xi32>
      %max3A_830 = arith.maximumf %max3A_770, %get3A_824 : vector<16xf32>
      %select_n3A_831 = arith.select %gt3A_827, %broadcast_in_dim3A_826, %select_n3A_771 : vector<16xi1>, vector<16xi32>
      %gt3A_832 = arith.cmpf ogt, %min3A_828, %max3A_773 : vector<16xf32>
      %max3A_833 = arith.maximumf %max3A_773, %min3A_828 : vector<16xf32>
      %select_n3A_834 = arith.select %gt3A_832, %select_n3A_829, %select_n3A_774 : vector<16xi1>, vector<16xi32>
      %get3A_835 = arith.constant 13 : i32
      %get3A_836 = arith.index_cast %get3A_835 : i32 to index
      %get3A_837 = arith.index_cast %mul3A_59 : i32 to index
      %get3A_838 = tpu.vector_load %arg7[%get3A_836, %get3A_837] {strides = array<i32>} : memref<64x512xf32, #tpu.memory_space<vmem>>, vector<1x16xf32>,
      %get3A_839 = vector.shape_cast %get3A_838 : vector<1x16xf32> to vector<16xf32>
      %broadcast_in_dim3A_840 = arith.constant 13 : i32
      %broadcast_in_dim3A_841 = vector.broadcast %broadcast_in_dim3A_840 : i32 to vector<16xi32>
      %gt3A_842 = arith.cmpf ogt, %get3A_839, %max3A_785 : vector<16xf32>
      %min3A_843 = arith.minimumf %max3A_785, %get3A_839 : vector<16xf32>
      %select_n3A_844 = arith.select %gt3A_842, %select_n3A_786, %broadcast_in_dim3A_841 : vector<16xi1>, vector<16xi32>
      %max3A_845 = arith.maximumf %max3A_785, %get3A_839 : vector<16xf32>
      %select_n3A_846 = arith.select %gt3A_842, %broadcast_in_dim3A_841, %select_n3A_786 : vector<16xi1>, vector<16xi32>
      %gt3A_847 = arith.cmpf ogt, %min3A_843, %max3A_788 : vector<16xf32>
      %max3A_848 = arith.maximumf %max3A_788, %min3A_843 : vector<16xf32>
      %select_n3A_849 = arith.select %gt3A_847, %select_n3A_844, %select_n3A_789 : vector<16xi1>, vector<16xi32>
      %get3A_850 = arith.constant 29 : i32
      %get3A_851 = arith.index_cast %get3A_850 : i32 to index
      %get3A_852 = arith.index_cast %mul3A_59 : i32 to index
      %get3A_853 = tpu.vector_load %arg7[%get3A_851, %get3A_852] {strides = array<i32>} : memref<64x512xf32, #tpu.memory_space<vmem>>, vector<1x16xf32>,
      %get3A_854 = vector.shape_cast %get3A_853 : vector<1x16xf32> to vector<16xf32>
      %broadcast_in_dim3A_855 = arith.constant 29 : i32
      %broadcast_in_dim3A_856 = vector.broadcast %broadcast_in_dim3A_855 : i32 to vector<16xi32>
      %gt3A_857 = arith.cmpf ogt, %get3A_854, %max3A_800 : vector<16xf32>
      %min3A_858 = arith.minimumf %max3A_800, %get3A_854 : vector<16xf32>
      %select_n3A_859 = arith.select %gt3A_857, %select_n3A_801, %broadcast_in_dim3A_856 : vector<16xi1>, vector<16xi32>
      %max3A_860 = arith.maximumf %max3A_800, %get3A_854 : vector<16xf32>
      %select_n3A_861 = arith.select %gt3A_857, %broadcast_in_dim3A_856, %select_n3A_801 : vector<16xi1>, vector<16xi32>
      %gt3A_862 = arith.cmpf ogt, %min3A_858, %max3A_803 : vector<16xf32>
      %max3A_863 = arith.maximumf %max3A_803, %min3A_858 : vector<16xf32>
      %select_n3A_864 = arith.select %gt3A_862, %select_n3A_859, %select_n3A_804 : vector<16xi1>, vector<16xi32>
      %get3A_865 = arith.constant 45 : i32
      %get3A_866 = arith.index_cast %get3A_865 : i32 to index
      %get3A_867 = arith.index_cast %mul3A_59 : i32 to index
      %get3A_868 = tpu.vector_load %arg7[%get3A_866, %get3A_867] {strides = array<i32>} : memref<64x512xf32, #tpu.memory_space<vmem>>, vector<1x16xf32>,
      %get3A_869 = vector.shape_cast %get3A_868 : vector<1x16xf32> to vector<16xf32>
      %broadcast_in_dim3A_870 = arith.constant 45 : i32
      %broadcast_in_dim3A_871 = vector.broadcast %broadcast_in_dim3A_870 : i32 to vector<16xi32>
      %gt3A_872 = arith.cmpf ogt, %get3A_869, %max3A_815 : vector<16xf32>
      %min3A_873 = arith.minimumf %max3A_815, %get3A_869 : vector<16xf32>
      %select_n3A_874 = arith.select %gt3A_872, %select_n3A_816, %broadcast_in_dim3A_871 : vector<16xi1>, vector<16xi32>
      %max3A_875 = arith.maximumf %max3A_815, %get3A_869 : vector<16xf32>
      %select_n3A_876 = arith.select %gt3A_872, %broadcast_in_dim3A_871, %select_n3A_816 : vector<16xi1>, vector<16xi32>
      %gt3A_877 = arith.cmpf ogt, %min3A_873, %max3A_818 : vector<16xf32>
      %max3A_878 = arith.maximumf %max3A_818, %min3A_873 : vector<16xf32>
      %select_n3A_879 = arith.select %gt3A_877, %select_n3A_874, %select_n3A_819 : vector<16xi1>, vector<16xi32>
      %get3A_880 = arith.constant 61 : i32
      %get3A_881 = arith.index_cast %get3A_880 : i32 to index
      %get3A_882 = arith.index_cast %mul3A_59 : i32 to index
      %get3A_883 = tpu.vector_load %arg7[%get3A_881, %get3A_882] {strides = array<i32>} : memref<64x512xf32, #tpu.memory_space<vmem>>, vector<1x16xf32>,
      %get3A_884 = vector.shape_cast %get3A_883 : vector<1x16xf32> to vector<16xf32>
      %broadcast_in_dim3A_885 = arith.constant 61 : i32
      %broadcast_in_dim3A_886 = vector.broadcast %broadcast_in_dim3A_885 : i32 to vector<16xi32>
      %gt3A_887 = arith.cmpf ogt, %get3A_884, %max3A_830 : vector<16xf32>
      %min3A_888 = arith.minimumf %max3A_830, %get3A_884 : vector<16xf32>
      %select_n3A_889 = arith.select %gt3A_887, %select_n3A_831, %broadcast_in_dim3A_886 : vector<16xi1>, vector<16xi32>
      %max3A_890 = arith.maximumf %max3A_830, %get3A_884 : vector<16xf32>
      %select_n3A_891 = arith.select %gt3A_887, %broadcast_in_dim3A_886, %select_n3A_831 : vector<16xi1>, vector<16xi32>
      %gt3A_892 = arith.cmpf ogt, %min3A_888, %max3A_833 : vector<16xf32>
      %max3A_893 = arith.maximumf %max3A_833, %min3A_888 : vector<16xf32>
      %select_n3A_894 = arith.select %gt3A_892, %select_n3A_889, %select_n3A_834 : vector<16xi1>, vector<16xi32>
      %get3A_895 = arith.constant 14 : i32
      %get3A_896 = arith.index_cast %get3A_895 : i32 to index
      %get3A_897 = arith.index_cast %mul3A_59 : i32 to index
      %get3A_898 = tpu.vector_load %arg7[%get3A_896, %get3A_897] {strides = array<i32>} : memref<64x512xf32, #tpu.memory_space<vmem>>, vector<1x16xf32>,
      %get3A_899 = vector.shape_cast %get3A_898 : vector<1x16xf32> to vector<16xf32>
      %broadcast_in_dim3A_900 = arith.constant 14 : i32
      %broadcast_in_dim3A_901 = vector.broadcast %broadcast_in_dim3A_900 : i32 to vector<16xi32>
      %gt3A_902 = arith.cmpf ogt, %get3A_899, %max3A_845 : vector<16xf32>
      %min3A_903 = arith.minimumf %max3A_845, %get3A_899 : vector<16xf32>
      %select_n3A_904 = arith.select %gt3A_902, %select_n3A_846, %broadcast_in_dim3A_901 : vector<16xi1>, vector<16xi32>
      %max3A_905 = arith.maximumf %max3A_845, %get3A_899 : vector<16xf32>
      %select_n3A_906 = arith.select %gt3A_902, %broadcast_in_dim3A_901, %select_n3A_846 : vector<16xi1>, vector<16xi32>
      %gt3A_907 = arith.cmpf ogt, %min3A_903, %max3A_848 : vector<16xf32>
      %max3A_908 = arith.maximumf %max3A_848, %min3A_903 : vector<16xf32>
      %select_n3A_909 = arith.select %gt3A_907, %select_n3A_904, %select_n3A_849 : vector<16xi1>, vector<16xi32>
      %get3A_910 = arith.constant 30 : i32
      %get3A_911 = arith.index_cast %get3A_910 : i32 to index
      %get3A_912 = arith.index_cast %mul3A_59 : i32 to index
      %get3A_913 = tpu.vector_load %arg7[%get3A_911, %get3A_912] {strides = array<i32>} : memref<64x512xf32, #tpu.memory_space<vmem>>, vector<1x16xf32>,
      %get3A_914 = vector.shape_cast %get3A_913 : vector<1x16xf32> to vector<16xf32>
      %broadcast_in_dim3A_915 = arith.constant 30 : i32
      %broadcast_in_dim3A_916 = vector.broadcast %broadcast_in_dim3A_915 : i32 to vector<16xi32>
      %gt3A_917 = arith.cmpf ogt, %get3A_914, %max3A_860 : vector<16xf32>
      %min3A_918 = arith.minimumf %max3A_860, %get3A_914 : vector<16xf32>
      %select_n3A_919 = arith.select %gt3A_917, %select_n3A_861, %broadcast_in_dim3A_916 : vector<16xi1>, vector<16xi32>
      %max3A_920 = arith.maximumf %max3A_860, %get3A_914 : vector<16xf32>
      %select_n3A_921 = arith.select %gt3A_917, %broadcast_in_dim3A_916, %select_n3A_861 : vector<16xi1>, vector<16xi32>
      %gt3A_922 = arith.cmpf ogt, %min3A_918, %max3A_863 : vector<16xf32>
      %max3A_923 = arith.maximumf %max3A_863, %min3A_918 : vector<16xf32>
      %select_n3A_924 = arith.select %gt3A_922, %select_n3A_919, %select_n3A_864 : vector<16xi1>, vector<16xi32>
      %get3A_925 = arith.constant 46 : i32
      %get3A_926 = arith.index_cast %get3A_925 : i32 to index
      %get3A_927 = arith.index_cast %mul3A_59 : i32 to index
      %get3A_928 = tpu.vector_load %arg7[%get3A_926, %get3A_927] {strides = array<i32>} : memref<64x512xf32, #tpu.memory_space<vmem>>, vector<1x16xf32>,
      %get3A_929 = vector.shape_cast %get3A_928 : vector<1x16xf32> to vector<16xf32>
      %broadcast_in_dim3A_930 = arith.constant 46 : i32
      %broadcast_in_dim3A_931 = vector.broadcast %broadcast_in_dim3A_930 : i32 to vector<16xi32>
      %gt3A_932 = arith.cmpf ogt, %get3A_929, %max3A_875 : vector<16xf32>
      %min3A_933 = arith.minimumf %max3A_875, %get3A_929 : vector<16xf32>
      %select_n3A_934 = arith.select %gt3A_932, %select_n3A_876, %broadcast_in_dim3A_931 : vector<16xi1>, vector<16xi32>
      %max3A_935 = arith.maximumf %max3A_875, %get3A_929 : vector<16xf32>
      %select_n3A_936 = arith.select %gt3A_932, %broadcast_in_dim3A_931, %select_n3A_876 : vector<16xi1>, vector<16xi32>
      %gt3A_937 = arith.cmpf ogt, %min3A_933, %max3A_878 : vector<16xf32>
      %max3A_938 = arith.maximumf %max3A_878, %min3A_933 : vector<16xf32>
      %select_n3A_939 = arith.select %gt3A_937, %select_n3A_934, %select_n3A_879 : vector<16xi1>, vector<16xi32>
      %get3A_940 = arith.constant 62 : i32
      %get3A_941 = arith.index_cast %get3A_940 : i32 to index
      %get3A_942 = arith.index_cast %mul3A_59 : i32 to index
      %get3A_943 = tpu.vector_load %arg7[%get3A_941, %get3A_942] {strides = array<i32>} : memref<64x512xf32, #tpu.memory_space<vmem>>, vector<1x16xf32>,
      %get3A_944 = vector.shape_cast %get3A_943 : vector<1x16xf32> to vector<16xf32>
      %broadcast_in_dim3A_945 = arith.constant 62 : i32
      %broadcast_in_dim3A_946 = vector.broadcast %broadcast_in_dim3A_945 : i32 to vector<16xi32>
      %gt3A_947 = arith.cmpf ogt, %get3A_944, %max3A_890 : vector<16xf32>
      %min3A_948 = arith.minimumf %max3A_890, %get3A_944 : vector<16xf32>
      %select_n3A_949 = arith.select %gt3A_947, %select_n3A_891, %broadcast_in_dim3A_946 : vector<16xi1>, vector<16xi32>
      %max3A_950 = arith.maximumf %max3A_890, %get3A_944 : vector<16xf32>
      %select_n3A_951 = arith.select %gt3A_947, %broadcast_in_dim3A_946, %select_n3A_891 : vector<16xi1>, vector<16xi32>
      %gt3A_952 = arith.cmpf ogt, %min3A_948, %max3A_893 : vector<16xf32>
      %max3A_953 = arith.maximumf %max3A_893, %min3A_948 : vector<16xf32>
      %select_n3A_954 = arith.select %gt3A_952, %select_n3A_949, %select_n3A_894 : vector<16xi1>, vector<16xi32>
      %get3A_955 = arith.constant 15 : i32
      %get3A_956 = arith.index_cast %get3A_955 : i32 to index
      %get3A_957 = arith.index_cast %mul3A_59 : i32 to index
      %get3A_958 = tpu.vector_load %arg7[%get3A_956, %get3A_957] {strides = array<i32>} : memref<64x512xf32, #tpu.memory_space<vmem>>, vector<1x16xf32>,
      %get3A_959 = vector.shape_cast %get3A_958 : vector<1x16xf32> to vector<16xf32>
      %broadcast_in_dim3A_960 = arith.constant 15 : i32
      %broadcast_in_dim3A_961 = vector.broadcast %broadcast_in_dim3A_960 : i32 to vector<16xi32>
      %gt3A_962 = arith.cmpf ogt, %get3A_959, %max3A_905 : vector<16xf32>
      %min3A_963 = arith.minimumf %max3A_905, %get3A_959 : vector<16xf32>
      %select_n3A_964 = arith.select %gt3A_962, %select_n3A_906, %broadcast_in_dim3A_961 : vector<16xi1>, vector<16xi32>
      %max3A_965 = arith.maximumf %max3A_905, %get3A_959 : vector<16xf32>
      %select_n3A_966 = arith.select %gt3A_962, %broadcast_in_dim3A_961, %select_n3A_906 : vector<16xi1>, vector<16xi32>
      %gt3A_967 = arith.cmpf ogt, %min3A_963, %max3A_908 : vector<16xf32>
      %max3A_968 = arith.maximumf %max3A_908, %min3A_963 : vector<16xf32>
      %select_n3A_969 = arith.select %gt3A_967, %select_n3A_964, %select_n3A_909 : vector<16xi1>, vector<16xi32>
      %get3A_970 = arith.constant 31 : i32
      %get3A_971 = arith.index_cast %get3A_970 : i32 to index
      %get3A_972 = arith.index_cast %mul3A_59 : i32 to index
      %get3A_973 = tpu.vector_load %arg7[%get3A_971, %get3A_972] {strides = array<i32>} : memref<64x512xf32, #tpu.memory_space<vmem>>, vector<1x16xf32>,
      %get3A_974 = vector.shape_cast %get3A_973 : vector<1x16xf32> to vector<16xf32>
      %broadcast_in_dim3A_975 = arith.constant 31 : i32
      %broadcast_in_dim3A_976 = vector.broadcast %broadcast_in_dim3A_975 : i32 to vector<16xi32>
      %gt3A_977 = arith.cmpf ogt, %get3A_974, %max3A_920 : vector<16xf32>
      %min3A_978 = arith.minimumf %max3A_920, %get3A_974 : vector<16xf32>
      %select_n3A_979 = arith.select %gt3A_977, %select_n3A_921, %broadcast_in_dim3A_976 : vector<16xi1>, vector<16xi32>
      %max3A_980 = arith.maximumf %max3A_920, %get3A_974 : vector<16xf32>
      %select_n3A_981 = arith.select %gt3A_977, %broadcast_in_dim3A_976, %select_n3A_921 : vector<16xi1>, vector<16xi32>
      %gt3A_982 = arith.cmpf ogt, %min3A_978, %max3A_923 : vector<16xf32>
      %max3A_983 = arith.maximumf %max3A_923, %min3A_978 : vector<16xf32>
      %select_n3A_984 = arith.select %gt3A_982, %select_n3A_979, %select_n3A_924 : vector<16xi1>, vector<16xi32>
      %get3A_985 = arith.constant 47 : i32
      %get3A_986 = arith.index_cast %get3A_985 : i32 to index
      %get3A_987 = arith.index_cast %mul3A_59 : i32 to index
      %get3A_988 = tpu.vector_load %arg7[%get3A_986, %get3A_987] {strides = array<i32>} : memref<64x512xf32, #tpu.memory_space<vmem>>, vector<1x16xf32>,
      %get3A_989 = vector.shape_cast %get3A_988 : vector<1x16xf32> to vector<16xf32>
      %broadcast_in_dim3A_990 = arith.constant 47 : i32
      %broadcast_in_dim3A_991 = vector.broadcast %broadcast_in_dim3A_990 : i32 to vector<16xi32>
      %gt3A_992 = arith.cmpf ogt, %get3A_989, %max3A_935 : vector<16xf32>
      %min3A_993 = arith.minimumf %max3A_935, %get3A_989 : vector<16xf32>
      %select_n3A_994 = arith.select %gt3A_992, %select_n3A_936, %broadcast_in_dim3A_991 : vector<16xi1>, vector<16xi32>
      %max3A_995 = arith.maximumf %max3A_935, %get3A_989 : vector<16xf32>
      %select_n3A_996 = arith.select %gt3A_992, %broadcast_in_dim3A_991, %select_n3A_936 : vector<16xi1>, vector<16xi32>
      %gt3A_997 = arith.cmpf ogt, %min3A_993, %max3A_938 : vector<16xf32>
      %max3A_998 = arith.maximumf %max3A_938, %min3A_993 : vector<16xf32>
      %select_n3A_999 = arith.select %gt3A_997, %select_n3A_994, %select_n3A_939 : vector<16xi1>, vector<16xi32>
      %get3A_1000 = arith.constant 63 : i32
      %get3A_1001 = arith.index_cast %get3A_1000 : i32 to index
      %get3A_1002 = arith.index_cast %mul3A_59 : i32 to index
      %get3A_1003 = tpu.vector_load %arg7[%get3A_1001, %get3A_1002] {strides = array<i32>} : memref<64x512xf32, #tpu.memory_space<vmem>>, vector<1x16xf32>,
      %get3A_1004 = vector.shape_cast %get3A_1003 : vector<1x16xf32> to vector<16xf32>
      %broadcast_in_dim3A_1005 = arith.constant 63 : i32
      %broadcast_in_dim3A_1006 = vector.broadcast %broadcast_in_dim3A_1005 : i32 to vector<16xi32>
      %gt3A_1007 = arith.cmpf ogt, %get3A_1004, %max3A_950 : vector<16xf32>
      %min3A_1008 = arith.minimumf %max3A_950, %get3A_1004 : vector<16xf32>
      %select_n3A_1009 = arith.select %gt3A_1007, %select_n3A_951, %broadcast_in_dim3A_1006 : vector<16xi1>, vector<16xi32>
      %max3A_1010 = arith.maximumf %max3A_950, %get3A_1004 : vector<16xf32>
      %select_n3A_1011 = arith.select %gt3A_1007, %broadcast_in_dim3A_1006, %select_n3A_951 : vector<16xi1>, vector<16xi32>
      %gt3A_1012 = arith.cmpf ogt, %min3A_1008, %max3A_953 : vector<16xf32>
      %max3A_1013 = arith.maximumf %max3A_953, %min3A_1008 : vector<16xf32>
      %select_n3A_1014 = arith.select %gt3A_1012, %select_n3A_1009, %select_n3A_954 : vector<16xi1>, vector<16xi32>
      %ge3A = arith.cmpf oge, %max3A_965, %max3A_980 : vector<16xf32>
      %max3A_1015 = arith.maximumf %max3A_965, %max3A_980 : vector<16xf32>
      %select_n3A_1016 = arith.select %ge3A, %select_n3A_966, %select_n3A_981 : vector<16xi1>, vector<16xi32>
      %ge3A_1017 = arith.cmpf oge, %max3A_968, %max3A_980 : vector<16xf32>
      %max3A_1018 = arith.maximumf %max3A_968, %max3A_980 : vector<16xf32>
      %select_n3A_1019 = arith.select %ge3A_1017, %select_n3A_969, %select_n3A_981 : vector<16xi1>, vector<16xi32>
      %ge3A_1020 = arith.cmpf oge, %max3A_965, %max3A_983 : vector<16xf32>
      %max3A_1021 = arith.maximumf %max3A_965, %max3A_983 : vector<16xf32>
      %select_n3A_1022 = arith.select %ge3A_1020, %select_n3A_966, %select_n3A_984 : vector<16xi1>, vector<16xi32>
      %select_n3A_1023 = arith.select %ge3A, %max3A_1018, %max3A_1021 : vector<16xi1>, vector<16xf32>
      %select_n3A_1024 = arith.select %ge3A, %select_n3A_1019, %select_n3A_1022 : vector<16xi1>, vector<16xi32>
      %ge3A_1025 = arith.cmpf oge, %max3A_995, %max3A_1010 : vector<16xf32>
      %max3A_1026 = arith.maximumf %max3A_995, %max3A_1010 : vector<16xf32>
      %select_n3A_1027 = arith.select %ge3A_1025, %select_n3A_996, %select_n3A_1011 : vector<16xi1>, vector<16xi32>
      %ge3A_1028 = arith.cmpf oge, %max3A_998, %max3A_1010 : vector<16xf32>
      %max3A_1029 = arith.maximumf %max3A_998, %max3A_1010 : vector<16xf32>
      %select_n3A_1030 = arith.select %ge3A_1028, %select_n3A_999, %select_n3A_1011 : vector<16xi1>, vector<16xi32>
      %ge3A_1031 = arith.cmpf oge, %max3A_995, %max3A_1013 : vector<16xf32>
      %max3A_1032 = arith.maximumf %max3A_995, %max3A_1013 : vector<16xf32>
      %select_n3A_1033 = arith.select %ge3A_1031, %select_n3A_996, %select_n3A_1014 : vector<16xi1>, vector<16xi32>
      %select_n3A_1034 = arith.select %ge3A_1025, %max3A_1029, %max3A_1032 : vector<16xi1>, vector<16xf32>
      %select_n3A_1035 = arith.select %ge3A_1025, %select_n3A_1030, %select_n3A_1033 : vector<16xi1>, vector<16xi32>
      %ge3A_1036 = arith.cmpf oge, %max3A_1015, %max3A_1026 : vector<16xf32>
      %max3A_1037 = arith.maximumf %max3A_1015, %max3A_1026 : vector<16xf32>
      %select_n3A_1038 = arith.select %ge3A_1036, %select_n3A_1016, %select_n3A_1027 : vector<16xi1>, vector<16xi32>
      %ge3A_1039 = arith.cmpf oge, %select_n3A_1023, %max3A_1026 : vector<16xf32>
      %max3A_1040 = arith.maximumf %select_n3A_1023, %max3A_1026 : vector<16xf32>
      %select_n3A_1041 = arith.select %ge3A_1039, %select_n3A_1024, %select_n3A_1027 : vector<16xi1>, vector<16xi32>
      %ge3A_1042 = arith.cmpf oge, %max3A_1015, %select_n3A_1034 : vector<16xf32>
      %max3A_1043 = arith.maximumf %max3A_1015, %select_n3A_1034 : vector<16xf32>
      %select_n3A_1044 = arith.select %ge3A_1042, %select_n3A_1016, %select_n3A_1035 : vector<16xi1>, vector<16xi32>
      %select_n3A_1045 = arith.select %ge3A_1036, %max3A_1040, %max3A_1043 : vector<16xi1>, vector<16xf32>
      %select_n3A_1046 = arith.select %ge3A_1036, %select_n3A_1041, %select_n3A_1044 : vector<16xi1>, vector<16xi32>
      %sub3A = arith.subf %select_n3A_1045, %max3A_1037 : vector<16xf32>
      %exp3A = math.exp %sub3A : vector<16xf32>
      %add3A_1047 = arith.constant 1.000000e+00 : f32
      %add3A_1048 = vector.broadcast %add3A_1047 : f32 to vector<16xf32>
      %add3A_1049 = arith.addf %add3A_1048, %exp3A : vector<16xf32>
      %div3A = arith.constant 1.000000e+00 : f32
      %div3A_1050 = vector.broadcast %div3A : f32 to vector<16xf32>
      %div3A_1051 = arith.divf %div3A_1050, %add3A_1049 : vector<16xf32>
      %mul3A_1052 = arith.mulf %exp3A, %div3A_1051 : vector<16xf32>
      %swap3A = arith.index_cast %mul3A_59 : i32 to index
      %swap3A_1053 = tpu.vector_load %arg8[%swap3A] {strides = array<i32>} : memref<512xf32, #tpu.memory_space<vmem>>, vector<16xf32>,
      %swap3A_1054 = vector.shape_cast %swap3A_1053 : vector<16xf32> to vector<16xf32>
      %swap3A_1055 = vector.shape_cast %div3A_1051 : vector<16xf32> to vector<16xf32>
      tpu.vector_store %arg8[%swap3A], %swap3A_1055 {strides = array<i32>} : memref<512xf32, #tpu.memory_space<vmem>>, vector<16xf32>,
      %swap3A_1056 = arith.index_cast %mul3A_59 : i32 to index
      %swap3A_1057 = tpu.vector_load %arg9[%swap3A_1056] {strides = array<i32>} : memref<512xf32, #tpu.memory_space<vmem>>, vector<16xf32>,
      %swap3A_1058 = vector.shape_cast %swap3A_1057 : vector<16xf32> to vector<16xf32>
      %swap3A_1059 = vector.shape_cast %mul3A_1052 : vector<16xf32> to vector<16xf32>
      tpu.vector_store %arg9[%swap3A_1056], %swap3A_1059 {strides = array<i32>} : memref<512xf32, #tpu.memory_space<vmem>>, vector<16xf32>,
      %swap3A_1060 = arith.index_cast %mul3A_59 : i32 to index
      %swap3A_1061 = tpu.vector_load %arg10[%swap3A_1060] {strides = array<i32>} : memref<512xi32, #tpu.memory_space<vmem>>, vector<16xi32>,
      %swap3A_1062 = vector.shape_cast %swap3A_1061 : vector<16xi32> to vector<16xi32>
      %swap3A_1063 = vector.shape_cast %select_n3A_1038 : vector<16xi32> to vector<16xi32>
      tpu.vector_store %arg10[%swap3A_1060], %swap3A_1063 {strides = array<i32>} : memref<512xi32, #tpu.memory_space<vmem>>, vector<16xi32>,
      %swap3A_1064 = arith.index_cast %mul3A_59 : i32 to index
      %swap3A_1065 = tpu.vector_load %arg11[%swap3A_1064] {strides = array<i32>} : memref<512xi32, #tpu.memory_space<vmem>>, vector<16xi32>,
      %swap3A_1066 = vector.shape_cast %swap3A_1065 : vector<16xi32> to vector<16xi32>
      %swap3A_1067 = vector.shape_cast %select_n3A_1046 : vector<16xi32> to vector<16xi32>
      tpu.vector_store %arg11[%swap3A_1064], %swap3A_1067 {strides = array<i32>} : memref<512xi32, #tpu.memory_space<vmem>>, vector<16xi32>,
    }
    %scan3A_40 = arith.constant 16 : i32
    %dma_wait3A_41 = arith.constant 0 : i32
    %dma_wait3A_42 = arith.constant 256 : i32
    %dma_wait3A_43 = tpu.memref_slice %arg7[%dma_wait3A_41, %dma_wait3A_42] : memref<64x512xf32, #tpu.memory_space<vmem>> -> memref<64x256xf32, #tpu.memory_space<vmem>>
    %dma_wait3A_44 = arith.constant 0 : i32
    %dma_wait3A_45 = tpu.memref_slice %arg2[%dma_wait3A_44, %add3A_13] : memref<64x16384xf32, #tpu.memory_space<hbm>> -> memref<64x256xf32, #tpu.memory_space<hbm>>
    %dma_wait3A_46 = arith.constant 0 : i32
    %dma_wait3A_47 = arith.constant 256 : i32
    %dma_wait3A_48 = tpu.memref_slice %arg7[%dma_wait3A_46, %dma_wait3A_47] : memref<64x512xf32, #tpu.memory_space<vmem>> -> memref<64x256xf32, #tpu.memory_space<vmem>>
    %dma_wait3A_49 = arith.constant 0 : i32
    %dma_wait3A_50 = tpu.memref_slice %arg2[%dma_wait3A_49, %add3A_13] : memref<64x16384xf32, #tpu.memory_space<hbm>> -> memref<64x256xf32, #tpu.memory_space<hbm>>
    tpu.wait_dma2 semaphore(%arg13 : memref<!tpu.dma_semaphore, #tpu.memory_space<semaphore_mem>>) src(%dma_wait3A_50 : memref<64x256xf32, #tpu.memory_space<hbm>>) dst(%dma_wait3A_48 : memref<64x256xf32, #tpu.memory_space<vmem>>)
    %scan3A_51 = arith.constant 0 : i32
    %scan3A_52 = arith.constant 16 : i32
    %scan3A_53 = arith.constant 16 : i32
    %scan3A_54 = arith.addi %scan3A_52, %scan3A_53 : i32
    %scan3A_55 = arith.constant 1 : i32
    scf.for %scan3A_57 = %scan3A_52 to %scan3A_54 step %scan3A_55  : i32 {
      %mul3A_58 = arith.constant 16 : i32
      %mul3A_59 = arith.muli %scan3A_57, %mul3A_58 : i32
      %get3A = arith.constant 0 : i32
      %get3A_60 = arith.index_cast %get3A : i32 to index
      %get3A_61 = arith.index_cast %mul3A_59 : i32 to index
      %get3A_62 = tpu.vector_load %arg7[%get3A_60, %get3A_61] {strides = array<i32>} : memref<64x512xf32, #tpu.memory_space<vmem>>, vector<1x16xf32>,
      %get3A_63 = vector.shape_cast %get3A_62 : vector<1x16xf32> to vector<16xf32>
      %broadcast_in_dim3A_64 = arith.constant 0 : i32
      %broadcast_in_dim3A_65 = vector.broadcast %broadcast_in_dim3A_64 : i32 to vector<16xi32>
      %gt3A = arith.cmpf ogt, %get3A_63, %broadcast_in_dim3A_24 : vector<16xf32>
      %min3A = arith.minimumf %broadcast_in_dim3A_24, %get3A_63 : vector<16xf32>
      %select_n3A = arith.select %gt3A, %broadcast_in_dim3A_26, %broadcast_in_dim3A_65 : vector<16xi1>, vector<16xi32>
      %max3A = arith.maximumf %broadcast_in_dim3A_24, %get3A_63 : vector<16xf32>
      %select_n3A_66 = arith.select %gt3A, %broadcast_in_dim3A_65, %broadcast_in_dim3A_26 : vector<16xi1>, vector<16xi32>
      %gt3A_67 = arith.cmpf ogt, %min3A, %broadcast_in_dim3A_24 : vector<16xf32>
      %max3A_68 = arith.maximumf %broadcast_in_dim3A_24, %min3A : vector<16xf32>
      %select_n3A_69 = arith.select %gt3A_67, %select_n3A, %broadcast_in_dim3A_26 : vector<16xi1>, vector<16xi32>
      %get3A_70 = arith.constant 16 : i32
      %get3A_71 = arith.index_cast %get3A_70 : i32 to index
      %get3A_72 = arith.index_cast %mul3A_59 : i32 to index
      %get3A_73 = tpu.vector_load %arg7[%get3A_71, %get3A_72] {strides = array<i32>} : memref<64x512xf32, #tpu.memory_space<vmem>>, vector<1x16xf32>,
      %get3A_74 = vector.shape_cast %get3A_73 : vector<1x16xf32> to vector<16xf32>
      %broadcast_in_dim3A_75 = arith.constant 16 : i32
      %broadcast_in_dim3A_76 = vector.broadcast %broadcast_in_dim3A_75 : i32 to vector<16xi32>
      %gt3A_77 = arith.cmpf ogt, %get3A_74, %broadcast_in_dim3A_24 : vector<16xf32>
      %min3A_78 = arith.minimumf %broadcast_in_dim3A_24, %get3A_74 : vector<16xf32>
      %select_n3A_79 = arith.select %gt3A_77, %broadcast_in_dim3A_26, %broadcast_in_dim3A_76 : vector<16xi1>, vector<16xi32>
      %max3A_80 = arith.maximumf %broadcast_in_dim3A_24, %get3A_74 : vector<16xf32>
      %select_n3A_81 = arith.select %gt3A_77, %broadcast_in_dim3A_76, %broadcast_in_dim3A_26 : vector<16xi1>, vector<16xi32>
      %gt3A_82 = arith.cmpf ogt, %min3A_78, %broadcast_in_dim3A_24 : vector<16xf32>
      %max3A_83 = arith.maximumf %broadcast_in_dim3A_24, %min3A_78 : vector<16xf32>
      %select_n3A_84 = arith.select %gt3A_82, %select_n3A_79, %broadcast_in_dim3A_26 : vector<16xi1>, vector<16xi32>
      %get3A_85 = arith.constant 32 : i32
      %get3A_86 = arith.index_cast %get3A_85 : i32 to index
      %get3A_87 = arith.index_cast %mul3A_59 : i32 to index
      %get3A_88 = tpu.vector_load %arg7[%get3A_86, %get3A_87] {strides = array<i32>} : memref<64x512xf32, #tpu.memory_space<vmem>>, vector<1x16xf32>,
      %get3A_89 = vector.shape_cast %get3A_88 : vector<1x16xf32> to vector<16xf32>
      %broadcast_in_dim3A_90 = arith.constant 32 : i32
      %broadcast_in_dim3A_91 = vector.broadcast %broadcast_in_dim3A_90 : i32 to vector<16xi32>
      %gt3A_92 = arith.cmpf ogt, %get3A_89, %broadcast_in_dim3A_24 : vector<16xf32>
      %min3A_93 = arith.minimumf %broadcast_in_dim3A_24, %get3A_89 : vector<16xf32>
      %select_n3A_94 = arith.select %gt3A_92, %broadcast_in_dim3A_26, %broadcast_in_dim3A_91 : vector<16xi1>, vector<16xi32>
      %max3A_95 = arith.maximumf %broadcast_in_dim3A_24, %get3A_89 : vector<16xf32>
      %select_n3A_96 = arith.select %gt3A_92, %broadcast_in_dim3A_91, %broadcast_in_dim3A_26 : vector<16xi1>, vector<16xi32>
      %gt3A_97 = arith.cmpf ogt, %min3A_93, %broadcast_in_dim3A_24 : vector<16xf32>
      %max3A_98 = arith.maximumf %broadcast_in_dim3A_24, %min3A_93 : vector<16xf32>
      %select_n3A_99 = arith.select %gt3A_97, %select_n3A_94, %broadcast_in_dim3A_26 : vector<16xi1>, vector<16xi32>
      %get3A_100 = arith.constant 48 : i32
      %get3A_101 = arith.index_cast %get3A_100 : i32 to index
      %get3A_102 = arith.index_cast %mul3A_59 : i32 to index
      %get3A_103 = tpu.vector_load %arg7[%get3A_101, %get3A_102] {strides = array<i32>} : memref<64x512xf32, #tpu.memory_space<vmem>>, vector<1x16xf32>,
      %get3A_104 = vector.shape_cast %get3A_103 : vector<1x16xf32> to vector<16xf32>
      %broadcast_in_dim3A_105 = arith.constant 48 : i32
      %broadcast_in_dim3A_106 = vector.broadcast %broadcast_in_dim3A_105 : i32 to vector<16xi32>
      %gt3A_107 = arith.cmpf ogt, %get3A_104, %broadcast_in_dim3A_24 : vector<16xf32>
      %min3A_108 = arith.minimumf %broadcast_in_dim3A_24, %get3A_104 : vector<16xf32>
      %select_n3A_109 = arith.select %gt3A_107, %broadcast_in_dim3A_26, %broadcast_in_dim3A_106 : vector<16xi1>, vector<16xi32>
      %max3A_110 = arith.maximumf %broadcast_in_dim3A_24, %get3A_104 : vector<16xf32>
      %select_n3A_111 = arith.select %gt3A_107, %broadcast_in_dim3A_106, %broadcast_in_dim3A_26 : vector<16xi1>, vector<16xi32>
      %gt3A_112 = arith.cmpf ogt, %min3A_108, %broadcast_in_dim3A_24 : vector<16xf32>
      %max3A_113 = arith.maximumf %broadcast_in_dim3A_24, %min3A_108 : vector<16xf32>
      %select_n3A_114 = arith.select %gt3A_112, %select_n3A_109, %broadcast_in_dim3A_26 : vector<16xi1>, vector<16xi32>
      %get3A_115 = arith.constant 1 : i32
      %get3A_116 = arith.index_cast %get3A_115 : i32 to index
      %get3A_117 = arith.index_cast %mul3A_59 : i32 to index
      %get3A_118 = tpu.vector_load %arg7[%get3A_116, %get3A_117] {strides = array<i32>} : memref<64x512xf32, #tpu.memory_space<vmem>>, vector<1x16xf32>,
      %get3A_119 = vector.shape_cast %get3A_118 : vector<1x16xf32> to vector<16xf32>
      %broadcast_in_dim3A_120 = arith.constant 1 : i32
      %broadcast_in_dim3A_121 = vector.broadcast %broadcast_in_dim3A_120 : i32 to vector<16xi32>
      %gt3A_122 = arith.cmpf ogt, %get3A_119, %max3A : vector<16xf32>
      %min3A_123 = arith.minimumf %max3A, %get3A_119 : vector<16xf32>
      %select_n3A_124 = arith.select %gt3A_122, %select_n3A_66, %broadcast_in_dim3A_121 : vector<16xi1>, vector<16xi32>
      %max3A_125 = arith.maximumf %max3A, %get3A_119 : vector<16xf32>
      %select_n3A_126 = arith.select %gt3A_122, %broadcast_in_dim3A_121, %select_n3A_66 : vector<16xi1>, vector<16xi32>
      %gt3A_127 = arith.cmpf ogt, %min3A_123, %max3A_68 : vector<16xf32>
      %max3A_128 = arith.maximumf %max3A_68, %min3A_123 : vector<16xf32>
      %select_n3A_129 = arith.select %gt3A_127, %select_n3A_124, %select_n3A_69 : vector<16xi1>, vector<16xi32>
      %get3A_130 = arith.constant 17 : i32
      %get3A_131 = arith.index_cast %get3A_130 : i32 to index
      %get3A_132 = arith.index_cast %mul3A_59 : i32 to index
      %get3A_133 = tpu.vector_load %arg7[%get3A_131, %get3A_132] {strides = array<i32>} : memref<64x512xf32, #tpu.memory_space<vmem>>, vector<1x16xf32>,
      %get3A_134 = vector.shape_cast %get3A_133 : vector<1x16xf32> to vector<16xf32>
      %broadcast_in_dim3A_135 = arith.constant 17 : i32
      %broadcast_in_dim3A_136 = vector.broadcast %broadcast_in_dim3A_135 : i32 to vector<16xi32>
      %gt3A_137 = arith.cmpf ogt, %get3A_134, %max3A_80 : vector<16xf32>
      %min3A_138 = arith.minimumf %max3A_80, %get3A_134 : vector<16xf32>
      %select_n3A_139 = arith.select %gt3A_137, %select_n3A_81, %broadcast_in_dim3A_136 : vector<16xi1>, vector<16xi32>
      %max3A_140 = arith.maximumf %max3A_80, %get3A_134 : vector<16xf32>
      %select_n3A_141 = arith.select %gt3A_137, %broadcast_in_dim3A_136, %select_n3A_81 : vector<16xi1>, vector<16xi32>
      %gt3A_142 = arith.cmpf ogt, %min3A_138, %max3A_83 : vector<16xf32>
      %max3A_143 = arith.maximumf %max3A_83, %min3A_138 : vector<16xf32>
      %select_n3A_144 = arith.select %gt3A_142, %select_n3A_139, %select_n3A_84 : vector<16xi1>, vector<16xi32>
      %get3A_145 = arith.constant 33 : i32
      %get3A_146 = arith.index_cast %get3A_145 : i32 to index
      %get3A_147 = arith.index_cast %mul3A_59 : i32 to index
      %get3A_148 = tpu.vector_load %arg7[%get3A_146, %get3A_147] {strides = array<i32>} : memref<64x512xf32, #tpu.memory_space<vmem>>, vector<1x16xf32>,
      %get3A_149 = vector.shape_cast %get3A_148 : vector<1x16xf32> to vector<16xf32>
      %broadcast_in_dim3A_150 = arith.constant 33 : i32
      %broadcast_in_dim3A_151 = vector.broadcast %broadcast_in_dim3A_150 : i32 to vector<16xi32>
      %gt3A_152 = arith.cmpf ogt, %get3A_149, %max3A_95 : vector<16xf32>
      %min3A_153 = arith.minimumf %max3A_95, %get3A_149 : vector<16xf32>
      %select_n3A_154 = arith.select %gt3A_152, %select_n3A_96, %broadcast_in_dim3A_151 : vector<16xi1>, vector<16xi32>
      %max3A_155 = arith.maximumf %max3A_95, %get3A_149 : vector<16xf32>
      %select_n3A_156 = arith.select %gt3A_152, %broadcast_in_dim3A_151, %select_n3A_96 : vector<16xi1>, vector<16xi32>
      %gt3A_157 = arith.cmpf ogt, %min3A_153, %max3A_98 : vector<16xf32>
      %max3A_158 = arith.maximumf %max3A_98, %min3A_153 : vector<16xf32>
      %select_n3A_159 = arith.select %gt3A_157, %select_n3A_154, %select_n3A_99 : vector<16xi1>, vector<16xi32>
      %get3A_160 = arith.constant 49 : i32
      %get3A_161 = arith.index_cast %get3A_160 : i32 to index
      %get3A_162 = arith.index_cast %mul3A_59 : i32 to index
      %get3A_163 = tpu.vector_load %arg7[%get3A_161, %get3A_162] {strides = array<i32>} : memref<64x512xf32, #tpu.memory_space<vmem>>, vector<1x16xf32>,
      %get3A_164 = vector.shape_cast %get3A_163 : vector<1x16xf32> to vector<16xf32>
      %broadcast_in_dim3A_165 = arith.constant 49 : i32
      %broadcast_in_dim3A_166 = vector.broadcast %broadcast_in_dim3A_165 : i32 to vector<16xi32>
      %gt3A_167 = arith.cmpf ogt, %get3A_164, %max3A_110 : vector<16xf32>
      %min3A_168 = arith.minimumf %max3A_110, %get3A_164 : vector<16xf32>
      %select_n3A_169 = arith.select %gt3A_167, %select_n3A_111, %broadcast_in_dim3A_166 : vector<16xi1>, vector<16xi32>
      %max3A_170 = arith.maximumf %max3A_110, %get3A_164 : vector<16xf32>
      %select_n3A_171 = arith.select %gt3A_167, %broadcast_in_dim3A_166, %select_n3A_111 : vector<16xi1>, vector<16xi32>
      %gt3A_172 = arith.cmpf ogt, %min3A_168, %max3A_113 : vector<16xf32>
      %max3A_173 = arith.maximumf %max3A_113, %min3A_168 : vector<16xf32>
      %select_n3A_174 = arith.select %gt3A_172, %select_n3A_169, %select_n3A_114 : vector<16xi1>, vector<16xi32>
      %get3A_175 = arith.constant 2 : i32
      %get3A_176 = arith.index_cast %get3A_175 : i32 to index
      %get3A_177 = arith.index_cast %mul3A_59 : i32 to index
      %get3A_178 = tpu.vector_load %arg7[%get3A_176, %get3A_177] {strides = array<i32>} : memref<64x512xf32, #tpu.memory_space<vmem>>, vector<1x16xf32>,
      %get3A_179 = vector.shape_cast %get3A_178 : vector<1x16xf32> to vector<16xf32>
      %broadcast_in_dim3A_180 = arith.constant 2 : i32
      %broadcast_in_dim3A_181 = vector.broadcast %broadcast_in_dim3A_180 : i32 to vector<16xi32>
      %gt3A_182 = arith.cmpf ogt, %get3A_179, %max3A_125 : vector<16xf32>
      %min3A_183 = arith.minimumf %max3A_125, %get3A_179 : vector<16xf32>
      %select_n3A_184 = arith.select %gt3A_182, %select_n3A_126, %broadcast_in_dim3A_181 : vector<16xi1>, vector<16xi32>
      %max3A_185 = arith.maximumf %max3A_125, %get3A_179 : vector<16xf32>
      %select_n3A_186 = arith.select %gt3A_182, %broadcast_in_dim3A_181, %select_n3A_126 : vector<16xi1>, vector<16xi32>
      %gt3A_187 = arith.cmpf ogt, %min3A_183, %max3A_128 : vector<16xf32>
      %max3A_188 = arith.maximumf %max3A_128, %min3A_183 : vector<16xf32>
      %select_n3A_189 = arith.select %gt3A_187, %select_n3A_184, %select_n3A_129 : vector<16xi1>, vector<16xi32>
      %get3A_190 = arith.constant 18 : i32
      %get3A_191 = arith.index_cast %get3A_190 : i32 to index
      %get3A_192 = arith.index_cast %mul3A_59 : i32 to index
      %get3A_193 = tpu.vector_load %arg7[%get3A_191, %get3A_192] {strides = array<i32>} : memref<64x512xf32, #tpu.memory_space<vmem>>, vector<1x16xf32>,
      %get3A_194 = vector.shape_cast %get3A_193 : vector<1x16xf32> to vector<16xf32>
      %broadcast_in_dim3A_195 = arith.constant 18 : i32
      %broadcast_in_dim3A_196 = vector.broadcast %broadcast_in_dim3A_195 : i32 to vector<16xi32>
      %gt3A_197 = arith.cmpf ogt, %get3A_194, %max3A_140 : vector<16xf32>
      %min3A_198 = arith.minimumf %max3A_140, %get3A_194 : vector<16xf32>
      %select_n3A_199 = arith.select %gt3A_197, %select_n3A_141, %broadcast_in_dim3A_196 : vector<16xi1>, vector<16xi32>
      %max3A_200 = arith.maximumf %max3A_140, %get3A_194 : vector<16xf32>
      %select_n3A_201 = arith.select %gt3A_197, %broadcast_in_dim3A_196, %select_n3A_141 : vector<16xi1>, vector<16xi32>
      %gt3A_202 = arith.cmpf ogt, %min3A_198, %max3A_143 : vector<16xf32>
      %max3A_203 = arith.maximumf %max3A_143, %min3A_198 : vector<16xf32>
      %select_n3A_204 = arith.select %gt3A_202, %select_n3A_199, %select_n3A_144 : vector<16xi1>, vector<16xi32>
      %get3A_205 = arith.constant 34 : i32
      %get3A_206 = arith.index_cast %get3A_205 : i32 to index
      %get3A_207 = arith.index_cast %mul3A_59 : i32 to index
      %get3A_208 = tpu.vector_load %arg7[%get3A_206, %get3A_207] {strides = array<i32>} : memref<64x512xf32, #tpu.memory_space<vmem>>, vector<1x16xf32>,
      %get3A_209 = vector.shape_cast %get3A_208 : vector<1x16xf32> to vector<16xf32>
      %broadcast_in_dim3A_210 = arith.constant 34 : i32
      %broadcast_in_dim3A_211 = vector.broadcast %broadcast_in_dim3A_210 : i32 to vector<16xi32>
      %gt3A_212 = arith.cmpf ogt, %get3A_209, %max3A_155 : vector<16xf32>
      %min3A_213 = arith.minimumf %max3A_155, %get3A_209 : vector<16xf32>
      %select_n3A_214 = arith.select %gt3A_212, %select_n3A_156, %broadcast_in_dim3A_211 : vector<16xi1>, vector<16xi32>
      %max3A_215 = arith.maximumf %max3A_155, %get3A_209 : vector<16xf32>
      %select_n3A_216 = arith.select %gt3A_212, %broadcast_in_dim3A_211, %select_n3A_156 : vector<16xi1>, vector<16xi32>
      %gt3A_217 = arith.cmpf ogt, %min3A_213, %max3A_158 : vector<16xf32>
      %max3A_218 = arith.maximumf %max3A_158, %min3A_213 : vector<16xf32>
      %select_n3A_219 = arith.select %gt3A_217, %select_n3A_214, %select_n3A_159 : vector<16xi1>, vector<16xi32>
      %get3A_220 = arith.constant 50 : i32
      %get3A_221 = arith.index_cast %get3A_220 : i32 to index
      %get3A_222 = arith.index_cast %mul3A_59 : i32 to index
      %get3A_223 = tpu.vector_load %arg7[%get3A_221, %get3A_222] {strides = array<i32>} : memref<64x512xf32, #tpu.memory_space<vmem>>, vector<1x16xf32>,
      %get3A_224 = vector.shape_cast %get3A_223 : vector<1x16xf32> to vector<16xf32>
      %broadcast_in_dim3A_225 = arith.constant 50 : i32
      %broadcast_in_dim3A_226 = vector.broadcast %broadcast_in_dim3A_225 : i32 to vector<16xi32>
      %gt3A_227 = arith.cmpf ogt, %get3A_224, %max3A_170 : vector<16xf32>
      %min3A_228 = arith.minimumf %max3A_170, %get3A_224 : vector<16xf32>
      %select_n3A_229 = arith.select %gt3A_227, %select_n3A_171, %broadcast_in_dim3A_226 : vector<16xi1>, vector<16xi32>
      %max3A_230 = arith.maximumf %max3A_170, %get3A_224 : vector<16xf32>
      %select_n3A_231 = arith.select %gt3A_227, %broadcast_in_dim3A_226, %select_n3A_171 : vector<16xi1>, vector<16xi32>
      %gt3A_232 = arith.cmpf ogt, %min3A_228, %max3A_173 : vector<16xf32>
      %max3A_233 = arith.maximumf %max3A_173, %min3A_228 : vector<16xf32>
      %select_n3A_234 = arith.select %gt3A_232, %select_n3A_229, %select_n3A_174 : vector<16xi1>, vector<16xi32>
      %get3A_235 = arith.constant 3 : i32
      %get3A_236 = arith.index_cast %get3A_235 : i32 to index
      %get3A_237 = arith.index_cast %mul3A_59 : i32 to index
      %get3A_238 = tpu.vector_load %arg7[%get3A_236, %get3A_237] {strides = array<i32>} : memref<64x512xf32, #tpu.memory_space<vmem>>, vector<1x16xf32>,
      %get3A_239 = vector.shape_cast %get3A_238 : vector<1x16xf32> to vector<16xf32>
      %broadcast_in_dim3A_240 = arith.constant 3 : i32
      %broadcast_in_dim3A_241 = vector.broadcast %broadcast_in_dim3A_240 : i32 to vector<16xi32>
      %gt3A_242 = arith.cmpf ogt, %get3A_239, %max3A_185 : vector<16xf32>
      %min3A_243 = arith.minimumf %max3A_185, %get3A_239 : vector<16xf32>
      %select_n3A_244 = arith.select %gt3A_242, %select_n3A_186, %broadcast_in_dim3A_241 : vector<16xi1>, vector<16xi32>
      %max3A_245 = arith.maximumf %max3A_185, %get3A_239 : vector<16xf32>
      %select_n3A_246 = arith.select %gt3A_242, %broadcast_in_dim3A_241, %select_n3A_186 : vector<16xi1>, vector<16xi32>
      %gt3A_247 = arith.cmpf ogt, %min3A_243, %max3A_188 : vector<16xf32>
      %max3A_248 = arith.maximumf %max3A_188, %min3A_243 : vector<16xf32>
      %select_n3A_249 = arith.select %gt3A_247, %select_n3A_244, %select_n3A_189 : vector<16xi1>, vector<16xi32>
      %get3A_250 = arith.constant 19 : i32
      %get3A_251 = arith.index_cast %get3A_250 : i32 to index
      %get3A_252 = arith.index_cast %mul3A_59 : i32 to index
      %get3A_253 = tpu.vector_load %arg7[%get3A_251, %get3A_252] {strides = array<i32>} : memref<64x512xf32, #tpu.memory_space<vmem>>, vector<1x16xf32>,
      %get3A_254 = vector.shape_cast %get3A_253 : vector<1x16xf32> to vector<16xf32>
      %broadcast_in_dim3A_255 = arith.constant 19 : i32
      %broadcast_in_dim3A_256 = vector.broadcast %broadcast_in_dim3A_255 : i32 to vector<16xi32>
      %gt3A_257 = arith.cmpf ogt, %get3A_254, %max3A_200 : vector<16xf32>
      %min3A_258 = arith.minimumf %max3A_200, %get3A_254 : vector<16xf32>
      %select_n3A_259 = arith.select %gt3A_257, %select_n3A_201, %broadcast_in_dim3A_256 : vector<16xi1>, vector<16xi32>
      %max3A_260 = arith.maximumf %max3A_200, %get3A_254 : vector<16xf32>
      %select_n3A_261 = arith.select %gt3A_257, %broadcast_in_dim3A_256, %select_n3A_201 : vector<16xi1>, vector<16xi32>
      %gt3A_262 = arith.cmpf ogt, %min3A_258, %max3A_203 : vector<16xf32>
      %max3A_263 = arith.maximumf %max3A_203, %min3A_258 : vector<16xf32>
      %select_n3A_264 = arith.select %gt3A_262, %select_n3A_259, %select_n3A_204 : vector<16xi1>, vector<16xi32>
      %get3A_265 = arith.constant 35 : i32
      %get3A_266 = arith.index_cast %get3A_265 : i32 to index
      %get3A_267 = arith.index_cast %mul3A_59 : i32 to index
      %get3A_268 = tpu.vector_load %arg7[%get3A_266, %get3A_267] {strides = array<i32>} : memref<64x512xf32, #tpu.memory_space<vmem>>, vector<1x16xf32>,
      %get3A_269 = vector.shape_cast %get3A_268 : vector<1x16xf32> to vector<16xf32>
      %broadcast_in_dim3A_270 = arith.constant 35 : i32
      %broadcast_in_dim3A_271 = vector.broadcast %broadcast_in_dim3A_270 : i32 to vector<16xi32>
      %gt3A_272 = arith.cmpf ogt, %get3A_269, %max3A_215 : vector<16xf32>
      %min3A_273 = arith.minimumf %max3A_215, %get3A_269 : vector<16xf32>
      %select_n3A_274 = arith.select %gt3A_272, %select_n3A_216, %broadcast_in_dim3A_271 : vector<16xi1>, vector<16xi32>
      %max3A_275 = arith.maximumf %max3A_215, %get3A_269 : vector<16xf32>
      %select_n3A_276 = arith.select %gt3A_272, %broadcast_in_dim3A_271, %select_n3A_216 : vector<16xi1>, vector<16xi32>
      %gt3A_277 = arith.cmpf ogt, %min3A_273, %max3A_218 : vector<16xf32>
      %max3A_278 = arith.maximumf %max3A_218, %min3A_273 : vector<16xf32>
      %select_n3A_279 = arith.select %gt3A_277, %select_n3A_274, %select_n3A_219 : vector<16xi1>, vector<16xi32>
      %get3A_280 = arith.constant 51 : i32
      %get3A_281 = arith.index_cast %get3A_280 : i32 to index
      %get3A_282 = arith.index_cast %mul3A_59 : i32 to index
      %get3A_283 = tpu.vector_load %arg7[%get3A_281, %get3A_282] {strides = array<i32>} : memref<64x512xf32, #tpu.memory_space<vmem>>, vector<1x16xf32>,
      %get3A_284 = vector.shape_cast %get3A_283 : vector<1x16xf32> to vector<16xf32>
      %broadcast_in_dim3A_285 = arith.constant 51 : i32
      %broadcast_in_dim3A_286 = vector.broadcast %broadcast_in_dim3A_285 : i32 to vector<16xi32>
      %gt3A_287 = arith.cmpf ogt, %get3A_284, %max3A_230 : vector<16xf32>
      %min3A_288 = arith.minimumf %max3A_230, %get3A_284 : vector<16xf32>
      %select_n3A_289 = arith.select %gt3A_287, %select_n3A_231, %broadcast_in_dim3A_286 : vector<16xi1>, vector<16xi32>
      %max3A_290 = arith.maximumf %max3A_230, %get3A_284 : vector<16xf32>
      %select_n3A_291 = arith.select %gt3A_287, %broadcast_in_dim3A_286, %select_n3A_231 : vector<16xi1>, vector<16xi32>
      %gt3A_292 = arith.cmpf ogt, %min3A_288, %max3A_233 : vector<16xf32>
      %max3A_293 = arith.maximumf %max3A_233, %min3A_288 : vector<16xf32>
      %select_n3A_294 = arith.select %gt3A_292, %select_n3A_289, %select_n3A_234 : vector<16xi1>, vector<16xi32>
      %get3A_295 = arith.constant 4 : i32
      %get3A_296 = arith.index_cast %get3A_295 : i32 to index
      %get3A_297 = arith.index_cast %mul3A_59 : i32 to index
      %get3A_298 = tpu.vector_load %arg7[%get3A_296, %get3A_297] {strides = array<i32>} : memref<64x512xf32, #tpu.memory_space<vmem>>, vector<1x16xf32>,
      %get3A_299 = vector.shape_cast %get3A_298 : vector<1x16xf32> to vector<16xf32>
      %broadcast_in_dim3A_300 = arith.constant 4 : i32
      %broadcast_in_dim3A_301 = vector.broadcast %broadcast_in_dim3A_300 : i32 to vector<16xi32>
      %gt3A_302 = arith.cmpf ogt, %get3A_299, %max3A_245 : vector<16xf32>
      %min3A_303 = arith.minimumf %max3A_245, %get3A_299 : vector<16xf32>
      %select_n3A_304 = arith.select %gt3A_302, %select_n3A_246, %broadcast_in_dim3A_301 : vector<16xi1>, vector<16xi32>
      %max3A_305 = arith.maximumf %max3A_245, %get3A_299 : vector<16xf32>
      %select_n3A_306 = arith.select %gt3A_302, %broadcast_in_dim3A_301, %select_n3A_246 : vector<16xi1>, vector<16xi32>
      %gt3A_307 = arith.cmpf ogt, %min3A_303, %max3A_248 : vector<16xf32>
      %max3A_308 = arith.maximumf %max3A_248, %min3A_303 : vector<16xf32>
      %select_n3A_309 = arith.select %gt3A_307, %select_n3A_304, %select_n3A_249 : vector<16xi1>, vector<16xi32>
      %get3A_310 = arith.constant 20 : i32
      %get3A_311 = arith.index_cast %get3A_310 : i32 to index
      %get3A_312 = arith.index_cast %mul3A_59 : i32 to index
      %get3A_313 = tpu.vector_load %arg7[%get3A_311, %get3A_312] {strides = array<i32>} : memref<64x512xf32, #tpu.memory_space<vmem>>, vector<1x16xf32>,
      %get3A_314 = vector.shape_cast %get3A_313 : vector<1x16xf32> to vector<16xf32>
      %broadcast_in_dim3A_315 = arith.constant 20 : i32
      %broadcast_in_dim3A_316 = vector.broadcast %broadcast_in_dim3A_315 : i32 to vector<16xi32>
      %gt3A_317 = arith.cmpf ogt, %get3A_314, %max3A_260 : vector<16xf32>
      %min3A_318 = arith.minimumf %max3A_260, %get3A_314 : vector<16xf32>
      %select_n3A_319 = arith.select %gt3A_317, %select_n3A_261, %broadcast_in_dim3A_316 : vector<16xi1>, vector<16xi32>
      %max3A_320 = arith.maximumf %max3A_260, %get3A_314 : vector<16xf32>
      %select_n3A_321 = arith.select %gt3A_317, %broadcast_in_dim3A_316, %select_n3A_261 : vector<16xi1>, vector<16xi32>
      %gt3A_322 = arith.cmpf ogt, %min3A_318, %max3A_263 : vector<16xf32>
      %max3A_323 = arith.maximumf %max3A_263, %min3A_318 : vector<16xf32>
      %select_n3A_324 = arith.select %gt3A_322, %select_n3A_319, %select_n3A_264 : vector<16xi1>, vector<16xi32>
      %get3A_325 = arith.constant 36 : i32
      %get3A_326 = arith.index_cast %get3A_325 : i32 to index
      %get3A_327 = arith.index_cast %mul3A_59 : i32 to index
      %get3A_328 = tpu.vector_load %arg7[%get3A_326, %get3A_327] {strides = array<i32>} : memref<64x512xf32, #tpu.memory_space<vmem>>, vector<1x16xf32>,
      %get3A_329 = vector.shape_cast %get3A_328 : vector<1x16xf32> to vector<16xf32>
      %broadcast_in_dim3A_330 = arith.constant 36 : i32
      %broadcast_in_dim3A_331 = vector.broadcast %broadcast_in_dim3A_330 : i32 to vector<16xi32>
      %gt3A_332 = arith.cmpf ogt, %get3A_329, %max3A_275 : vector<16xf32>
      %min3A_333 = arith.minimumf %max3A_275, %get3A_329 : vector<16xf32>
      %select_n3A_334 = arith.select %gt3A_332, %select_n3A_276, %broadcast_in_dim3A_331 : vector<16xi1>, vector<16xi32>
      %max3A_335 = arith.maximumf %max3A_275, %get3A_329 : vector<16xf32>
      %select_n3A_336 = arith.select %gt3A_332, %broadcast_in_dim3A_331, %select_n3A_276 : vector<16xi1>, vector<16xi32>
      %gt3A_337 = arith.cmpf ogt, %min3A_333, %max3A_278 : vector<16xf32>
      %max3A_338 = arith.maximumf %max3A_278, %min3A_333 : vector<16xf32>
      %select_n3A_339 = arith.select %gt3A_337, %select_n3A_334, %select_n3A_279 : vector<16xi1>, vector<16xi32>
      %get3A_340 = arith.constant 52 : i32
      %get3A_341 = arith.index_cast %get3A_340 : i32 to index
      %get3A_342 = arith.index_cast %mul3A_59 : i32 to index
      %get3A_343 = tpu.vector_load %arg7[%get3A_341, %get3A_342] {strides = array<i32>} : memref<64x512xf32, #tpu.memory_space<vmem>>, vector<1x16xf32>,
      %get3A_344 = vector.shape_cast %get3A_343 : vector<1x16xf32> to vector<16xf32>
      %broadcast_in_dim3A_345 = arith.constant 52 : i32
      %broadcast_in_dim3A_346 = vector.broadcast %broadcast_in_dim3A_345 : i32 to vector<16xi32>
      %gt3A_347 = arith.cmpf ogt, %get3A_344, %max3A_290 : vector<16xf32>
      %min3A_348 = arith.minimumf %max3A_290, %get3A_344 : vector<16xf32>
      %select_n3A_349 = arith.select %gt3A_347, %select_n3A_291, %broadcast_in_dim3A_346 : vector<16xi1>, vector<16xi32>
      %max3A_350 = arith.maximumf %max3A_290, %get3A_344 : vector<16xf32>
      %select_n3A_351 = arith.select %gt3A_347, %broadcast_in_dim3A_346, %select_n3A_291 : vector<16xi1>, vector<16xi32>
      %gt3A_352 = arith.cmpf ogt, %min3A_348, %max3A_293 : vector<16xf32>
      %max3A_353 = arith.maximumf %max3A_293, %min3A_348 : vector<16xf32>
      %select_n3A_354 = arith.select %gt3A_352, %select_n3A_349, %select_n3A_294 : vector<16xi1>, vector<16xi32>
      %get3A_355 = arith.constant 5 : i32
      %get3A_356 = arith.index_cast %get3A_355 : i32 to index
      %get3A_357 = arith.index_cast %mul3A_59 : i32 to index
      %get3A_358 = tpu.vector_load %arg7[%get3A_356, %get3A_357] {strides = array<i32>} : memref<64x512xf32, #tpu.memory_space<vmem>>, vector<1x16xf32>,
      %get3A_359 = vector.shape_cast %get3A_358 : vector<1x16xf32> to vector<16xf32>
      %broadcast_in_dim3A_360 = arith.constant 5 : i32
      %broadcast_in_dim3A_361 = vector.broadcast %broadcast_in_dim3A_360 : i32 to vector<16xi32>
      %gt3A_362 = arith.cmpf ogt, %get3A_359, %max3A_305 : vector<16xf32>
      %min3A_363 = arith.minimumf %max3A_305, %get3A_359 : vector<16xf32>
      %select_n3A_364 = arith.select %gt3A_362, %select_n3A_306, %broadcast_in_dim3A_361 : vector<16xi1>, vector<16xi32>
      %max3A_365 = arith.maximumf %max3A_305, %get3A_359 : vector<16xf32>
      %select_n3A_366 = arith.select %gt3A_362, %broadcast_in_dim3A_361, %select_n3A_306 : vector<16xi1>, vector<16xi32>
      %gt3A_367 = arith.cmpf ogt, %min3A_363, %max3A_308 : vector<16xf32>
      %max3A_368 = arith.maximumf %max3A_308, %min3A_363 : vector<16xf32>
      %select_n3A_369 = arith.select %gt3A_367, %select_n3A_364, %select_n3A_309 : vector<16xi1>, vector<16xi32>
      %get3A_370 = arith.constant 21 : i32
      %get3A_371 = arith.index_cast %get3A_370 : i32 to index
      %get3A_372 = arith.index_cast %mul3A_59 : i32 to index
      %get3A_373 = tpu.vector_load %arg7[%get3A_371, %get3A_372] {strides = array<i32>} : memref<64x512xf32, #tpu.memory_space<vmem>>, vector<1x16xf32>,
      %get3A_374 = vector.shape_cast %get3A_373 : vector<1x16xf32> to vector<16xf32>
      %broadcast_in_dim3A_375 = arith.constant 21 : i32
      %broadcast_in_dim3A_376 = vector.broadcast %broadcast_in_dim3A_375 : i32 to vector<16xi32>
      %gt3A_377 = arith.cmpf ogt, %get3A_374, %max3A_320 : vector<16xf32>
      %min3A_378 = arith.minimumf %max3A_320, %get3A_374 : vector<16xf32>
      %select_n3A_379 = arith.select %gt3A_377, %select_n3A_321, %broadcast_in_dim3A_376 : vector<16xi1>, vector<16xi32>
      %max3A_380 = arith.maximumf %max3A_320, %get3A_374 : vector<16xf32>
      %select_n3A_381 = arith.select %gt3A_377, %broadcast_in_dim3A_376, %select_n3A_321 : vector<16xi1>, vector<16xi32>
      %gt3A_382 = arith.cmpf ogt, %min3A_378, %max3A_323 : vector<16xf32>
      %max3A_383 = arith.maximumf %max3A_323, %min3A_378 : vector<16xf32>
      %select_n3A_384 = arith.select %gt3A_382, %select_n3A_379, %select_n3A_324 : vector<16xi1>, vector<16xi32>
      %get3A_385 = arith.constant 37 : i32
      %get3A_386 = arith.index_cast %get3A_385 : i32 to index
      %get3A_387 = arith.index_cast %mul3A_59 : i32 to index
      %get3A_388 = tpu.vector_load %arg7[%get3A_386, %get3A_387] {strides = array<i32>} : memref<64x512xf32, #tpu.memory_space<vmem>>, vector<1x16xf32>,
      %get3A_389 = vector.shape_cast %get3A_388 : vector<1x16xf32> to vector<16xf32>
      %broadcast_in_dim3A_390 = arith.constant 37 : i32
      %broadcast_in_dim3A_391 = vector.broadcast %broadcast_in_dim3A_390 : i32 to vector<16xi32>
      %gt3A_392 = arith.cmpf ogt, %get3A_389, %max3A_335 : vector<16xf32>
      %min3A_393 = arith.minimumf %max3A_335, %get3A_389 : vector<16xf32>
      %select_n3A_394 = arith.select %gt3A_392, %select_n3A_336, %broadcast_in_dim3A_391 : vector<16xi1>, vector<16xi32>
      %max3A_395 = arith.maximumf %max3A_335, %get3A_389 : vector<16xf32>
      %select_n3A_396 = arith.select %gt3A_392, %broadcast_in_dim3A_391, %select_n3A_336 : vector<16xi1>, vector<16xi32>
      %gt3A_397 = arith.cmpf ogt, %min3A_393, %max3A_338 : vector<16xf32>
      %max3A_398 = arith.maximumf %max3A_338, %min3A_393 : vector<16xf32>
      %select_n3A_399 = arith.select %gt3A_397, %select_n3A_394, %select_n3A_339 : vector<16xi1>, vector<16xi32>
      %get3A_400 = arith.constant 53 : i32
      %get3A_401 = arith.index_cast %get3A_400 : i32 to index
      %get3A_402 = arith.index_cast %mul3A_59 : i32 to index
      %get3A_403 = tpu.vector_load %arg7[%get3A_401, %get3A_402] {strides = array<i32>} : memref<64x512xf32, #tpu.memory_space<vmem>>, vector<1x16xf32>,
      %get3A_404 = vector.shape_cast %get3A_403 : vector<1x16xf32> to vector<16xf32>
      %broadcast_in_dim3A_405 = arith.constant 53 : i32
      %broadcast_in_dim3A_406 = vector.broadcast %broadcast_in_dim3A_405 : i32 to vector<16xi32>
      %gt3A_407 = arith.cmpf ogt, %get3A_404, %max3A_350 : vector<16xf32>
      %min3A_408 = arith.minimumf %max3A_350, %get3A_404 : vector<16xf32>
      %select_n3A_409 = arith.select %gt3A_407, %select_n3A_351, %broadcast_in_dim3A_406 : vector<16xi1>, vector<16xi32>
      %max3A_410 = arith.maximumf %max3A_350, %get3A_404 : vector<16xf32>
      %select_n3A_411 = arith.select %gt3A_407, %broadcast_in_dim3A_406, %select_n3A_351 : vector<16xi1>, vector<16xi32>
      %gt3A_412 = arith.cmpf ogt, %min3A_408, %max3A_353 : vector<16xf32>
      %max3A_413 = arith.maximumf %max3A_353, %min3A_408 : vector<16xf32>
      %select_n3A_414 = arith.select %gt3A_412, %select_n3A_409, %select_n3A_354 : vector<16xi1>, vector<16xi32>
      %get3A_415 = arith.constant 6 : i32
      %get3A_416 = arith.index_cast %get3A_415 : i32 to index
      %get3A_417 = arith.index_cast %mul3A_59 : i32 to index
      %get3A_418 = tpu.vector_load %arg7[%get3A_416, %get3A_417] {strides = array<i32>} : memref<64x512xf32, #tpu.memory_space<vmem>>, vector<1x16xf32>,
      %get3A_419 = vector.shape_cast %get3A_418 : vector<1x16xf32> to vector<16xf32>
      %broadcast_in_dim3A_420 = arith.constant 6 : i32
      %broadcast_in_dim3A_421 = vector.broadcast %broadcast_in_dim3A_420 : i32 to vector<16xi32>
      %gt3A_422 = arith.cmpf ogt, %get3A_419, %max3A_365 : vector<16xf32>
      %min3A_423 = arith.minimumf %max3A_365, %get3A_419 : vector<16xf32>
      %select_n3A_424 = arith.select %gt3A_422, %select_n3A_366, %broadcast_in_dim3A_421 : vector<16xi1>, vector<16xi32>
      %max3A_425 = arith.maximumf %max3A_365, %get3A_419 : vector<16xf32>
      %select_n3A_426 = arith.select %gt3A_422, %broadcast_in_dim3A_421, %select_n3A_366 : vector<16xi1>, vector<16xi32>
      %gt3A_427 = arith.cmpf ogt, %min3A_423, %max3A_368 : vector<16xf32>
      %max3A_428 = arith.maximumf %max3A_368, %min3A_423 : vector<16xf32>
      %select_n3A_429 = arith.select %gt3A_427, %select_n3A_424, %select_n3A_369 : vector<16xi1>, vector<16xi32>
      %get3A_430 = arith.constant 22 : i32
      %get3A_431 = arith.index_cast %get3A_430 : i32 to index
      %get3A_432 = arith.index_cast %mul3A_59 : i32 to index
      %get3A_433 = tpu.vector_load %arg7[%get3A_431, %get3A_432] {strides = array<i32>} : memref<64x512xf32, #tpu.memory_space<vmem>>, vector<1x16xf32>,
      %get3A_434 = vector.shape_cast %get3A_433 : vector<1x16xf32> to vector<16xf32>
      %broadcast_in_dim3A_435 = arith.constant 22 : i32
      %broadcast_in_dim3A_436 = vector.broadcast %broadcast_in_dim3A_435 : i32 to vector<16xi32>
      %gt3A_437 = arith.cmpf ogt, %get3A_434, %max3A_380 : vector<16xf32>
      %min3A_438 = arith.minimumf %max3A_380, %get3A_434 : vector<16xf32>
      %select_n3A_439 = arith.select %gt3A_437, %select_n3A_381, %broadcast_in_dim3A_436 : vector<16xi1>, vector<16xi32>
      %max3A_440 = arith.maximumf %max3A_380, %get3A_434 : vector<16xf32>
      %select_n3A_441 = arith.select %gt3A_437, %broadcast_in_dim3A_436, %select_n3A_381 : vector<16xi1>, vector<16xi32>
      %gt3A_442 = arith.cmpf ogt, %min3A_438, %max3A_383 : vector<16xf32>
      %max3A_443 = arith.maximumf %max3A_383, %min3A_438 : vector<16xf32>
      %select_n3A_444 = arith.select %gt3A_442, %select_n3A_439, %select_n3A_384 : vector<16xi1>, vector<16xi32>
      %get3A_445 = arith.constant 38 : i32
      %get3A_446 = arith.index_cast %get3A_445 : i32 to index
      %get3A_447 = arith.index_cast %mul3A_59 : i32 to index
      %get3A_448 = tpu.vector_load %arg7[%get3A_446, %get3A_447] {strides = array<i32>} : memref<64x512xf32, #tpu.memory_space<vmem>>, vector<1x16xf32>,
      %get3A_449 = vector.shape_cast %get3A_448 : vector<1x16xf32> to vector<16xf32>
      %broadcast_in_dim3A_450 = arith.constant 38 : i32
      %broadcast_in_dim3A_451 = vector.broadcast %broadcast_in_dim3A_450 : i32 to vector<16xi32>
      %gt3A_452 = arith.cmpf ogt, %get3A_449, %max3A_395 : vector<16xf32>
      %min3A_453 = arith.minimumf %max3A_395, %get3A_449 : vector<16xf32>
      %select_n3A_454 = arith.select %gt3A_452, %select_n3A_396, %broadcast_in_dim3A_451 : vector<16xi1>, vector<16xi32>
      %max3A_455 = arith.maximumf %max3A_395, %get3A_449 : vector<16xf32>
      %select_n3A_456 = arith.select %gt3A_452, %broadcast_in_dim3A_451, %select_n3A_396 : vector<16xi1>, vector<16xi32>
      %gt3A_457 = arith.cmpf ogt, %min3A_453, %max3A_398 : vector<16xf32>
      %max3A_458 = arith.maximumf %max3A_398, %min3A_453 : vector<16xf32>
      %select_n3A_459 = arith.select %gt3A_457, %select_n3A_454, %select_n3A_399 : vector<16xi1>, vector<16xi32>
      %get3A_460 = arith.constant 54 : i32
      %get3A_461 = arith.index_cast %get3A_460 : i32 to index
      %get3A_462 = arith.index_cast %mul3A_59 : i32 to index
      %get3A_463 = tpu.vector_load %arg7[%get3A_461, %get3A_462] {strides = array<i32>} : memref<64x512xf32, #tpu.memory_space<vmem>>, vector<1x16xf32>,
      %get3A_464 = vector.shape_cast %get3A_463 : vector<1x16xf32> to vector<16xf32>
      %broadcast_in_dim3A_465 = arith.constant 54 : i32
      %broadcast_in_dim3A_466 = vector.broadcast %broadcast_in_dim3A_465 : i32 to vector<16xi32>
      %gt3A_467 = arith.cmpf ogt, %get3A_464, %max3A_410 : vector<16xf32>
      %min3A_468 = arith.minimumf %max3A_410, %get3A_464 : vector<16xf32>
      %select_n3A_469 = arith.select %gt3A_467, %select_n3A_411, %broadcast_in_dim3A_466 : vector<16xi1>, vector<16xi32>
      %max3A_470 = arith.maximumf %max3A_410, %get3A_464 : vector<16xf32>
      %select_n3A_471 = arith.select %gt3A_467, %broadcast_in_dim3A_466, %select_n3A_411 : vector<16xi1>, vector<16xi32>
      %gt3A_472 = arith.cmpf ogt, %min3A_468, %max3A_413 : vector<16xf32>
      %max3A_473 = arith.maximumf %max3A_413, %min3A_468 : vector<16xf32>
      %select_n3A_474 = arith.select %gt3A_472, %select_n3A_469, %select_n3A_414 : vector<16xi1>, vector<16xi32>
      %get3A_475 = arith.constant 7 : i32
      %get3A_476 = arith.index_cast %get3A_475 : i32 to index
      %get3A_477 = arith.index_cast %mul3A_59 : i32 to index
      %get3A_478 = tpu.vector_load %arg7[%get3A_476, %get3A_477] {strides = array<i32>} : memref<64x512xf32, #tpu.memory_space<vmem>>, vector<1x16xf32>,
      %get3A_479 = vector.shape_cast %get3A_478 : vector<1x16xf32> to vector<16xf32>
      %broadcast_in_dim3A_480 = arith.constant 7 : i32
      %broadcast_in_dim3A_481 = vector.broadcast %broadcast_in_dim3A_480 : i32 to vector<16xi32>
      %gt3A_482 = arith.cmpf ogt, %get3A_479, %max3A_425 : vector<16xf32>
      %min3A_483 = arith.minimumf %max3A_425, %get3A_479 : vector<16xf32>
      %select_n3A_484 = arith.select %gt3A_482, %select_n3A_426, %broadcast_in_dim3A_481 : vector<16xi1>, vector<16xi32>
      %max3A_485 = arith.maximumf %max3A_425, %get3A_479 : vector<16xf32>
      %select_n3A_486 = arith.select %gt3A_482, %broadcast_in_dim3A_481, %select_n3A_426 : vector<16xi1>, vector<16xi32>
      %gt3A_487 = arith.cmpf ogt, %min3A_483, %max3A_428 : vector<16xf32>
      %max3A_488 = arith.maximumf %max3A_428, %min3A_483 : vector<16xf32>
      %select_n3A_489 = arith.select %gt3A_487, %select_n3A_484, %select_n3A_429 : vector<16xi1>, vector<16xi32>
      %get3A_490 = arith.constant 23 : i32
      %get3A_491 = arith.index_cast %get3A_490 : i32 to index
      %get3A_492 = arith.index_cast %mul3A_59 : i32 to index
      %get3A_493 = tpu.vector_load %arg7[%get3A_491, %get3A_492] {strides = array<i32>} : memref<64x512xf32, #tpu.memory_space<vmem>>, vector<1x16xf32>,
      %get3A_494 = vector.shape_cast %get3A_493 : vector<1x16xf32> to vector<16xf32>
      %broadcast_in_dim3A_495 = arith.constant 23 : i32
      %broadcast_in_dim3A_496 = vector.broadcast %broadcast_in_dim3A_495 : i32 to vector<16xi32>
      %gt3A_497 = arith.cmpf ogt, %get3A_494, %max3A_440 : vector<16xf32>
      %min3A_498 = arith.minimumf %max3A_440, %get3A_494 : vector<16xf32>
      %select_n3A_499 = arith.select %gt3A_497, %select_n3A_441, %broadcast_in_dim3A_496 : vector<16xi1>, vector<16xi32>
      %max3A_500 = arith.maximumf %max3A_440, %get3A_494 : vector<16xf32>
      %select_n3A_501 = arith.select %gt3A_497, %broadcast_in_dim3A_496, %select_n3A_441 : vector<16xi1>, vector<16xi32>
      %gt3A_502 = arith.cmpf ogt, %min3A_498, %max3A_443 : vector<16xf32>
      %max3A_503 = arith.maximumf %max3A_443, %min3A_498 : vector<16xf32>
      %select_n3A_504 = arith.select %gt3A_502, %select_n3A_499, %select_n3A_444 : vector<16xi1>, vector<16xi32>
      %get3A_505 = arith.constant 39 : i32
      %get3A_506 = arith.index_cast %get3A_505 : i32 to index
      %get3A_507 = arith.index_cast %mul3A_59 : i32 to index
      %get3A_508 = tpu.vector_load %arg7[%get3A_506, %get3A_507] {strides = array<i32>} : memref<64x512xf32, #tpu.memory_space<vmem>>, vector<1x16xf32>,
      %get3A_509 = vector.shape_cast %get3A_508 : vector<1x16xf32> to vector<16xf32>
      %broadcast_in_dim3A_510 = arith.constant 39 : i32
      %broadcast_in_dim3A_511 = vector.broadcast %broadcast_in_dim3A_510 : i32 to vector<16xi32>
      %gt3A_512 = arith.cmpf ogt, %get3A_509, %max3A_455 : vector<16xf32>
      %min3A_513 = arith.minimumf %max3A_455, %get3A_509 : vector<16xf32>
      %select_n3A_514 = arith.select %gt3A_512, %select_n3A_456, %broadcast_in_dim3A_511 : vector<16xi1>, vector<16xi32>
      %max3A_515 = arith.maximumf %max3A_455, %get3A_509 : vector<16xf32>
      %select_n3A_516 = arith.select %gt3A_512, %broadcast_in_dim3A_511, %select_n3A_456 : vector<16xi1>, vector<16xi32>
      %gt3A_517 = arith.cmpf ogt, %min3A_513, %max3A_458 : vector<16xf32>
      %max3A_518 = arith.maximumf %max3A_458, %min3A_513 : vector<16xf32>
      %select_n3A_519 = arith.select %gt3A_517, %select_n3A_514, %select_n3A_459 : vector<16xi1>, vector<16xi32>
      %get3A_520 = arith.constant 55 : i32
      %get3A_521 = arith.index_cast %get3A_520 : i32 to index
      %get3A_522 = arith.index_cast %mul3A_59 : i32 to index
      %get3A_523 = tpu.vector_load %arg7[%get3A_521, %get3A_522] {strides = array<i32>} : memref<64x512xf32, #tpu.memory_space<vmem>>, vector<1x16xf32>,
      %get3A_524 = vector.shape_cast %get3A_523 : vector<1x16xf32> to vector<16xf32>
      %broadcast_in_dim3A_525 = arith.constant 55 : i32
      %broadcast_in_dim3A_526 = vector.broadcast %broadcast_in_dim3A_525 : i32 to vector<16xi32>
      %gt3A_527 = arith.cmpf ogt, %get3A_524, %max3A_470 : vector<16xf32>
      %min3A_528 = arith.minimumf %max3A_470, %get3A_524 : vector<16xf32>
      %select_n3A_529 = arith.select %gt3A_527, %select_n3A_471, %broadcast_in_dim3A_526 : vector<16xi1>, vector<16xi32>
      %max3A_530 = arith.maximumf %max3A_470, %get3A_524 : vector<16xf32>
      %select_n3A_531 = arith.select %gt3A_527, %broadcast_in_dim3A_526, %select_n3A_471 : vector<16xi1>, vector<16xi32>
      %gt3A_532 = arith.cmpf ogt, %min3A_528, %max3A_473 : vector<16xf32>
      %max3A_533 = arith.maximumf %max3A_473, %min3A_528 : vector<16xf32>
      %select_n3A_534 = arith.select %gt3A_532, %select_n3A_529, %select_n3A_474 : vector<16xi1>, vector<16xi32>
      %get3A_535 = arith.constant 8 : i32
      %get3A_536 = arith.index_cast %get3A_535 : i32 to index
      %get3A_537 = arith.index_cast %mul3A_59 : i32 to index
      %get3A_538 = tpu.vector_load %arg7[%get3A_536, %get3A_537] {strides = array<i32>} : memref<64x512xf32, #tpu.memory_space<vmem>>, vector<1x16xf32>,
      %get3A_539 = vector.shape_cast %get3A_538 : vector<1x16xf32> to vector<16xf32>
      %broadcast_in_dim3A_540 = arith.constant 8 : i32
      %broadcast_in_dim3A_541 = vector.broadcast %broadcast_in_dim3A_540 : i32 to vector<16xi32>
      %gt3A_542 = arith.cmpf ogt, %get3A_539, %max3A_485 : vector<16xf32>
      %min3A_543 = arith.minimumf %max3A_485, %get3A_539 : vector<16xf32>
      %select_n3A_544 = arith.select %gt3A_542, %select_n3A_486, %broadcast_in_dim3A_541 : vector<16xi1>, vector<16xi32>
      %max3A_545 = arith.maximumf %max3A_485, %get3A_539 : vector<16xf32>
      %select_n3A_546 = arith.select %gt3A_542, %broadcast_in_dim3A_541, %select_n3A_486 : vector<16xi1>, vector<16xi32>
      %gt3A_547 = arith.cmpf ogt, %min3A_543, %max3A_488 : vector<16xf32>
      %max3A_548 = arith.maximumf %max3A_488, %min3A_543 : vector<16xf32>
      %select_n3A_549 = arith.select %gt3A_547, %select_n3A_544, %select_n3A_489 : vector<16xi1>, vector<16xi32>
      %get3A_550 = arith.constant 24 : i32
      %get3A_551 = arith.index_cast %get3A_550 : i32 to index
      %get3A_552 = arith.index_cast %mul3A_59 : i32 to index
      %get3A_553 = tpu.vector_load %arg7[%get3A_551, %get3A_552] {strides = array<i32>} : memref<64x512xf32, #tpu.memory_space<vmem>>, vector<1x16xf32>,
      %get3A_554 = vector.shape_cast %get3A_553 : vector<1x16xf32> to vector<16xf32>
      %broadcast_in_dim3A_555 = arith.constant 24 : i32
      %broadcast_in_dim3A_556 = vector.broadcast %broadcast_in_dim3A_555 : i32 to vector<16xi32>
      %gt3A_557 = arith.cmpf ogt, %get3A_554, %max3A_500 : vector<16xf32>
      %min3A_558 = arith.minimumf %max3A_500, %get3A_554 : vector<16xf32>
      %select_n3A_559 = arith.select %gt3A_557, %select_n3A_501, %broadcast_in_dim3A_556 : vector<16xi1>, vector<16xi32>
      %max3A_560 = arith.maximumf %max3A_500, %get3A_554 : vector<16xf32>
      %select_n3A_561 = arith.select %gt3A_557, %broadcast_in_dim3A_556, %select_n3A_501 : vector<16xi1>, vector<16xi32>
      %gt3A_562 = arith.cmpf ogt, %min3A_558, %max3A_503 : vector<16xf32>
      %max3A_563 = arith.maximumf %max3A_503, %min3A_558 : vector<16xf32>
      %select_n3A_564 = arith.select %gt3A_562, %select_n3A_559, %select_n3A_504 : vector<16xi1>, vector<16xi32>
      %get3A_565 = arith.constant 40 : i32
      %get3A_566 = arith.index_cast %get3A_565 : i32 to index
      %get3A_567 = arith.index_cast %mul3A_59 : i32 to index
      %get3A_568 = tpu.vector_load %arg7[%get3A_566, %get3A_567] {strides = array<i32>} : memref<64x512xf32, #tpu.memory_space<vmem>>, vector<1x16xf32>,
      %get3A_569 = vector.shape_cast %get3A_568 : vector<1x16xf32> to vector<16xf32>
      %broadcast_in_dim3A_570 = arith.constant 40 : i32
      %broadcast_in_dim3A_571 = vector.broadcast %broadcast_in_dim3A_570 : i32 to vector<16xi32>
      %gt3A_572 = arith.cmpf ogt, %get3A_569, %max3A_515 : vector<16xf32>
      %min3A_573 = arith.minimumf %max3A_515, %get3A_569 : vector<16xf32>
      %select_n3A_574 = arith.select %gt3A_572, %select_n3A_516, %broadcast_in_dim3A_571 : vector<16xi1>, vector<16xi32>
      %max3A_575 = arith.maximumf %max3A_515, %get3A_569 : vector<16xf32>
      %select_n3A_576 = arith.select %gt3A_572, %broadcast_in_dim3A_571, %select_n3A_516 : vector<16xi1>, vector<16xi32>
      %gt3A_577 = arith.cmpf ogt, %min3A_573, %max3A_518 : vector<16xf32>
      %max3A_578 = arith.maximumf %max3A_518, %min3A_573 : vector<16xf32>
      %select_n3A_579 = arith.select %gt3A_577, %select_n3A_574, %select_n3A_519 : vector<16xi1>, vector<16xi32>
      %get3A_580 = arith.constant 56 : i32
      %get3A_581 = arith.index_cast %get3A_580 : i32 to index
      %get3A_582 = arith.index_cast %mul3A_59 : i32 to index
      %get3A_583 = tpu.vector_load %arg7[%get3A_581, %get3A_582] {strides = array<i32>} : memref<64x512xf32, #tpu.memory_space<vmem>>, vector<1x16xf32>,
      %get3A_584 = vector.shape_cast %get3A_583 : vector<1x16xf32> to vector<16xf32>
      %broadcast_in_dim3A_585 = arith.constant 56 : i32
      %broadcast_in_dim3A_586 = vector.broadcast %broadcast_in_dim3A_585 : i32 to vector<16xi32>
      %gt3A_587 = arith.cmpf ogt, %get3A_584, %max3A_530 : vector<16xf32>
      %min3A_588 = arith.minimumf %max3A_530, %get3A_584 : vector<16xf32>
      %select_n3A_589 = arith.select %gt3A_587, %select_n3A_531, %broadcast_in_dim3A_586 : vector<16xi1>, vector<16xi32>
      %max3A_590 = arith.maximumf %max3A_530, %get3A_584 : vector<16xf32>
      %select_n3A_591 = arith.select %gt3A_587, %broadcast_in_dim3A_586, %select_n3A_531 : vector<16xi1>, vector<16xi32>
      %gt3A_592 = arith.cmpf ogt, %min3A_588, %max3A_533 : vector<16xf32>
      %max3A_593 = arith.maximumf %max3A_533, %min3A_588 : vector<16xf32>
      %select_n3A_594 = arith.select %gt3A_592, %select_n3A_589, %select_n3A_534 : vector<16xi1>, vector<16xi32>
      %get3A_595 = arith.constant 9 : i32
      %get3A_596 = arith.index_cast %get3A_595 : i32 to index
      %get3A_597 = arith.index_cast %mul3A_59 : i32 to index
      %get3A_598 = tpu.vector_load %arg7[%get3A_596, %get3A_597] {strides = array<i32>} : memref<64x512xf32, #tpu.memory_space<vmem>>, vector<1x16xf32>,
      %get3A_599 = vector.shape_cast %get3A_598 : vector<1x16xf32> to vector<16xf32>
      %broadcast_in_dim3A_600 = arith.constant 9 : i32
      %broadcast_in_dim3A_601 = vector.broadcast %broadcast_in_dim3A_600 : i32 to vector<16xi32>
      %gt3A_602 = arith.cmpf ogt, %get3A_599, %max3A_545 : vector<16xf32>
      %min3A_603 = arith.minimumf %max3A_545, %get3A_599 : vector<16xf32>
      %select_n3A_604 = arith.select %gt3A_602, %select_n3A_546, %broadcast_in_dim3A_601 : vector<16xi1>, vector<16xi32>
      %max3A_605 = arith.maximumf %max3A_545, %get3A_599 : vector<16xf32>
      %select_n3A_606 = arith.select %gt3A_602, %broadcast_in_dim3A_601, %select_n3A_546 : vector<16xi1>, vector<16xi32>
      %gt3A_607 = arith.cmpf ogt, %min3A_603, %max3A_548 : vector<16xf32>
      %max3A_608 = arith.maximumf %max3A_548, %min3A_603 : vector<16xf32>
      %select_n3A_609 = arith.select %gt3A_607, %select_n3A_604, %select_n3A_549 : vector<16xi1>, vector<16xi32>
      %get3A_610 = arith.constant 25 : i32
      %get3A_611 = arith.index_cast %get3A_610 : i32 to index
      %get3A_612 = arith.index_cast %mul3A_59 : i32 to index
      %get3A_613 = tpu.vector_load %arg7[%get3A_611, %get3A_612] {strides = array<i32>} : memref<64x512xf32, #tpu.memory_space<vmem>>, vector<1x16xf32>,
      %get3A_614 = vector.shape_cast %get3A_613 : vector<1x16xf32> to vector<16xf32>
      %broadcast_in_dim3A_615 = arith.constant 25 : i32
      %broadcast_in_dim3A_616 = vector.broadcast %broadcast_in_dim3A_615 : i32 to vector<16xi32>
      %gt3A_617 = arith.cmpf ogt, %get3A_614, %max3A_560 : vector<16xf32>
      %min3A_618 = arith.minimumf %max3A_560, %get3A_614 : vector<16xf32>
      %select_n3A_619 = arith.select %gt3A_617, %select_n3A_561, %broadcast_in_dim3A_616 : vector<16xi1>, vector<16xi32>
      %max3A_620 = arith.maximumf %max3A_560, %get3A_614 : vector<16xf32>
      %select_n3A_621 = arith.select %gt3A_617, %broadcast_in_dim3A_616, %select_n3A_561 : vector<16xi1>, vector<16xi32>
      %gt3A_622 = arith.cmpf ogt, %min3A_618, %max3A_563 : vector<16xf32>
      %max3A_623 = arith.maximumf %max3A_563, %min3A_618 : vector<16xf32>
      %select_n3A_624 = arith.select %gt3A_622, %select_n3A_619, %select_n3A_564 : vector<16xi1>, vector<16xi32>
      %get3A_625 = arith.constant 41 : i32
      %get3A_626 = arith.index_cast %get3A_625 : i32 to index
      %get3A_627 = arith.index_cast %mul3A_59 : i32 to index
      %get3A_628 = tpu.vector_load %arg7[%get3A_626, %get3A_627] {strides = array<i32>} : memref<64x512xf32, #tpu.memory_space<vmem>>, vector<1x16xf32>,
      %get3A_629 = vector.shape_cast %get3A_628 : vector<1x16xf32> to vector<16xf32>
      %broadcast_in_dim3A_630 = arith.constant 41 : i32
      %broadcast_in_dim3A_631 = vector.broadcast %broadcast_in_dim3A_630 : i32 to vector<16xi32>
      %gt3A_632 = arith.cmpf ogt, %get3A_629, %max3A_575 : vector<16xf32>
      %min3A_633 = arith.minimumf %max3A_575, %get3A_629 : vector<16xf32>
      %select_n3A_634 = arith.select %gt3A_632, %select_n3A_576, %broadcast_in_dim3A_631 : vector<16xi1>, vector<16xi32>
      %max3A_635 = arith.maximumf %max3A_575, %get3A_629 : vector<16xf32>
      %select_n3A_636 = arith.select %gt3A_632, %broadcast_in_dim3A_631, %select_n3A_576 : vector<16xi1>, vector<16xi32>
      %gt3A_637 = arith.cmpf ogt, %min3A_633, %max3A_578 : vector<16xf32>
      %max3A_638 = arith.maximumf %max3A_578, %min3A_633 : vector<16xf32>
      %select_n3A_639 = arith.select %gt3A_637, %select_n3A_634, %select_n3A_579 : vector<16xi1>, vector<16xi32>
      %get3A_640 = arith.constant 57 : i32
      %get3A_641 = arith.index_cast %get3A_640 : i32 to index
      %get3A_642 = arith.index_cast %mul3A_59 : i32 to index
      %get3A_643 = tpu.vector_load %arg7[%get3A_641, %get3A_642] {strides = array<i32>} : memref<64x512xf32, #tpu.memory_space<vmem>>, vector<1x16xf32>,
      %get3A_644 = vector.shape_cast %get3A_643 : vector<1x16xf32> to vector<16xf32>
      %broadcast_in_dim3A_645 = arith.constant 57 : i32
      %broadcast_in_dim3A_646 = vector.broadcast %broadcast_in_dim3A_645 : i32 to vector<16xi32>
      %gt3A_647 = arith.cmpf ogt, %get3A_644, %max3A_590 : vector<16xf32>
      %min3A_648 = arith.minimumf %max3A_590, %get3A_644 : vector<16xf32>
      %select_n3A_649 = arith.select %gt3A_647, %select_n3A_591, %broadcast_in_dim3A_646 : vector<16xi1>, vector<16xi32>
      %max3A_650 = arith.maximumf %max3A_590, %get3A_644 : vector<16xf32>
      %select_n3A_651 = arith.select %gt3A_647, %broadcast_in_dim3A_646, %select_n3A_591 : vector<16xi1>, vector<16xi32>
      %gt3A_652 = arith.cmpf ogt, %min3A_648, %max3A_593 : vector<16xf32>
      %max3A_653 = arith.maximumf %max3A_593, %min3A_648 : vector<16xf32>
      %select_n3A_654 = arith.select %gt3A_652, %select_n3A_649, %select_n3A_594 : vector<16xi1>, vector<16xi32>
      %get3A_655 = arith.constant 10 : i32
      %get3A_656 = arith.index_cast %get3A_655 : i32 to index
      %get3A_657 = arith.index_cast %mul3A_59 : i32 to index
      %get3A_658 = tpu.vector_load %arg7[%get3A_656, %get3A_657] {strides = array<i32>} : memref<64x512xf32, #tpu.memory_space<vmem>>, vector<1x16xf32>,
      %get3A_659 = vector.shape_cast %get3A_658 : vector<1x16xf32> to vector<16xf32>
      %broadcast_in_dim3A_660 = arith.constant 10 : i32
      %broadcast_in_dim3A_661 = vector.broadcast %broadcast_in_dim3A_660 : i32 to vector<16xi32>
      %gt3A_662 = arith.cmpf ogt, %get3A_659, %max3A_605 : vector<16xf32>
      %min3A_663 = arith.minimumf %max3A_605, %get3A_659 : vector<16xf32>
      %select_n3A_664 = arith.select %gt3A_662, %select_n3A_606, %broadcast_in_dim3A_661 : vector<16xi1>, vector<16xi32>
      %max3A_665 = arith.maximumf %max3A_605, %get3A_659 : vector<16xf32>
      %select_n3A_666 = arith.select %gt3A_662, %broadcast_in_dim3A_661, %select_n3A_606 : vector<16xi1>, vector<16xi32>
      %gt3A_667 = arith.cmpf ogt, %min3A_663, %max3A_608 : vector<16xf32>
      %max3A_668 = arith.maximumf %max3A_608, %min3A_663 : vector<16xf32>
      %select_n3A_669 = arith.select %gt3A_667, %select_n3A_664, %select_n3A_609 : vector<16xi1>, vector<16xi32>
      %get3A_670 = arith.constant 26 : i32
      %get3A_671 = arith.index_cast %get3A_670 : i32 to index
      %get3A_672 = arith.index_cast %mul3A_59 : i32 to index
      %get3A_673 = tpu.vector_load %arg7[%get3A_671, %get3A_672] {strides = array<i32>} : memref<64x512xf32, #tpu.memory_space<vmem>>, vector<1x16xf32>,
      %get3A_674 = vector.shape_cast %get3A_673 : vector<1x16xf32> to vector<16xf32>
      %broadcast_in_dim3A_675 = arith.constant 26 : i32
      %broadcast_in_dim3A_676 = vector.broadcast %broadcast_in_dim3A_675 : i32 to vector<16xi32>
      %gt3A_677 = arith.cmpf ogt, %get3A_674, %max3A_620 : vector<16xf32>
      %min3A_678 = arith.minimumf %max3A_620, %get3A_674 : vector<16xf32>
      %select_n3A_679 = arith.select %gt3A_677, %select_n3A_621, %broadcast_in_dim3A_676 : vector<16xi1>, vector<16xi32>
      %max3A_680 = arith.maximumf %max3A_620, %get3A_674 : vector<16xf32>
      %select_n3A_681 = arith.select %gt3A_677, %broadcast_in_dim3A_676, %select_n3A_621 : vector<16xi1>, vector<16xi32>
      %gt3A_682 = arith.cmpf ogt, %min3A_678, %max3A_623 : vector<16xf32>
      %max3A_683 = arith.maximumf %max3A_623, %min3A_678 : vector<16xf32>
      %select_n3A_684 = arith.select %gt3A_682, %select_n3A_679, %select_n3A_624 : vector<16xi1>, vector<16xi32>
      %get3A_685 = arith.constant 42 : i32
      %get3A_686 = arith.index_cast %get3A_685 : i32 to index
      %get3A_687 = arith.index_cast %mul3A_59 : i32 to index
      %get3A_688 = tpu.vector_load %arg7[%get3A_686, %get3A_687] {strides = array<i32>} : memref<64x512xf32, #tpu.memory_space<vmem>>, vector<1x16xf32>,
      %get3A_689 = vector.shape_cast %get3A_688 : vector<1x16xf32> to vector<16xf32>
      %broadcast_in_dim3A_690 = arith.constant 42 : i32
      %broadcast_in_dim3A_691 = vector.broadcast %broadcast_in_dim3A_690 : i32 to vector<16xi32>
      %gt3A_692 = arith.cmpf ogt, %get3A_689, %max3A_635 : vector<16xf32>
      %min3A_693 = arith.minimumf %max3A_635, %get3A_689 : vector<16xf32>
      %select_n3A_694 = arith.select %gt3A_692, %select_n3A_636, %broadcast_in_dim3A_691 : vector<16xi1>, vector<16xi32>
      %max3A_695 = arith.maximumf %max3A_635, %get3A_689 : vector<16xf32>
      %select_n3A_696 = arith.select %gt3A_692, %broadcast_in_dim3A_691, %select_n3A_636 : vector<16xi1>, vector<16xi32>
      %gt3A_697 = arith.cmpf ogt, %min3A_693, %max3A_638 : vector<16xf32>
      %max3A_698 = arith.maximumf %max3A_638, %min3A_693 : vector<16xf32>
      %select_n3A_699 = arith.select %gt3A_697, %select_n3A_694, %select_n3A_639 : vector<16xi1>, vector<16xi32>
      %get3A_700 = arith.constant 58 : i32
      %get3A_701 = arith.index_cast %get3A_700 : i32 to index
      %get3A_702 = arith.index_cast %mul3A_59 : i32 to index
      %get3A_703 = tpu.vector_load %arg7[%get3A_701, %get3A_702] {strides = array<i32>} : memref<64x512xf32, #tpu.memory_space<vmem>>, vector<1x16xf32>,
      %get3A_704 = vector.shape_cast %get3A_703 : vector<1x16xf32> to vector<16xf32>
      %broadcast_in_dim3A_705 = arith.constant 58 : i32
      %broadcast_in_dim3A_706 = vector.broadcast %broadcast_in_dim3A_705 : i32 to vector<16xi32>
      %gt3A_707 = arith.cmpf ogt, %get3A_704, %max3A_650 : vector<16xf32>
      %min3A_708 = arith.minimumf %max3A_650, %get3A_704 : vector<16xf32>
      %select_n3A_709 = arith.select %gt3A_707, %select_n3A_651, %broadcast_in_dim3A_706 : vector<16xi1>, vector<16xi32>
      %max3A_710 = arith.maximumf %max3A_650, %get3A_704 : vector<16xf32>
      %select_n3A_711 = arith.select %gt3A_707, %broadcast_in_dim3A_706, %select_n3A_651 : vector<16xi1>, vector<16xi32>
      %gt3A_712 = arith.cmpf ogt, %min3A_708, %max3A_653 : vector<16xf32>
      %max3A_713 = arith.maximumf %max3A_653, %min3A_708 : vector<16xf32>
      %select_n3A_714 = arith.select %gt3A_712, %select_n3A_709, %select_n3A_654 : vector<16xi1>, vector<16xi32>
      %get3A_715 = arith.constant 11 : i32
      %get3A_716 = arith.index_cast %get3A_715 : i32 to index
      %get3A_717 = arith.index_cast %mul3A_59 : i32 to index
      %get3A_718 = tpu.vector_load %arg7[%get3A_716, %get3A_717] {strides = array<i32>} : memref<64x512xf32, #tpu.memory_space<vmem>>, vector<1x16xf32>,
      %get3A_719 = vector.shape_cast %get3A_718 : vector<1x16xf32> to vector<16xf32>
      %broadcast_in_dim3A_720 = arith.constant 11 : i32
      %broadcast_in_dim3A_721 = vector.broadcast %broadcast_in_dim3A_720 : i32 to vector<16xi32>
      %gt3A_722 = arith.cmpf ogt, %get3A_719, %max3A_665 : vector<16xf32>
      %min3A_723 = arith.minimumf %max3A_665, %get3A_719 : vector<16xf32>
      %select_n3A_724 = arith.select %gt3A_722, %select_n3A_666, %broadcast_in_dim3A_721 : vector<16xi1>, vector<16xi32>
      %max3A_725 = arith.maximumf %max3A_665, %get3A_719 : vector<16xf32>
      %select_n3A_726 = arith.select %gt3A_722, %broadcast_in_dim3A_721, %select_n3A_666 : vector<16xi1>, vector<16xi32>
      %gt3A_727 = arith.cmpf ogt, %min3A_723, %max3A_668 : vector<16xf32>
      %max3A_728 = arith.maximumf %max3A_668, %min3A_723 : vector<16xf32>
      %select_n3A_729 = arith.select %gt3A_727, %select_n3A_724, %select_n3A_669 : vector<16xi1>, vector<16xi32>
      %get3A_730 = arith.constant 27 : i32
      %get3A_731 = arith.index_cast %get3A_730 : i32 to index
      %get3A_732 = arith.index_cast %mul3A_59 : i32 to index
      %get3A_733 = tpu.vector_load %arg7[%get3A_731, %get3A_732] {strides = array<i32>} : memref<64x512xf32, #tpu.memory_space<vmem>>, vector<1x16xf32>,
      %get3A_734 = vector.shape_cast %get3A_733 : vector<1x16xf32> to vector<16xf32>
      %broadcast_in_dim3A_735 = arith.constant 27 : i32
      %broadcast_in_dim3A_736 = vector.broadcast %broadcast_in_dim3A_735 : i32 to vector<16xi32>
      %gt3A_737 = arith.cmpf ogt, %get3A_734, %max3A_680 : vector<16xf32>
      %min3A_738 = arith.minimumf %max3A_680, %get3A_734 : vector<16xf32>
      %select_n3A_739 = arith.select %gt3A_737, %select_n3A_681, %broadcast_in_dim3A_736 : vector<16xi1>, vector<16xi32>
      %max3A_740 = arith.maximumf %max3A_680, %get3A_734 : vector<16xf32>
      %select_n3A_741 = arith.select %gt3A_737, %broadcast_in_dim3A_736, %select_n3A_681 : vector<16xi1>, vector<16xi32>
      %gt3A_742 = arith.cmpf ogt, %min3A_738, %max3A_683 : vector<16xf32>
      %max3A_743 = arith.maximumf %max3A_683, %min3A_738 : vector<16xf32>
      %select_n3A_744 = arith.select %gt3A_742, %select_n3A_739, %select_n3A_684 : vector<16xi1>, vector<16xi32>
      %get3A_745 = arith.constant 43 : i32
      %get3A_746 = arith.index_cast %get3A_745 : i32 to index
      %get3A_747 = arith.index_cast %mul3A_59 : i32 to index
      %get3A_748 = tpu.vector_load %arg7[%get3A_746, %get3A_747] {strides = array<i32>} : memref<64x512xf32, #tpu.memory_space<vmem>>, vector<1x16xf32>,
      %get3A_749 = vector.shape_cast %get3A_748 : vector<1x16xf32> to vector<16xf32>
      %broadcast_in_dim3A_750 = arith.constant 43 : i32
      %broadcast_in_dim3A_751 = vector.broadcast %broadcast_in_dim3A_750 : i32 to vector<16xi32>
      %gt3A_752 = arith.cmpf ogt, %get3A_749, %max3A_695 : vector<16xf32>
      %min3A_753 = arith.minimumf %max3A_695, %get3A_749 : vector<16xf32>
      %select_n3A_754 = arith.select %gt3A_752, %select_n3A_696, %broadcast_in_dim3A_751 : vector<16xi1>, vector<16xi32>
      %max3A_755 = arith.maximumf %max3A_695, %get3A_749 : vector<16xf32>
      %select_n3A_756 = arith.select %gt3A_752, %broadcast_in_dim3A_751, %select_n3A_696 : vector<16xi1>, vector<16xi32>
      %gt3A_757 = arith.cmpf ogt, %min3A_753, %max3A_698 : vector<16xf32>
      %max3A_758 = arith.maximumf %max3A_698, %min3A_753 : vector<16xf32>
      %select_n3A_759 = arith.select %gt3A_757, %select_n3A_754, %select_n3A_699 : vector<16xi1>, vector<16xi32>
      %get3A_760 = arith.constant 59 : i32
      %get3A_761 = arith.index_cast %get3A_760 : i32 to index
      %get3A_762 = arith.index_cast %mul3A_59 : i32 to index
      %get3A_763 = tpu.vector_load %arg7[%get3A_761, %get3A_762] {strides = array<i32>} : memref<64x512xf32, #tpu.memory_space<vmem>>, vector<1x16xf32>,
      %get3A_764 = vector.shape_cast %get3A_763 : vector<1x16xf32> to vector<16xf32>
      %broadcast_in_dim3A_765 = arith.constant 59 : i32
      %broadcast_in_dim3A_766 = vector.broadcast %broadcast_in_dim3A_765 : i32 to vector<16xi32>
      %gt3A_767 = arith.cmpf ogt, %get3A_764, %max3A_710 : vector<16xf32>
      %min3A_768 = arith.minimumf %max3A_710, %get3A_764 : vector<16xf32>
      %select_n3A_769 = arith.select %gt3A_767, %select_n3A_711, %broadcast_in_dim3A_766 : vector<16xi1>, vector<16xi32>
      %max3A_770 = arith.maximumf %max3A_710, %get3A_764 : vector<16xf32>
      %select_n3A_771 = arith.select %gt3A_767, %broadcast_in_dim3A_766, %select_n3A_711 : vector<16xi1>, vector<16xi32>
      %gt3A_772 = arith.cmpf ogt, %min3A_768, %max3A_713 : vector<16xf32>
      %max3A_773 = arith.maximumf %max3A_713, %min3A_768 : vector<16xf32>
      %select_n3A_774 = arith.select %gt3A_772, %select_n3A_769, %select_n3A_714 : vector<16xi1>, vector<16xi32>
      %get3A_775 = arith.constant 12 : i32
      %get3A_776 = arith.index_cast %get3A_775 : i32 to index
      %get3A_777 = arith.index_cast %mul3A_59 : i32 to index
      %get3A_778 = tpu.vector_load %arg7[%get3A_776, %get3A_777] {strides = array<i32>} : memref<64x512xf32, #tpu.memory_space<vmem>>, vector<1x16xf32>,
      %get3A_779 = vector.shape_cast %get3A_778 : vector<1x16xf32> to vector<16xf32>
      %broadcast_in_dim3A_780 = arith.constant 12 : i32
      %broadcast_in_dim3A_781 = vector.broadcast %broadcast_in_dim3A_780 : i32 to vector<16xi32>
      %gt3A_782 = arith.cmpf ogt, %get3A_779, %max3A_725 : vector<16xf32>
      %min3A_783 = arith.minimumf %max3A_725, %get3A_779 : vector<16xf32>
      %select_n3A_784 = arith.select %gt3A_782, %select_n3A_726, %broadcast_in_dim3A_781 : vector<16xi1>, vector<16xi32>
      %max3A_785 = arith.maximumf %max3A_725, %get3A_779 : vector<16xf32>
      %select_n3A_786 = arith.select %gt3A_782, %broadcast_in_dim3A_781, %select_n3A_726 : vector<16xi1>, vector<16xi32>
      %gt3A_787 = arith.cmpf ogt, %min3A_783, %max3A_728 : vector<16xf32>
      %max3A_788 = arith.maximumf %max3A_728, %min3A_783 : vector<16xf32>
      %select_n3A_789 = arith.select %gt3A_787, %select_n3A_784, %select_n3A_729 : vector<16xi1>, vector<16xi32>
      %get3A_790 = arith.constant 28 : i32
      %get3A_791 = arith.index_cast %get3A_790 : i32 to index
      %get3A_792 = arith.index_cast %mul3A_59 : i32 to index
      %get3A_793 = tpu.vector_load %arg7[%get3A_791, %get3A_792] {strides = array<i32>} : memref<64x512xf32, #tpu.memory_space<vmem>>, vector<1x16xf32>,
      %get3A_794 = vector.shape_cast %get3A_793 : vector<1x16xf32> to vector<16xf32>
      %broadcast_in_dim3A_795 = arith.constant 28 : i32
      %broadcast_in_dim3A_796 = vector.broadcast %broadcast_in_dim3A_795 : i32 to vector<16xi32>
      %gt3A_797 = arith.cmpf ogt, %get3A_794, %max3A_740 : vector<16xf32>
      %min3A_798 = arith.minimumf %max3A_740, %get3A_794 : vector<16xf32>
      %select_n3A_799 = arith.select %gt3A_797, %select_n3A_741, %broadcast_in_dim3A_796 : vector<16xi1>, vector<16xi32>
      %max3A_800 = arith.maximumf %max3A_740, %get3A_794 : vector<16xf32>
      %select_n3A_801 = arith.select %gt3A_797, %broadcast_in_dim3A_796, %select_n3A_741 : vector<16xi1>, vector<16xi32>
      %gt3A_802 = arith.cmpf ogt, %min3A_798, %max3A_743 : vector<16xf32>
      %max3A_803 = arith.maximumf %max3A_743, %min3A_798 : vector<16xf32>
      %select_n3A_804 = arith.select %gt3A_802, %select_n3A_799, %select_n3A_744 : vector<16xi1>, vector<16xi32>
      %get3A_805 = arith.constant 44 : i32
      %get3A_806 = arith.index_cast %get3A_805 : i32 to index
      %get3A_807 = arith.index_cast %mul3A_59 : i32 to index
      %get3A_808 = tpu.vector_load %arg7[%get3A_806, %get3A_807] {strides = array<i32>} : memref<64x512xf32, #tpu.memory_space<vmem>>, vector<1x16xf32>,
      %get3A_809 = vector.shape_cast %get3A_808 : vector<1x16xf32> to vector<16xf32>
      %broadcast_in_dim3A_810 = arith.constant 44 : i32
      %broadcast_in_dim3A_811 = vector.broadcast %broadcast_in_dim3A_810 : i32 to vector<16xi32>
      %gt3A_812 = arith.cmpf ogt, %get3A_809, %max3A_755 : vector<16xf32>
      %min3A_813 = arith.minimumf %max3A_755, %get3A_809 : vector<16xf32>
      %select_n3A_814 = arith.select %gt3A_812, %select_n3A_756, %broadcast_in_dim3A_811 : vector<16xi1>, vector<16xi32>
      %max3A_815 = arith.maximumf %max3A_755, %get3A_809 : vector<16xf32>
      %select_n3A_816 = arith.select %gt3A_812, %broadcast_in_dim3A_811, %select_n3A_756 : vector<16xi1>, vector<16xi32>
      %gt3A_817 = arith.cmpf ogt, %min3A_813, %max3A_758 : vector<16xf32>
      %max3A_818 = arith.maximumf %max3A_758, %min3A_813 : vector<16xf32>
      %select_n3A_819 = arith.select %gt3A_817, %select_n3A_814, %select_n3A_759 : vector<16xi1>, vector<16xi32>
      %get3A_820 = arith.constant 60 : i32
      %get3A_821 = arith.index_cast %get3A_820 : i32 to index
      %get3A_822 = arith.index_cast %mul3A_59 : i32 to index
      %get3A_823 = tpu.vector_load %arg7[%get3A_821, %get3A_822] {strides = array<i32>} : memref<64x512xf32, #tpu.memory_space<vmem>>, vector<1x16xf32>,
      %get3A_824 = vector.shape_cast %get3A_823 : vector<1x16xf32> to vector<16xf32>
      %broadcast_in_dim3A_825 = arith.constant 60 : i32
      %broadcast_in_dim3A_826 = vector.broadcast %broadcast_in_dim3A_825 : i32 to vector<16xi32>
      %gt3A_827 = arith.cmpf ogt, %get3A_824, %max3A_770 : vector<16xf32>
      %min3A_828 = arith.minimumf %max3A_770, %get3A_824 : vector<16xf32>
      %select_n3A_829 = arith.select %gt3A_827, %select_n3A_771, %broadcast_in_dim3A_826 : vector<16xi1>, vector<16xi32>
      %max3A_830 = arith.maximumf %max3A_770, %get3A_824 : vector<16xf32>
      %select_n3A_831 = arith.select %gt3A_827, %broadcast_in_dim3A_826, %select_n3A_771 : vector<16xi1>, vector<16xi32>
      %gt3A_832 = arith.cmpf ogt, %min3A_828, %max3A_773 : vector<16xf32>
      %max3A_833 = arith.maximumf %max3A_773, %min3A_828 : vector<16xf32>
      %select_n3A_834 = arith.select %gt3A_832, %select_n3A_829, %select_n3A_774 : vector<16xi1>, vector<16xi32>
      %get3A_835 = arith.constant 13 : i32
      %get3A_836 = arith.index_cast %get3A_835 : i32 to index
      %get3A_837 = arith.index_cast %mul3A_59 : i32 to index
      %get3A_838 = tpu.vector_load %arg7[%get3A_836, %get3A_837] {strides = array<i32>} : memref<64x512xf32, #tpu.memory_space<vmem>>, vector<1x16xf32>,
      %get3A_839 = vector.shape_cast %get3A_838 : vector<1x16xf32> to vector<16xf32>
      %broadcast_in_dim3A_840 = arith.constant 13 : i32
      %broadcast_in_dim3A_841 = vector.broadcast %broadcast_in_dim3A_840 : i32 to vector<16xi32>
      %gt3A_842 = arith.cmpf ogt, %get3A_839, %max3A_785 : vector<16xf32>
      %min3A_843 = arith.minimumf %max3A_785, %get3A_839 : vector<16xf32>
      %select_n3A_844 = arith.select %gt3A_842, %select_n3A_786, %broadcast_in_dim3A_841 : vector<16xi1>, vector<16xi32>
      %max3A_845 = arith.maximumf %max3A_785, %get3A_839 : vector<16xf32>
      %select_n3A_846 = arith.select %gt3A_842, %broadcast_in_dim3A_841, %select_n3A_786 : vector<16xi1>, vector<16xi32>
      %gt3A_847 = arith.cmpf ogt, %min3A_843, %max3A_788 : vector<16xf32>
      %max3A_848 = arith.maximumf %max3A_788, %min3A_843 : vector<16xf32>
      %select_n3A_849 = arith.select %gt3A_847, %select_n3A_844, %select_n3A_789 : vector<16xi1>, vector<16xi32>
      %get3A_850 = arith.constant 29 : i32
      %get3A_851 = arith.index_cast %get3A_850 : i32 to index
      %get3A_852 = arith.index_cast %mul3A_59 : i32 to index
      %get3A_853 = tpu.vector_load %arg7[%get3A_851, %get3A_852] {strides = array<i32>} : memref<64x512xf32, #tpu.memory_space<vmem>>, vector<1x16xf32>,
      %get3A_854 = vector.shape_cast %get3A_853 : vector<1x16xf32> to vector<16xf32>
      %broadcast_in_dim3A_855 = arith.constant 29 : i32
      %broadcast_in_dim3A_856 = vector.broadcast %broadcast_in_dim3A_855 : i32 to vector<16xi32>
      %gt3A_857 = arith.cmpf ogt, %get3A_854, %max3A_800 : vector<16xf32>
      %min3A_858 = arith.minimumf %max3A_800, %get3A_854 : vector<16xf32>
      %select_n3A_859 = arith.select %gt3A_857, %select_n3A_801, %broadcast_in_dim3A_856 : vector<16xi1>, vector<16xi32>
      %max3A_860 = arith.maximumf %max3A_800, %get3A_854 : vector<16xf32>
      %select_n3A_861 = arith.select %gt3A_857, %broadcast_in_dim3A_856, %select_n3A_801 : vector<16xi1>, vector<16xi32>
      %gt3A_862 = arith.cmpf ogt, %min3A_858, %max3A_803 : vector<16xf32>
      %max3A_863 = arith.maximumf %max3A_803, %min3A_858 : vector<16xf32>
      %select_n3A_864 = arith.select %gt3A_862, %select_n3A_859, %select_n3A_804 : vector<16xi1>, vector<16xi32>
      %get3A_865 = arith.constant 45 : i32
      %get3A_866 = arith.index_cast %get3A_865 : i32 to index
      %get3A_867 = arith.index_cast %mul3A_59 : i32 to index
      %get3A_868 = tpu.vector_load %arg7[%get3A_866, %get3A_867] {strides = array<i32>} : memref<64x512xf32, #tpu.memory_space<vmem>>, vector<1x16xf32>,
      %get3A_869 = vector.shape_cast %get3A_868 : vector<1x16xf32> to vector<16xf32>
      %broadcast_in_dim3A_870 = arith.constant 45 : i32
      %broadcast_in_dim3A_871 = vector.broadcast %broadcast_in_dim3A_870 : i32 to vector<16xi32>
      %gt3A_872 = arith.cmpf ogt, %get3A_869, %max3A_815 : vector<16xf32>
      %min3A_873 = arith.minimumf %max3A_815, %get3A_869 : vector<16xf32>
      %select_n3A_874 = arith.select %gt3A_872, %select_n3A_816, %broadcast_in_dim3A_871 : vector<16xi1>, vector<16xi32>
      %max3A_875 = arith.maximumf %max3A_815, %get3A_869 : vector<16xf32>
      %select_n3A_876 = arith.select %gt3A_872, %broadcast_in_dim3A_871, %select_n3A_816 : vector<16xi1>, vector<16xi32>
      %gt3A_877 = arith.cmpf ogt, %min3A_873, %max3A_818 : vector<16xf32>
      %max3A_878 = arith.maximumf %max3A_818, %min3A_873 : vector<16xf32>
      %select_n3A_879 = arith.select %gt3A_877, %select_n3A_874, %select_n3A_819 : vector<16xi1>, vector<16xi32>
      %get3A_880 = arith.constant 61 : i32
      %get3A_881 = arith.index_cast %get3A_880 : i32 to index
      %get3A_882 = arith.index_cast %mul3A_59 : i32 to index
      %get3A_883 = tpu.vector_load %arg7[%get3A_881, %get3A_882] {strides = array<i32>} : memref<64x512xf32, #tpu.memory_space<vmem>>, vector<1x16xf32>,
      %get3A_884 = vector.shape_cast %get3A_883 : vector<1x16xf32> to vector<16xf32>
      %broadcast_in_dim3A_885 = arith.constant 61 : i32
      %broadcast_in_dim3A_886 = vector.broadcast %broadcast_in_dim3A_885 : i32 to vector<16xi32>
      %gt3A_887 = arith.cmpf ogt, %get3A_884, %max3A_830 : vector<16xf32>
      %min3A_888 = arith.minimumf %max3A_830, %get3A_884 : vector<16xf32>
      %select_n3A_889 = arith.select %gt3A_887, %select_n3A_831, %broadcast_in_dim3A_886 : vector<16xi1>, vector<16xi32>
      %max3A_890 = arith.maximumf %max3A_830, %get3A_884 : vector<16xf32>
      %select_n3A_891 = arith.select %gt3A_887, %broadcast_in_dim3A_886, %select_n3A_831 : vector<16xi1>, vector<16xi32>
      %gt3A_892 = arith.cmpf ogt, %min3A_888, %max3A_833 : vector<16xf32>
      %max3A_893 = arith.maximumf %max3A_833, %min3A_888 : vector<16xf32>
      %select_n3A_894 = arith.select %gt3A_892, %select_n3A_889, %select_n3A_834 : vector<16xi1>, vector<16xi32>
      %get3A_895 = arith.constant 14 : i32
      %get3A_896 = arith.index_cast %get3A_895 : i32 to index
      %get3A_897 = arith.index_cast %mul3A_59 : i32 to index
      %get3A_898 = tpu.vector_load %arg7[%get3A_896, %get3A_897] {strides = array<i32>} : memref<64x512xf32, #tpu.memory_space<vmem>>, vector<1x16xf32>,
      %get3A_899 = vector.shape_cast %get3A_898 : vector<1x16xf32> to vector<16xf32>
      %broadcast_in_dim3A_900 = arith.constant 14 : i32
      %broadcast_in_dim3A_901 = vector.broadcast %broadcast_in_dim3A_900 : i32 to vector<16xi32>
      %gt3A_902 = arith.cmpf ogt, %get3A_899, %max3A_845 : vector<16xf32>
      %min3A_903 = arith.minimumf %max3A_845, %get3A_899 : vector<16xf32>
      %select_n3A_904 = arith.select %gt3A_902, %select_n3A_846, %broadcast_in_dim3A_901 : vector<16xi1>, vector<16xi32>
      %max3A_905 = arith.maximumf %max3A_845, %get3A_899 : vector<16xf32>
      %select_n3A_906 = arith.select %gt3A_902, %broadcast_in_dim3A_901, %select_n3A_846 : vector<16xi1>, vector<16xi32>
      %gt3A_907 = arith.cmpf ogt, %min3A_903, %max3A_848 : vector<16xf32>
      %max3A_908 = arith.maximumf %max3A_848, %min3A_903 : vector<16xf32>
      %select_n3A_909 = arith.select %gt3A_907, %select_n3A_904, %select_n3A_849 : vector<16xi1>, vector<16xi32>
      %get3A_910 = arith.constant 30 : i32
      %get3A_911 = arith.index_cast %get3A_910 : i32 to index
      %get3A_912 = arith.index_cast %mul3A_59 : i32 to index
      %get3A_913 = tpu.vector_load %arg7[%get3A_911, %get3A_912] {strides = array<i32>} : memref<64x512xf32, #tpu.memory_space<vmem>>, vector<1x16xf32>,
      %get3A_914 = vector.shape_cast %get3A_913 : vector<1x16xf32> to vector<16xf32>
      %broadcast_in_dim3A_915 = arith.constant 30 : i32
      %broadcast_in_dim3A_916 = vector.broadcast %broadcast_in_dim3A_915 : i32 to vector<16xi32>
      %gt3A_917 = arith.cmpf ogt, %get3A_914, %max3A_860 : vector<16xf32>
      %min3A_918 = arith.minimumf %max3A_860, %get3A_914 : vector<16xf32>
      %select_n3A_919 = arith.select %gt3A_917, %select_n3A_861, %broadcast_in_dim3A_916 : vector<16xi1>, vector<16xi32>
      %max3A_920 = arith.maximumf %max3A_860, %get3A_914 : vector<16xf32>
      %select_n3A_921 = arith.select %gt3A_917, %broadcast_in_dim3A_916, %select_n3A_861 : vector<16xi1>, vector<16xi32>
      %gt3A_922 = arith.cmpf ogt, %min3A_918, %max3A_863 : vector<16xf32>
      %max3A_923 = arith.maximumf %max3A_863, %min3A_918 : vector<16xf32>
      %select_n3A_924 = arith.select %gt3A_922, %select_n3A_919, %select_n3A_864 : vector<16xi1>, vector<16xi32>
      %get3A_925 = arith.constant 46 : i32
      %get3A_926 = arith.index_cast %get3A_925 : i32 to index
      %get3A_927 = arith.index_cast %mul3A_59 : i32 to index
      %get3A_928 = tpu.vector_load %arg7[%get3A_926, %get3A_927] {strides = array<i32>} : memref<64x512xf32, #tpu.memory_space<vmem>>, vector<1x16xf32>,
      %get3A_929 = vector.shape_cast %get3A_928 : vector<1x16xf32> to vector<16xf32>
      %broadcast_in_dim3A_930 = arith.constant 46 : i32
      %broadcast_in_dim3A_931 = vector.broadcast %broadcast_in_dim3A_930 : i32 to vector<16xi32>
      %gt3A_932 = arith.cmpf ogt, %get3A_929, %max3A_875 : vector<16xf32>
      %min3A_933 = arith.minimumf %max3A_875, %get3A_929 : vector<16xf32>
      %select_n3A_934 = arith.select %gt3A_932, %select_n3A_876, %broadcast_in_dim3A_931 : vector<16xi1>, vector<16xi32>
      %max3A_935 = arith.maximumf %max3A_875, %get3A_929 : vector<16xf32>
      %select_n3A_936 = arith.select %gt3A_932, %broadcast_in_dim3A_931, %select_n3A_876 : vector<16xi1>, vector<16xi32>
      %gt3A_937 = arith.cmpf ogt, %min3A_933, %max3A_878 : vector<16xf32>
      %max3A_938 = arith.maximumf %max3A_878, %min3A_933 : vector<16xf32>
      %select_n3A_939 = arith.select %gt3A_937, %select_n3A_934, %select_n3A_879 : vector<16xi1>, vector<16xi32>
      %get3A_940 = arith.constant 62 : i32
      %get3A_941 = arith.index_cast %get3A_940 : i32 to index
      %get3A_942 = arith.index_cast %mul3A_59 : i32 to index
      %get3A_943 = tpu.vector_load %arg7[%get3A_941, %get3A_942] {strides = array<i32>} : memref<64x512xf32, #tpu.memory_space<vmem>>, vector<1x16xf32>,
      %get3A_944 = vector.shape_cast %get3A_943 : vector<1x16xf32> to vector<16xf32>
      %broadcast_in_dim3A_945 = arith.constant 62 : i32
      %broadcast_in_dim3A_946 = vector.broadcast %broadcast_in_dim3A_945 : i32 to vector<16xi32>
      %gt3A_947 = arith.cmpf ogt, %get3A_944, %max3A_890 : vector<16xf32>
      %min3A_948 = arith.minimumf %max3A_890, %get3A_944 : vector<16xf32>
      %select_n3A_949 = arith.select %gt3A_947, %select_n3A_891, %broadcast_in_dim3A_946 : vector<16xi1>, vector<16xi32>
      %max3A_950 = arith.maximumf %max3A_890, %get3A_944 : vector<16xf32>
      %select_n3A_951 = arith.select %gt3A_947, %broadcast_in_dim3A_946, %select_n3A_891 : vector<16xi1>, vector<16xi32>
      %gt3A_952 = arith.cmpf ogt, %min3A_948, %max3A_893 : vector<16xf32>
      %max3A_953 = arith.maximumf %max3A_893, %min3A_948 : vector<16xf32>
      %select_n3A_954 = arith.select %gt3A_952, %select_n3A_949, %select_n3A_894 : vector<16xi1>, vector<16xi32>
      %get3A_955 = arith.constant 15 : i32
      %get3A_956 = arith.index_cast %get3A_955 : i32 to index
      %get3A_957 = arith.index_cast %mul3A_59 : i32 to index
      %get3A_958 = tpu.vector_load %arg7[%get3A_956, %get3A_957] {strides = array<i32>} : memref<64x512xf32, #tpu.memory_space<vmem>>, vector<1x16xf32>,
      %get3A_959 = vector.shape_cast %get3A_958 : vector<1x16xf32> to vector<16xf32>
      %broadcast_in_dim3A_960 = arith.constant 15 : i32
      %broadcast_in_dim3A_961 = vector.broadcast %broadcast_in_dim3A_960 : i32 to vector<16xi32>
      %gt3A_962 = arith.cmpf ogt, %get3A_959, %max3A_905 : vector<16xf32>
      %min3A_963 = arith.minimumf %max3A_905, %get3A_959 : vector<16xf32>
      %select_n3A_964 = arith.select %gt3A_962, %select_n3A_906, %broadcast_in_dim3A_961 : vector<16xi1>, vector<16xi32>
      %max3A_965 = arith.maximumf %max3A_905, %get3A_959 : vector<16xf32>
      %select_n3A_966 = arith.select %gt3A_962, %broadcast_in_dim3A_961, %select_n3A_906 : vector<16xi1>, vector<16xi32>
      %gt3A_967 = arith.cmpf ogt, %min3A_963, %max3A_908 : vector<16xf32>
      %max3A_968 = arith.maximumf %max3A_908, %min3A_963 : vector<16xf32>
      %select_n3A_969 = arith.select %gt3A_967, %select_n3A_964, %select_n3A_909 : vector<16xi1>, vector<16xi32>
      %get3A_970 = arith.constant 31 : i32
      %get3A_971 = arith.index_cast %get3A_970 : i32 to index
      %get3A_972 = arith.index_cast %mul3A_59 : i32 to index
      %get3A_973 = tpu.vector_load %arg7[%get3A_971, %get3A_972] {strides = array<i32>} : memref<64x512xf32, #tpu.memory_space<vmem>>, vector<1x16xf32>,
      %get3A_974 = vector.shape_cast %get3A_973 : vector<1x16xf32> to vector<16xf32>
      %broadcast_in_dim3A_975 = arith.constant 31 : i32
      %broadcast_in_dim3A_976 = vector.broadcast %broadcast_in_dim3A_975 : i32 to vector<16xi32>
      %gt3A_977 = arith.cmpf ogt, %get3A_974, %max3A_920 : vector<16xf32>
      %min3A_978 = arith.minimumf %max3A_920, %get3A_974 : vector<16xf32>
      %select_n3A_979 = arith.select %gt3A_977, %select_n3A_921, %broadcast_in_dim3A_976 : vector<16xi1>, vector<16xi32>
      %max3A_980 = arith.maximumf %max3A_920, %get3A_974 : vector<16xf32>
      %select_n3A_981 = arith.select %gt3A_977, %broadcast_in_dim3A_976, %select_n3A_921 : vector<16xi1>, vector<16xi32>
      %gt3A_982 = arith.cmpf ogt, %min3A_978, %max3A_923 : vector<16xf32>
      %max3A_983 = arith.maximumf %max3A_923, %min3A_978 : vector<16xf32>
      %select_n3A_984 = arith.select %gt3A_982, %select_n3A_979, %select_n3A_924 : vector<16xi1>, vector<16xi32>
      %get3A_985 = arith.constant 47 : i32
      %get3A_986 = arith.index_cast %get3A_985 : i32 to index
      %get3A_987 = arith.index_cast %mul3A_59 : i32 to index
      %get3A_988 = tpu.vector_load %arg7[%get3A_986, %get3A_987] {strides = array<i32>} : memref<64x512xf32, #tpu.memory_space<vmem>>, vector<1x16xf32>,
      %get3A_989 = vector.shape_cast %get3A_988 : vector<1x16xf32> to vector<16xf32>
      %broadcast_in_dim3A_990 = arith.constant 47 : i32
      %broadcast_in_dim3A_991 = vector.broadcast %broadcast_in_dim3A_990 : i32 to vector<16xi32>
      %gt3A_992 = arith.cmpf ogt, %get3A_989, %max3A_935 : vector<16xf32>
      %min3A_993 = arith.minimumf %max3A_935, %get3A_989 : vector<16xf32>
      %select_n3A_994 = arith.select %gt3A_992, %select_n3A_936, %broadcast_in_dim3A_991 : vector<16xi1>, vector<16xi32>
      %max3A_995 = arith.maximumf %max3A_935, %get3A_989 : vector<16xf32>
      %select_n3A_996 = arith.select %gt3A_992, %broadcast_in_dim3A_991, %select_n3A_936 : vector<16xi1>, vector<16xi32>
      %gt3A_997 = arith.cmpf ogt, %min3A_993, %max3A_938 : vector<16xf32>
      %max3A_998 = arith.maximumf %max3A_938, %min3A_993 : vector<16xf32>
      %select_n3A_999 = arith.select %gt3A_997, %select_n3A_994, %select_n3A_939 : vector<16xi1>, vector<16xi32>
      %get3A_1000 = arith.constant 63 : i32
      %get3A_1001 = arith.index_cast %get3A_1000 : i32 to index
      %get3A_1002 = arith.index_cast %mul3A_59 : i32 to index
      %get3A_1003 = tpu.vector_load %arg7[%get3A_1001, %get3A_1002] {strides = array<i32>} : memref<64x512xf32, #tpu.memory_space<vmem>>, vector<1x16xf32>,
      %get3A_1004 = vector.shape_cast %get3A_1003 : vector<1x16xf32> to vector<16xf32>
      %broadcast_in_dim3A_1005 = arith.constant 63 : i32
      %broadcast_in_dim3A_1006 = vector.broadcast %broadcast_in_dim3A_1005 : i32 to vector<16xi32>
      %gt3A_1007 = arith.cmpf ogt, %get3A_1004, %max3A_950 : vector<16xf32>
      %min3A_1008 = arith.minimumf %max3A_950, %get3A_1004 : vector<16xf32>
      %select_n3A_1009 = arith.select %gt3A_1007, %select_n3A_951, %broadcast_in_dim3A_1006 : vector<16xi1>, vector<16xi32>
      %max3A_1010 = arith.maximumf %max3A_950, %get3A_1004 : vector<16xf32>
      %select_n3A_1011 = arith.select %gt3A_1007, %broadcast_in_dim3A_1006, %select_n3A_951 : vector<16xi1>, vector<16xi32>
      %gt3A_1012 = arith.cmpf ogt, %min3A_1008, %max3A_953 : vector<16xf32>
      %max3A_1013 = arith.maximumf %max3A_953, %min3A_1008 : vector<16xf32>
      %select_n3A_1014 = arith.select %gt3A_1012, %select_n3A_1009, %select_n3A_954 : vector<16xi1>, vector<16xi32>
      %ge3A = arith.cmpf oge, %max3A_965, %max3A_980 : vector<16xf32>
      %max3A_1015 = arith.maximumf %max3A_965, %max3A_980 : vector<16xf32>
      %select_n3A_1016 = arith.select %ge3A, %select_n3A_966, %select_n3A_981 : vector<16xi1>, vector<16xi32>
      %ge3A_1017 = arith.cmpf oge, %max3A_968, %max3A_980 : vector<16xf32>
      %max3A_1018 = arith.maximumf %max3A_968, %max3A_980 : vector<16xf32>
      %select_n3A_1019 = arith.select %ge3A_1017, %select_n3A_969, %select_n3A_981 : vector<16xi1>, vector<16xi32>
      %ge3A_1020 = arith.cmpf oge, %max3A_965, %max3A_983 : vector<16xf32>
      %max3A_1021 = arith.maximumf %max3A_965, %max3A_983 : vector<16xf32>
      %select_n3A_1022 = arith.select %ge3A_1020, %select_n3A_966, %select_n3A_984 : vector<16xi1>, vector<16xi32>
      %select_n3A_1023 = arith.select %ge3A, %max3A_1018, %max3A_1021 : vector<16xi1>, vector<16xf32>
      %select_n3A_1024 = arith.select %ge3A, %select_n3A_1019, %select_n3A_1022 : vector<16xi1>, vector<16xi32>
      %ge3A_1025 = arith.cmpf oge, %max3A_995, %max3A_1010 : vector<16xf32>
      %max3A_1026 = arith.maximumf %max3A_995, %max3A_1010 : vector<16xf32>
      %select_n3A_1027 = arith.select %ge3A_1025, %select_n3A_996, %select_n3A_1011 : vector<16xi1>, vector<16xi32>
      %ge3A_1028 = arith.cmpf oge, %max3A_998, %max3A_1010 : vector<16xf32>
      %max3A_1029 = arith.maximumf %max3A_998, %max3A_1010 : vector<16xf32>
      %select_n3A_1030 = arith.select %ge3A_1028, %select_n3A_999, %select_n3A_1011 : vector<16xi1>, vector<16xi32>
      %ge3A_1031 = arith.cmpf oge, %max3A_995, %max3A_1013 : vector<16xf32>
      %max3A_1032 = arith.maximumf %max3A_995, %max3A_1013 : vector<16xf32>
      %select_n3A_1033 = arith.select %ge3A_1031, %select_n3A_996, %select_n3A_1014 : vector<16xi1>, vector<16xi32>
      %select_n3A_1034 = arith.select %ge3A_1025, %max3A_1029, %max3A_1032 : vector<16xi1>, vector<16xf32>
      %select_n3A_1035 = arith.select %ge3A_1025, %select_n3A_1030, %select_n3A_1033 : vector<16xi1>, vector<16xi32>
      %ge3A_1036 = arith.cmpf oge, %max3A_1015, %max3A_1026 : vector<16xf32>
      %max3A_1037 = arith.maximumf %max3A_1015, %max3A_1026 : vector<16xf32>
      %select_n3A_1038 = arith.select %ge3A_1036, %select_n3A_1016, %select_n3A_1027 : vector<16xi1>, vector<16xi32>
      %ge3A_1039 = arith.cmpf oge, %select_n3A_1023, %max3A_1026 : vector<16xf32>
      %max3A_1040 = arith.maximumf %select_n3A_1023, %max3A_1026 : vector<16xf32>
      %select_n3A_1041 = arith.select %ge3A_1039, %select_n3A_1024, %select_n3A_1027 : vector<16xi1>, vector<16xi32>
      %ge3A_1042 = arith.cmpf oge, %max3A_1015, %select_n3A_1034 : vector<16xf32>
      %max3A_1043 = arith.maximumf %max3A_1015, %select_n3A_1034 : vector<16xf32>
      %select_n3A_1044 = arith.select %ge3A_1042, %select_n3A_1016, %select_n3A_1035 : vector<16xi1>, vector<16xi32>
      %select_n3A_1045 = arith.select %ge3A_1036, %max3A_1040, %max3A_1043 : vector<16xi1>, vector<16xf32>
      %select_n3A_1046 = arith.select %ge3A_1036, %select_n3A_1041, %select_n3A_1044 : vector<16xi1>, vector<16xi32>
      %sub3A = arith.subf %select_n3A_1045, %max3A_1037 : vector<16xf32>
      %exp3A = math.exp %sub3A : vector<16xf32>
      %add3A_1047 = arith.constant 1.000000e+00 : f32
      %add3A_1048 = vector.broadcast %add3A_1047 : f32 to vector<16xf32>
      %add3A_1049 = arith.addf %add3A_1048, %exp3A : vector<16xf32>
      %div3A = arith.constant 1.000000e+00 : f32
      %div3A_1050 = vector.broadcast %div3A : f32 to vector<16xf32>
      %div3A_1051 = arith.divf %div3A_1050, %add3A_1049 : vector<16xf32>
      %mul3A_1052 = arith.mulf %exp3A, %div3A_1051 : vector<16xf32>
      %swap3A = arith.index_cast %mul3A_59 : i32 to index
      %swap3A_1053 = tpu.vector_load %arg8[%swap3A] {strides = array<i32>} : memref<512xf32, #tpu.memory_space<vmem>>, vector<16xf32>,
      %swap3A_1054 = vector.shape_cast %swap3A_1053 : vector<16xf32> to vector<16xf32>
      %swap3A_1055 = vector.shape_cast %div3A_1051 : vector<16xf32> to vector<16xf32>
      tpu.vector_store %arg8[%swap3A], %swap3A_1055 {strides = array<i32>} : memref<512xf32, #tpu.memory_space<vmem>>, vector<16xf32>,
      %swap3A_1056 = arith.index_cast %mul3A_59 : i32 to index
      %swap3A_1057 = tpu.vector_load %arg9[%swap3A_1056] {strides = array<i32>} : memref<512xf32, #tpu.memory_space<vmem>>, vector<16xf32>,
      %swap3A_1058 = vector.shape_cast %swap3A_1057 : vector<16xf32> to vector<16xf32>
      %swap3A_1059 = vector.shape_cast %mul3A_1052 : vector<16xf32> to vector<16xf32>
      tpu.vector_store %arg9[%swap3A_1056], %swap3A_1059 {strides = array<i32>} : memref<512xf32, #tpu.memory_space<vmem>>, vector<16xf32>,
      %swap3A_1060 = arith.index_cast %mul3A_59 : i32 to index
      %swap3A_1061 = tpu.vector_load %arg10[%swap3A_1060] {strides = array<i32>} : memref<512xi32, #tpu.memory_space<vmem>>, vector<16xi32>,
      %swap3A_1062 = vector.shape_cast %swap3A_1061 : vector<16xi32> to vector<16xi32>
      %swap3A_1063 = vector.shape_cast %select_n3A_1038 : vector<16xi32> to vector<16xi32>
      tpu.vector_store %arg10[%swap3A_1060], %swap3A_1063 {strides = array<i32>} : memref<512xi32, #tpu.memory_space<vmem>>, vector<16xi32>,
      %swap3A_1064 = arith.index_cast %mul3A_59 : i32 to index
      %swap3A_1065 = tpu.vector_load %arg11[%swap3A_1064] {strides = array<i32>} : memref<512xi32, #tpu.memory_space<vmem>>, vector<16xi32>,
      %swap3A_1066 = vector.shape_cast %swap3A_1065 : vector<16xi32> to vector<16xi32>
      %swap3A_1067 = vector.shape_cast %select_n3A_1046 : vector<16xi32> to vector<16xi32>
      tpu.vector_store %arg11[%swap3A_1064], %swap3A_1067 {strides = array<i32>} : memref<512xi32, #tpu.memory_space<vmem>>, vector<16xi32>,
    }
    %scan3A_56 = arith.constant 16 : i32
    "tpu.region"() ({
      %run_scoped3A = tpu.sem_alloc : memref<!tpu.dma_semaphore, #tpu.memory_space<semaphore_mem>>
      %dma_start3A_57 = tpu.memref_slice %arg3[%mul3A_2] : memref<16384xf32, #tpu.memory_space<hbm>> -> memref<512xf32, #tpu.memory_space<hbm>>
      %dma_start3A_58 = tpu.memref_slice %arg3[%mul3A_2] : memref<16384xf32, #tpu.memory_space<hbm>> -> memref<512xf32, #tpu.memory_space<hbm>>
      tpu.enqueue_dma source(%arg8 : memref<512xf32, #tpu.memory_space<vmem>>) target(%dma_start3A_58 : memref<512xf32, #tpu.memory_space<hbm>>) target_semaphore(%run_scoped3A : memref<!tpu.dma_semaphore, #tpu.memory_space<semaphore_mem>>)
      %dma_wait3A_59 = tpu.memref_slice %arg3[%mul3A_2] : memref<16384xf32, #tpu.memory_space<hbm>> -> memref<512xf32, #tpu.memory_space<hbm>>
      %dma_wait3A_60 = tpu.memref_slice %arg3[%mul3A_2] : memref<16384xf32, #tpu.memory_space<hbm>> -> memref<512xf32, #tpu.memory_space<hbm>>
      tpu.wait_dma2 semaphore(%run_scoped3A : memref<!tpu.dma_semaphore, #tpu.memory_space<semaphore_mem>>) src(%arg8 : memref<512xf32, #tpu.memory_space<vmem>>) dst(%dma_wait3A_60 : memref<512xf32, #tpu.memory_space<hbm>>)
      tpu.yield
    }) : () -> ()
    "tpu.region"() ({
      %run_scoped3A = tpu.sem_alloc : memref<!tpu.dma_semaphore, #tpu.memory_space<semaphore_mem>>
      %dma_start3A_57 = tpu.memref_slice %arg4[%mul3A_2] : memref<16384xf32, #tpu.memory_space<hbm>> -> memref<512xf32, #tpu.memory_space<hbm>>
      %dma_start3A_58 = tpu.memref_slice %arg4[%mul3A_2] : memref<16384xf32, #tpu.memory_space<hbm>> -> memref<512xf32, #tpu.memory_space<hbm>>
      tpu.enqueue_dma source(%arg9 : memref<512xf32, #tpu.memory_space<vmem>>) target(%dma_start3A_58 : memref<512xf32, #tpu.memory_space<hbm>>) target_semaphore(%run_scoped3A : memref<!tpu.dma_semaphore, #tpu.memory_space<semaphore_mem>>)
      %dma_wait3A_59 = tpu.memref_slice %arg4[%mul3A_2] : memref<16384xf32, #tpu.memory_space<hbm>> -> memref<512xf32, #tpu.memory_space<hbm>>
      %dma_wait3A_60 = tpu.memref_slice %arg4[%mul3A_2] : memref<16384xf32, #tpu.memory_space<hbm>> -> memref<512xf32, #tpu.memory_space<hbm>>
      tpu.wait_dma2 semaphore(%run_scoped3A : memref<!tpu.dma_semaphore, #tpu.memory_space<semaphore_mem>>) src(%arg9 : memref<512xf32, #tpu.memory_space<vmem>>) dst(%dma_wait3A_60 : memref<512xf32, #tpu.memory_space<hbm>>)
      tpu.yield
    }) : () -> ()
    "tpu.region"() ({
      %run_scoped3A = tpu.sem_alloc : memref<!tpu.dma_semaphore, #tpu.memory_space<semaphore_mem>>
      %dma_start3A_57 = tpu.memref_slice %arg5[%mul3A_2] : memref<16384xi32, #tpu.memory_space<hbm>> -> memref<512xi32, #tpu.memory_space<hbm>>
      %dma_start3A_58 = tpu.memref_slice %arg5[%mul3A_2] : memref<16384xi32, #tpu.memory_space<hbm>> -> memref<512xi32, #tpu.memory_space<hbm>>
      tpu.enqueue_dma source(%arg10 : memref<512xi32, #tpu.memory_space<vmem>>) target(%dma_start3A_58 : memref<512xi32, #tpu.memory_space<hbm>>) target_semaphore(%run_scoped3A : memref<!tpu.dma_semaphore, #tpu.memory_space<semaphore_mem>>)
      %dma_wait3A_59 = tpu.memref_slice %arg5[%mul3A_2] : memref<16384xi32, #tpu.memory_space<hbm>> -> memref<512xi32, #tpu.memory_space<hbm>>
      %dma_wait3A_60 = tpu.memref_slice %arg5[%mul3A_2] : memref<16384xi32, #tpu.memory_space<hbm>> -> memref<512xi32, #tpu.memory_space<hbm>>
      tpu.wait_dma2 semaphore(%run_scoped3A : memref<!tpu.dma_semaphore, #tpu.memory_space<semaphore_mem>>) src(%arg10 : memref<512xi32, #tpu.memory_space<vmem>>) dst(%dma_wait3A_60 : memref<512xi32, #tpu.memory_space<hbm>>)
      tpu.yield
    }) : () -> ()
    "tpu.region"() ({
      %run_scoped3A = tpu.sem_alloc : memref<!tpu.dma_semaphore, #tpu.memory_space<semaphore_mem>>
      %dma_start3A_57 = tpu.memref_slice %arg6[%mul3A_2] : memref<16384xi32, #tpu.memory_space<hbm>> -> memref<512xi32, #tpu.memory_space<hbm>>
      %dma_start3A_58 = tpu.memref_slice %arg6[%mul3A_2] : memref<16384xi32, #tpu.memory_space<hbm>> -> memref<512xi32, #tpu.memory_space<hbm>>
      tpu.enqueue_dma source(%arg11 : memref<512xi32, #tpu.memory_space<vmem>>) target(%dma_start3A_58 : memref<512xi32, #tpu.memory_space<hbm>>) target_semaphore(%run_scoped3A : memref<!tpu.dma_semaphore, #tpu.memory_space<semaphore_mem>>)
      %dma_wait3A_59 = tpu.memref_slice %arg6[%mul3A_2] : memref<16384xi32, #tpu.memory_space<hbm>> -> memref<512xi32, #tpu.memory_space<hbm>>
      %dma_wait3A_60 = tpu.memref_slice %arg6[%mul3A_2] : memref<16384xi32, #tpu.memory_space<hbm>> -> memref<512xi32, #tpu.memory_space<hbm>>
      tpu.wait_dma2 semaphore(%run_scoped3A : memref<!tpu.dma_semaphore, #tpu.memory_space<semaphore_mem>>) src(%arg11 : memref<512xi32, #tpu.memory_space<vmem>>) dst(%dma_wait3A_60 : memref<512xi32, #tpu.memory_space<hbm>>)
      tpu.yield
    }) : () -> ()
    return
  }
}

module attributes {stable_mosaic.version = 14 : i64} {
  func.func @_logits_body(%arg0: i32, %arg1: memref<1024x2048xf32, #tpu.memory_space<vmem>>, %arg2: memref<64x2048xf32, #tpu.memory_space<vmem>>, %arg3: memref<64x1024xf32, #tpu.memory_space<vmem>>) attributes {dimension_semantics = [#tpu.dimension_semantics<arbitrary>], iteration_bounds = array<i64: 16>, scalar_prefetch = 0 : i64, scratch_operands = 0 : i64, tpu.core_type = #tpu.core_type<tc>, window_params = [{transform_indices = @transform_0, window_bounds = array<i64: 1024, 2048>}, {pipeline_mode = #tpu.pipeline_mode<synchronous>, transform_indices = @transform_1, window_bounds = array<i64: 64, 2048>}, {transform_indices = @transform_2, window_bounds = array<i64: 64, 1024>}]} {
    %get3A = arith.constant 0 : index
    %get3A_0 = arith.constant 0 : index
    %get3A_1 = vector.load %arg2[%get3A, %get3A_0] : memref<64x2048xf32, #tpu.memory_space<vmem>>, vector<64x2048xf32>
    %get3A_2 = arith.constant 0 : index
    %get3A_3 = arith.constant 0 : index
    %get3A_4 = vector.load %arg1[%get3A_2, %get3A_3] : memref<1024x2048xf32, #tpu.memory_space<vmem>>, vector<1024x2048xf32>
    %dot_general3A = arith.constant dense<0.000000e+00> : vector<64x1024xf32>
    %dot_general3A_5 = tpu.matmul %get3A_1, %get3A_4, %dot_general3A {dimension_numbers = #tpu.dot_dimension_numbers<[1], [1], [0], [0], [0, 0, 1, 0], [], []>, transpose_lhs_hint = false} : vector<64x2048xf32>, vector<1024x2048xf32>, vector<64x1024xf32> -> vector<64x1024xf32>
    %swap3A = arith.constant 0 : index
    %swap3A_6 = arith.constant 0 : index
    %swap3A_7 = vector.load %arg3[%swap3A, %swap3A_6] : memref<64x1024xf32, #tpu.memory_space<vmem>>, vector<64x1024xf32>
    tpu.vector_store %arg3[%swap3A, %swap3A_6], %dot_general3A_5 {strides = array<i32>} : memref<64x1024xf32, #tpu.memory_space<vmem>>, vector<64x1024xf32>,
    return
  }
  func.func @transform_0(%arg0: i32) -> (i32, i32) {
    %c0_i32 = arith.constant 0 : i32
    %c0_i32_0 = arith.constant 0 : i32
    return %arg0, %c0_i32 : i32, i32
  }
  func.func @transform_1(%arg0: i32) -> (i32, i32) {
    %c0_i32 = arith.constant 0 : i32
    %c0_i32_0 = arith.constant 0 : i32
    %c0_i32_1 = arith.constant 0 : i32
    return %c0_i32, %c0_i32_0 : i32, i32
  }
  func.func @transform_2(%arg0: i32) -> (i32, i32) {
    %c0_i32 = arith.constant 0 : i32
    %c0_i32_0 = arith.constant 0 : i32
    return %c0_i32, %arg0 : i32, i32
  }
}

</mosaic_0001>

<sc_bundles>
// kernel: kernel.4.cloned.1.call-start
scs
__scs_entry_jumppad:
0x0: {  	(pc) =	sbr.rel $0x88, $3  }
0x1: {  	(tag) =	ssettag $0x0;
	lr =	simm.s32 $0x1  }
0x2: {  	[smem:$0x3F9F] =	sst lr;
	_ =	strace $0xD0000000  }
0x3: {  	_ = 	snop  }
0x4: {  	_ = 	snop  }
0x5: {  	_ = 	snop  }
0x6: {  	_ = 	snop  }
0x7: {  	_ = 	snop  }
__scs_overlays_trampoline_lowered:
0x8: {  	[smem:$0x3FAE] =	sst s0  }
0x9: {  	[smem:$0x3FAF] =	sst s1  }
0xa: {  	[smem:$0x3FB0] =	sst s2  }
0xb: {  	[smem:$0x3FB1] =	sst s3  }
0xc: {  	[smem:$0x3FB2] =	sst s4  }
0xd: {  	[smem:$0x3FB3] =	sst s5  }
0xe: {  	[smem:$0x3FB4] =	sst s6  }
0xf: {  	[smem:$0x3FB5] =	sst s7  }
0x10: {  	[smem:$0x3FB6] =	sst s8  }
0x11: {  	[smem:$0x3FB7] =	sst s9;
	s0 =	simm.s32 @!p0 $0x0  }
0x12: {  	s1 =	sld [smem:$0x3F9D];
	s0 =	simm.s32 @p0 $0x1  }
0x13: {  	[smem:$0x3FB8] =	sst s0;
	s0 =	simm.s32 @!p1 $0x0  }
0x14: {  	s2 =	sld [smem:$0x3F9C];
	s0 =	simm.s32 @p1 $0x1  }
0x15: {  	[smem:$0x3FB9] =	sst s0;
	s0 =	simm.s32 @!p2 $0x0  }
0x16: {  	s3 =	sld [smem:$0x3FDB];
	s0 =	simm.s32 @p2 $0x1  }
0x17: {  	s4 =	simm.s32 $0x1BF5;
	[smem:$0x3FBB] =	sst s0  }
0x18: {  	s0 =	sld [smem:$0x3F9E];
	_ =	swait.ge [sflag:s4], $0x0  }
0x19: {  	s7 =	sld [smem:$0x3F9F]  }
0x1a: {  	s8 =	sadd.s32 $0xFFFFE003, lr  }
0x1b: {  	s9 =	sadd.s32 $0xFFFFFEF7, lr;
	s5 =	simm.s32 $0xFFFFFFFF;
	p2 =	slt.u32 s8, $0xFFFFF086  }
0x1c: {  	p1 =	slt.u32 s9, $0xF7A;
	s5 =	simm.s32 @!p2 $0x0  }
0x1d: {  	s5 =	simm.s32 @p1 $0x1;
	p0 =	seq.s32 s7, s2  }
0x1e: {  	s7 =	smul.u32 @!p0 $0xF7A, s2;
	p2 =	seq.s32 @!p0 s5, $0x0  }
0x1f: {  	s9 =	smul.u32 $0xF7A, s1;
	s8 =	simm.s32 @!p0 $0x1BF5;
	p2 =	por !p2, p0  }
0x20: {  	[sflag:s8] =	ssyncset.s32 @!p0 $0xFFFFF086;
	s6 =	sadd.s32 @!p0 s3, s7;
	s7 =	simm.s32 @!p0 $0x108  }
0x21: {  	s3 =	sadd.s32 s3, s9;
	s6 =	sadd.s32 @!p0 $0x88, s6;
	s7 =	simm.s32 @p2 $0x1082  }
0x22: {  	[simem:s7], [sflag:s8] =	dma.local @!p0 [hbm:s6], $0xF7A  }
0x23: {  	s9 =	sor.u32 $0xD0000000, s2;
	s6 =	simm.s32 $0x108;
	_ =	swait.ge @!p0 [sflag:s8], $0x0  }
0x24: {  	s3 =	sadd.s32 $0x88, s3;
	s6 =	simm.s32 @!p1 $0x1082;
	[sflag:s4] =	ssyncset.s32 $0xFFFFF086  }
0x25: {  	[simem:s6], [sflag:s4] =	dma.local [hbm:s3], $0xF7A  }
0x26: {  	[smem:$0x3F9F] =	sst s1;
	(tag) =	ssettag s2;
	_ =	strace s9  }
0x27: {  	s1 =	sld [smem:$0x3FAF]  }
0x28: {  	s2 =	sld [smem:$0x3FB0]  }
0x29: {  	s4 =	sld [smem:$0x3FB2]  }
0x2a: {  	p0 =	seq.s32 s5, $0x0;
	s5 =	sld [smem:$0x3FB3]  }
0x2b: {  	s6 =	sld [smem:$0x3FB4]  }
0x2c: {  	s7 =	sld [smem:$0x3FB5]  }
0x2d: {  	s3 =	simm.s32 $0x108;
	s8 =	sld [smem:$0x3FB6]  }
0x2e: {  	s3 =	simm.s32 @!p0 $0x1082;
	s9 =	sld [smem:$0x3FB7]  }
0x2f: {  	lr =	sadd.s32 s0, s3;
	s0 =	sld [smem:$0x3FAE]  }
0x30: {  	s3 =	sld [smem:$0x3FB1]  }
0x31: {  	[smem:$0x3FBA] =	sst s10  }
0x32: {  	s10 =	sld [smem:$0x3FB8];
	_ =	sdelay $0x3  }
0x33: {  	p0 =	seq.s32 s10, $0x1;
	s10 =	sld [smem:$0x3FBA];
	_ =	sdelay $0x3  }
0x34: {  	[smem:$0x3FBA] =	sst s10  }
0x35: {  	s10 =	sld [smem:$0x3FB9];
	_ =	sdelay $0x3  }
0x36: {  	p1 =	seq.s32 s10, $0x1;
	s10 =	sld [smem:$0x3FBA];
	_ =	sdelay $0x3  }
0x37: {  	[smem:$0x3FBA] =	sst s10  }
0x38: {  	s10 =	sld [smem:$0x3FBB]  }
0x39: {  	_ = 	snop;
	(pc) =	sbr.ind lr, $3  }
0x3a: {  	_ = 	snop  }
0x3b: {  	_ = 	snop  }
0x3c: {  	p2 =	seq.s32 s10, $0x1;
	s10 =	sld [smem:$0x3FBA]  }
0x3d: {  	_ =	shalt  }
0x3e: {  	_ =	shalt  }
0x3f: {  	_ =	shalt  }
0x40: {  	_ =	shalt  }
0x41: {  	_ =	shalt  }
0x42: {  	_ =	shalt  }
0x43: {  	_ =	shalt  }
0x44: {  	_ =	shalt  }
0x45: {  	_ =	shalt  }
0x46: {  	_ =	shalt  }
0x47: {  	_ =	shalt  }
0x48: {  	_ =	shalt  }
0x49: {  	_ =	shalt  }
0x4a: {  	_ =	shalt  }
0x4b: {  	_ =	shalt  }
0x4c: {  	_ =	shalt  }
0x4d: {  	_ =	shalt  }
0x4e: {  	_ =	shalt  }
0x4f: {  	_ =	shalt  }
0x50: {  	_ =	shalt  }
0x51: {  	_ =	shalt  }
0x52: {  	_ =	shalt  }
0x53: {  	_ =	shalt  }
0x54: {  	_ =	shalt  }
0x55: {  	_ =	shalt  }
0x56: {  	_ =	shalt  }
0x57: {  	_ =	shalt  }
0x58: {  	_ =	shalt  }
0x59: {  	_ =	shalt  }
0x5a: {  	_ =	shalt  }
0x5b: {  	_ =	shalt  }
0x5c: {  	_ =	shalt  }
0x5d: {  	_ =	shalt  }
0x5e: {  	_ =	shalt  }
0x5f: {  	_ =	shalt  }
0x60: {  	_ =	shalt  }
0x61: {  	_ =	shalt  }
0x62: {  	_ =	shalt  }
0x63: {  	_ =	shalt  }
0x64: {  	_ =	shalt  }
0x65: {  	_ =	shalt  }
0x66: {  	_ =	shalt  }
0x67: {  	_ =	shalt  }
0x68: {  	_ =	shalt  }
0x69: {  	_ =	shalt  }
0x6a: {  	_ =	shalt  }
0x6b: {  	_ =	shalt  }
0x6c: {  	_ =	shalt  }
0x6d: {  	_ =	shalt  }
0x6e: {  	_ =	shalt  }
0x6f: {  	_ =	shalt  }
0x70: {  	_ =	shalt  }
0x71: {  	_ =	shalt  }
0x72: {  	_ =	shalt  }
0x73: {  	_ =	shalt  }
0x74: {  	_ =	shalt  }
0x75: {  	_ =	shalt  }
0x76: {  	_ =	shalt  }
0x77: {  	_ =	shalt  }
0x78: {  	_ =	shalt  }
0x79: {  	_ =	shalt  }
0x7a: {  	_ =	shalt  }
0x7b: {  	_ =	shalt  }
0x7c: {  	_ =	shalt  }
0x7d: {  	_ =	shalt  }
0x7e: {  	_ =	shalt  }
0x7f: {  	_ =	shalt  }
0x80: {  	_ =	shalt  }
0x81: {  	_ =	shalt  }
0x82: {  	_ =	shalt  }
0x83: {  	_ =	shalt  }
0x84: {  	_ =	shalt  }
0x85: {  	_ =	shalt  }
0x86: {  	_ =	shalt  }
0x87: {  	_ =	shalt  }
.Lfunc_end0:
.L_simem_size_0:
called_computation_lowered:
.L_overlay_start_0:
0x88: {  	s2 =	sld [smem:$0x3FD9]  }
0x89: {  	s3 =	sld [smem:$0x3FFE];
	_ =	sdelay $0x1  }
0x8a: {  	s1 =	srdreg.scid  }
0x8b: {  	s0 =	sand.u32 $0x1, s1  }
0x8c: {  	s14 =	sshll.u32 s0, $0xA;
	s2 =	sadd.s32 s3, s2  }
0x8d: {  	s2 =	sadd.s32 s2, s14  }
0x8e: {  	[smem:$0x3FC6] =	sst s2  }
0x8f: {  	_ = 	snop  }
0x90: {  	s2 =	sld [smem:$0x3FD0];
	_ =	sdelay $0x2  }
0x91: {  	s15 =	simm.s32 $0xA;
	s4 =	simm.s32 $0x10  }
0x92: {  	[smem:s4], [sflag:s15] =	dma.local [hbm:s2], $0x1  }
0x93: {  	_ =	swait.eq [sflag:s15], $0x1  }
0x94: {  	[sflag:s15] =	ssyncset.done $0x0  }
0x95: {  	[sflag:s15] =	ssyncadd.s32 $0xFFFFFFFF  }
0x96: {  	s16 =	sld [smem:$0x11];
	(tm) =	ssettm $0x1  }
0x97: {  	s17 =	sld [smem:$0x3FFB];
	_ =	sdelay $0x3  }
0x98: {  	_ =	strace s17  }
0x99: {  	s3 =	sld [smem:$0x3FFC];
	_ =	sdelay $0x3  }
0x9a: {  	_ =	strace s3  }
0x9b: {  	s3 =	sld [smem:$0x3FFD];
	_ =	sdelay $0x3  }
0x9c: {  	_ =	strace s3  }
0x9d: {  	_ =	strace $0x8FFFFFFF  }
0x9e: {  	s18 =	sld [smem:$0x3FDB];
	_ =	sdelay $0x1  }
0x9f: {  	s19 =	simm.s32 $_scs_section_size  }
0xa0: {  	s5 =	simm.s32 $_size__tile_overlayer_lowered;
	s6 =	simm.s32 $_tile_overlayer_lowered  }
0xa1: {  	s22 =	simm.s32 $0x1BFF;
	s21 =	sshll.u32 s6, $0x1;
	s3 =	sadd.s32 s19, s18  }
0xa2: {  	s7 =	simm.s32 $0x0;
	s20 =	sshll.u32 s5, $0x1;
	s5 =	sadd.s32 s21, s3  }
0xa3: {  	[timem:s7], [sflag:s22] =	dma.local [hbm:s5], s20  }
0xa4: {  	_ =	swait.ge [sflag:s22], s20  }
0xa5: {  	s4 =	ssub.s32 $0x0, s20;
	[sflag:s22] =	ssyncset.done $0x0  }
0xa6: {  	[sflag:s22] =	ssyncadd.s32 s4;
	_ =	sdelay $0x1  }
0xa7: {  	s23 =	simm.s32 $0x1B8B  }
0xa8: {  	_ =	swait.ge [sflag:s23], $0x1  }
0xa9: {  	[sflag:s23] =	ssyncset.done $0x0  }
0xaa: {  	s25 =	simm.s32 $0x1B8E;
	s24 =	sld [smem:$0x3FFE];
	[sflag:s23] =	ssyncadd.s32 $0xFFFFFFFF  }
0xab: {  	s26 =	simm.s32 $execute0_lowered;
	[smem:$0x3FD2] =	sst s25  }
0xac: {  	s5 =	sshll.u32 s26, $0x1;
	_ =	strace $0x80000046;
	[dreg:$0x1] =	wrdreg $0xFFFFFFFF  }
0xad: {  	s28 =	simm.s32 $_size_execute0_lowered;
	s3 =	sadd.s32 s3, s5;
	[dreg:$0x0] =	wrdreg $0x0  }
0xae: {  	s5 =	sshll.u32 s28, $0x1;
	[dreg:$0x2] =	wrdreg s3  }
0xaf: {  	[dreg:$0x3] =	wrdreg s5  }
0xb0: {  	[dreg:$0x4] =	wrdreg $0xC0  }
0xb1: {  	_ =	task [dreg:s7], $0x5FFFF  }
0xb2: {  	[dreg:$0x1] =	wrdreg $0xFFFFFFFF  }
0xb3: {  	[dreg:$0x0] =	wrdreg $0x60  }
0xb4: {  	[dreg:$0x2] =	wrdreg s24  }
0xb5: {  	[dreg:$0x3] =	wrdreg s16  }
0xb6: {  	[dreg:$0x4] =	wrdreg $0x9  }
0xb7: {  	_ =	task.clear_ibuf [dreg:s7], $0x5FFFF;
	_ =	strace $0x90000046  }
0xb8: {  	s29 =	simm.s32 $0x9;
	_ =	strace $0x80000048  }
0xb9: {  	_ =	swait.ge [sflag:s29], $0x1  }
0xba: {  	[sflag:s29] =	ssyncadd.s32 $0xFFFFFFFF  }
0xbb: {  	_ =	strace $0x90000048  }
0xbc: {  	_ =	sfence  }
0xbd: {  	s30 =	sld [smem:$0x0];
	_ =	sdelay $0x2  }
0xbe: {  	s31 =	sshll.u32 s1, $0xD;
	s1 =	sshrl.u32 s1, $0x2  }
0xbf: {  	s3 =	sand.u32 $0x4000, s31;
	s1 =	sadd.s32 s1, s30  }
0xc0: {  	s0 =	sor.u32 s3, s0;
	s1 =	sshll.u32 s1, $0x11  }
0xc1: {  	s0 =	sor.u32 s1, s0  }
0xc2: {  	s0 =	sadd.s32 $0x8F2B, s0  }
0xc3: {  	[sflag:s0] =	ssyncadd.remote.s32 $0x1  }
0xc4: {  	_ =	sfence.sel $0xFFFF  }
0xc5: {  	[dreg:$0x0] =	wrdreg $0xFFFFFFFF;
	(pc) =	sbr.abs _section_cstart, $3  }
0xc6: {  	[dreg:$0x1] =	wrdreg $0xFFFFFFFF  }
0xc7: {  	_ =	task.clear_ibuf [dreg:s7], $0x2FFFF;
	_ =	strace $0x9FFFFFFF  }
0xc8: {  	(tm) =	ssettm $0x7FFFFFFF  }
0xc9: {  	_ =	shalt  }
tec
execute0_lowered:
.L_overlay_start_1:
0x0: {  	(tag) =	ssettag $0x1  }
0x1: {  	s0 =	rddreg [dreg:$0x0]  }
0x2: {  	s1 =	rddreg [dreg:$0x1];
	s2 =	srdreg.scid  }
0x3: {  	s4 =	stileid.u32;
	s31 =	simm.s32 $0x1;
	s24 =	simm.s32 $0x3  }
0x4: {  	s29 =	simm.s32 $0x0;
	s3 =	sand.u32 $0x1, s2;
	s2 =	simm.s32 $0x0  }
0x5: {  	s4 =	sshll.u32 s4, $0xA;
	s5 =	sshll.u32 s3, $0x9;
	[smem:$0x7FF] =	sst s2  }
0x6: {  	s3 =	ssub.s32 $0x2, s3;
	s4 =	sor.u32 s5, s4;
	_ =	strace $0x80000047  }
0x7: {  	s6 =	sshrl.u32 s3, $0x1;
	s5 =	sshrl.u32 s4, $0x3;
	s4 =	sadd.s32 s4, s0  }
0x8: {  	s3 =	ssub.s32 s3, s6;
	s0 =	sadd.s32 s5, s0;
	s28 =	sadd.s32 $0xC00, s4  }
0x9: {  	s30 =	sadd.s32 $0xD00, s4;
	s1 =	sadd.s32 s1, s5;
	s9 =	smax.u32 s3, $0x1  }
0xa: {  	s10 =	sadd.s32 $0x4C00, s4;
	s11 =	sadd.s32 $0x8C00, s4;
	s12 =	sadd.s32 $0xCC00, s4  }
0xb: {  	s13 =	sadd.s32 $0x10C00, s4;
	s14 =	sadd.s32 $0x14C00, s4;
	s15 =	sadd.s32 $0x18C00, s4  }
0xc: {  	s16 =	sadd.s32 $0x1CC00, s4;
	s17 =	sadd.s32 $0x4D00, s4;
	s18 =	sadd.s32 $0x8D00, s4  }
0xd: {  	s19 =	sadd.s32 $0xCD00, s4;
	s20 =	sadd.s32 $0x10D00, s4;
	[dreg:$0x3] =	wrdreg s28  }
0xe: {  	s21 =	sadd.s32 $0x14D00, s4;
	s22 =	sadd.s32 $0x18D00, s4;
	[dreg:$0x4] =	wrdreg s30  }
0xf: {  	s23 =	sadd.s32 $0x1CD00, s4;
	[dreg:$0x5] =	wrdreg s1;
	s6 =	sadd.s32 $0x20C00, s0  }
0x10: {  	v16 =	vimm.s32 $0x0;
	s7 =	sadd.s32 $0x21400, s0;
	s8 =	sadd.s32 $0x21C00, s0;
	s0 =	simm.s32 $0x2  }
.LBB2_1:
0x11: {  	s1 =	rddreg [dreg:$0x3]  }
0x12: {  	[tilespmem:s2], [sflag:$0x1] =	stream.linear.gather [hbm4b:s1+s2], $0x800, $0x38;
	[tilespmem:$0x8800] =	vst v63  }
0x13: {  	s3 =	simm.s32 $0x1000  }
0x14: {  	[tilespmem:s3], [sflag:$0x1] =	stream.linear.gather [hbm4b:s10+s2], $0x800, $0x38;
	[tilespmem:$0x8800] =	vst v63  }
0x15: {  	s4 =	simm.s32 $0x2000  }
0x16: {  	[tilespmem:s4], [sflag:$0x1] =	stream.linear.gather [hbm4b:s11+s2], $0x800, $0x38;
	[tilespmem:$0x8800] =	vst v63  }
0x17: {  	s5 =	simm.s32 $0x3000  }
0x18: {  	[tilespmem:s5], [sflag:$0x1] =	stream.linear.gather [hbm4b:s12+s2], $0x800, $0x38;
	[tilespmem:$0x8800] =	vst v63  }
0x19: {  	s25 =	simm.s32 $0x4000  }
0x1a: {  	[tilespmem:s25], [sflag:$0x1] =	stream.linear.gather [hbm4b:s13+s2], $0x800, $0x38;
	[tilespmem:$0x8800] =	vst v63  }
0x1b: {  	s26 =	simm.s32 $0x5000  }
0x1c: {  	[tilespmem:s26], [sflag:$0x1] =	stream.linear.gather [hbm4b:s14+s2], $0x800, $0x38;
	[tilespmem:$0x8800] =	vst v63  }
0x1d: {  	s3 =	simm.s32 $0x6000  }
0x1e: {  	[tilespmem:s3], [sflag:$0x1] =	stream.linear.gather [hbm4b:s15+s2], $0x800, $0x38;
	[tilespmem:$0x8800] =	vst v63  }
0x1f: {  	s4 =	simm.s32 $0x7000  }
0x20: {  	[tilespmem:s4], [sflag:$0x1] =	stream.linear.gather [hbm4b:s16+s2], $0x800, $0x38;
	[tilespmem:$0x8800] =	vst v63  }
0x21: {  	s5 =	rddreg [dreg:$0x4];
	s3 =	simm.s32 $0x800  }
0x22: {  	[tilespmem:s3], [sflag:$0x2] =	stream.linear.gather [hbm4b:s5+s2], $0x800, $0x38;
	[tilespmem:$0x8800] =	vst v63  }
0x23: {  	s25 =	simm.s32 $0x1800  }
0x24: {  	[tilespmem:s25], [sflag:$0x2] =	stream.linear.gather [hbm4b:s17+s2], $0x800, $0x38;
	[tilespmem:$0x8800] =	vst v63  }
0x25: {  	s26 =	simm.s32 $0x2800  }
0x26: {  	[tilespmem:s26], [sflag:$0x2] =	stream.linear.gather [hbm4b:s18+s2], $0x800, $0x38;
	[tilespmem:$0x8800] =	vst v63  }
0x27: {  	s3 =	simm.s32 $0x3800  }
0x28: {  	[tilespmem:s3], [sflag:$0x2] =	stream.linear.gather [hbm4b:s19+s2], $0x800, $0x38;
	[tilespmem:$0x8800] =	vst v63  }
0x29: {  	s4 =	simm.s32 $0x4800  }
0x2a: {  	[tilespmem:s4], [sflag:$0x2] =	stream.linear.gather [hbm4b:s20+s2], $0x800, $0x38;
	[tilespmem:$0x8800] =	vst v63  }
0x2b: {  	s5 =	simm.s32 $0x5800  }
0x2c: {  	[tilespmem:s5], [sflag:$0x2] =	stream.linear.gather [hbm4b:s21+s2], $0x800, $0x38;
	[tilespmem:$0x8800] =	vst v63  }
0x2d: {  	s25 =	simm.s32 $0x6800  }
0x2e: {  	[tilespmem:s25], [sflag:$0x2] =	stream.linear.gather [hbm4b:s22+s2], $0x800, $0x38;
	[tilespmem:$0x8800] =	vst v63  }
0x2f: {  	s26 =	simm.s32 $0x7800  }
0x30: {  	[tilespmem:s26], [sflag:$0x2] =	stream.linear.gather [hbm4b:s23+s2], $0x800, $0x38;
	[tilespmem:$0x8800] =	vst v63  }
0x31: {  	s30 =	simm.s32 $0x8600;
	s28 =	simm.s32 $0x0;
	_ =	swait.ge [sflag:s31], $0x4000  }
0x32: {  	s1 =	simm.s32 $0x8400;
	s3 =	simm.s32 $0x0;
	[sflag:s31] =	ssyncset.done $0x0  }
0x33: {  	s25 =	simm.s32 $0x8200;
	s26 =	simm.s32 $0x8000;
	[sflag:s31] =	ssyncadd.s32 $0xFFFFC000  }
.LBB2_2:
0x34: {  	s4 =	sand.u32 $0x70, s3;
	s5 =	sand.u32 $0x400, s28  }
0x35: {  	s4 =	sor.u32 s4, s5  }
0x36: {  	v1 =	vld [tilespmem:s4+$0x2000]  }
0x37: {  	v2 =	vld [tilespmem:s4+$0x0]  }
0x38: {  	v3 =	vld [tilespmem:s4+$0x4000]  }
0x39: {  	v4 =	vld [tilespmem:s4+$0x6000]  }
0x3a: {  	v5 =	vld [tilespmem:s4+$0x80]  }
0x3b: {  	v10 =	vld [tilespmem:s4+$0x2080]  }
0x3c: {  	v15 =	vld [tilespmem:s4+$0x4080]  }
0x3d: {  	v18 =	vld [tilespmem:s4+$0x6080];
	vm0 =	vlt.f32 v1, $-Inf  }
0x3e: {  	vm1 =	vgt.f32 v1, $-Inf;
	v6 =	vmin.f32 v2, $-Inf;
	v7 =	vmin.f32 v1, $-Inf  }
0x3f: {  	vm6 =	vlt.f32 v3, $-Inf;
	vm2 =	vgt.f32 v3, $-Inf;
	v9 =	vmin.f32 v3, $-Inf  }
0x40: {  	vm8 =	vlt.f32 v4, $-Inf;
	vm9 =	vgt.f32 v4, $-Inf;
	v12 =	vmin.f32 v4, $-Inf  }
0x41: {  	vm10 =	vgt.f32 v5, v2;
	v14 =	vmin.f32 v2, v5;
	v2 =	vmax.f32 v2, v5  }
0x42: {  	vm13 =	vgt.f32 v10, v1;
	vm15 =	vgt.f32 v15, v3;
	vm5 =	vgt.f32 v18, v4  }
0x43: {  	vm0 =	vmor vm1, vm0;
	vm7 =	vmor vm2, vm6;
	vm11 =	vmneg vm10  }
0x44: {  	v42 =	vsel vm10, $0x1, v16;
	vm12 =	vgt.f32 v14, v6;
	v6 =	vmax.f32 v6, v14  }
0x45: {  	v8 =	vsel vm0, $0x10, v16;
	v11 =	vsel vm7, $0x20, v16;
	vm0 =	vmor vm9, vm8  }
0x46: {  	v13 =	vsel vm0, $0x30, v16;
	vm0 =	vmand vm12, vm11;
	v17 =	vnsel vm13, $0x11, v8  }
0x47: {  	v8 =	vsel vm13, $0x11, v8;
	v19 =	vnsel vm15, $0x21, v11;
	v11 =	vsel vm15, $0x21, v11  }
0x48: {  	v21 =	vld [tilespmem:s4+$0x4100];
	v43 =	vsel vm0, $0x1, v16;
	v16 =	vmin.f32 v1, v10;
	v1 =	vmax.f32 v1, v10  }
0x49: {  	v20 =	vnsel vm5, $0x31, v13;
	v13 =	vsel vm5, $0x31, v13;
	vm14 =	vgt.f32 v16, v7  }
0x4a: {  	v7 =	vmax.f32 v7, v16;
	v16 =	vld [tilespmem:s4+$0x100];
	v44 =	vnsel vm14, $0x0, v17;
	v17 =	vmin.f32 v3, v15  }
0x4b: {  	v3 =	vmax.f32 v3, v15;
	vm4 =	vgt.f32 v17, v9;
	v9 =	vmax.f32 v9, v17  }
0x4c: {  	v17 =	vmin.f32 v4, v18;
	v4 =	vmax.f32 v4, v18;
	v15 =	vnsel vm4, $0x0, v19;
	v19 =	vld [tilespmem:s4+$0x2100]  }
0x4d: {  	vm11 =	vgt.f32 v21, v3;
	vm6 =	vgt.f32 v17, v12;
	v12 =	vmax.f32 v12, v17  }
0x4e: {  	v47 =	vnsel vm11, $0x22, v11;
	v11 =	vsel vm11, $0x22, v11;
	v17 =	vnsel vm6, $0x0, v20  }
0x4f: {  	v49 =	vld [tilespmem:s4+$0x2180];
	vm7 =	vgt.f32 v16, v2;
	v18 =	vmin.f32 v2, v16;
	v2 =	vmax.f32 v2, v16  }
0x50: {  	v45 =	vnsel vm7, $0x2, v42;
	v5 =	vsel vm7, $0x2, v42;
	vm8 =	vgt.f32 v18, v6  }
0x51: {  	v16 =	vld [tilespmem:s4+$0x6100];
	v6 =	vmax.f32 v6, v18;
	v14 =	vsel vm8, v45, v43;
	vm9 =	vgt.f32 v19, v1  }
0x52: {  	v18 =	vmin.f32 v1, v19;
	v1 =	vmax.f32 v1, v19;
	v46 =	vnsel vm9, $0x12, v8  }
0x53: {  	v8 =	vsel vm9, $0x12, v8;
	vm10 =	vgt.f32 v18, v7;
	v7 =	vmax.f32 v7, v18  }
0x54: {  	v19 =	vld [tilespmem:s4+$0x180];
	v18 =	vmin.f32 v3, v21;
	v3 =	vmax.f32 v3, v21;
	vm5 =	vgt.f32 v49, v1  }
0x55: {  	v10 =	vsel vm10, v46, v44;
	vm12 =	vgt.f32 v18, v9;
	v9 =	vmax.f32 v9, v18  }
0x56: {  	vm13 =	vgt.f32 v16, v4;
	v18 =	vmin.f32 v4, v16;
	v4 =	vmax.f32 v4, v16  }
0x57: {  	v53 =	vld [tilespmem:s4+$0x200];
	v51 =	vnsel vm5, $0x13, v8;
	v8 =	vsel vm5, $0x13, v8;
	v15 =	vsel vm12, v47, v15  }
0x58: {  	v48 =	vnsel vm13, $0x32, v13;
	v13 =	vsel vm13, $0x32, v13;
	vm14 =	vgt.f32 v18, v12  }
0x59: {  	v12 =	vmax.f32 v12, v18;
	v16 =	vsel vm14, v48, v17;
	vm15 =	vgt.f32 v19, v2  }
0x5a: {  	v17 =	vld [tilespmem:s4+$0x4180];
	v18 =	vmin.f32 v2, v19;
	v2 =	vmax.f32 v2, v19;
	v50 =	vnsel vm15, $0x3, v5  }
0x5b: {  	v5 =	vsel vm15, $0x3, v5;
	vm4 =	vgt.f32 v18, v6;
	v6 =	vmax.f32 v6, v18  }
0x5c: {  	v19 =	vld [tilespmem:s4+$0x6180];
	v18 =	vmin.f32 v1, v49;
	v1 =	vmax.f32 v1, v49;
	vm11 =	vgt.f32 v53, v2  }
0x5d: {  	v14 =	vsel vm4, v50, v14;
	vm6 =	vgt.f32 v18, v7;
	v7 =	vmax.f32 v7, v18  }
0x5e: {  	v55 =	vnsel vm11, $0x4, v5;
	v5 =	vsel vm11, $0x4, v5;
	v10 =	vsel vm6, v51, v10  }
0x5f: {  	v57 =	vld [tilespmem:s4+$0x6200];
	vm7 =	vgt.f32 v17, v3;
	v18 =	vmin.f32 v3, v17;
	v3 =	vmax.f32 v3, v17  }
0x60: {  	v52 =	vnsel vm7, $0x23, v11;
	v11 =	vsel vm7, $0x23, v11;
	vm8 =	vgt.f32 v18, v9  }
0x61: {  	v9 =	vmax.f32 v9, v18;
	vm9 =	vgt.f32 v19, v4;
	v18 =	vmin.f32 v4, v19  }
0x62: {  	v17 =	vld [tilespmem:s4+$0x2200];
	v4 =	vmax.f32 v4, v19;
	v15 =	vsel vm8, v52, v15;
	v54 =	vnsel vm9, $0x33, v13  }
0x63: {  	v13 =	vsel vm9, $0x33, v13;
	vm10 =	vgt.f32 v18, v12;
	v12 =	vmax.f32 v12, v18  }
0x64: {  	v19 =	vld [tilespmem:s4+$0x4200];
	v18 =	vmin.f32 v2, v53;
	v2 =	vmax.f32 v2, v53;
	vm5 =	vgt.f32 v57, v4  }
0x65: {  	v16 =	vsel vm10, v54, v16;
	vm12 =	vgt.f32 v18, v6;
	v6 =	vmax.f32 v6, v18  }
0x66: {  	v59 =	vnsel vm5, $0x34, v13;
	v13 =	vsel vm5, $0x34, v13;
	v14 =	vsel vm12, v55, v14  }
0x67: {  	v61 =	vld [tilespmem:s4+$0x4280];
	vm13 =	vgt.f32 v17, v1;
	v18 =	vmin.f32 v1, v17;
	v1 =	vmax.f32 v1, v17  }
0x68: {  	v56 =	vnsel vm13, $0x14, v8;
	v8 =	vsel vm13, $0x14, v8;
	vm14 =	vgt.f32 v18, v7  }
0x69: {  	v7 =	vmax.f32 v7, v18;
	vm15 =	vgt.f32 v19, v3;
	v18 =	vmin.f32 v3, v19  }
0x6a: {  	v17 =	vld [tilespmem:s4+$0x280];
	v3 =	vmax.f32 v3, v19;
	v10 =	vsel vm14, v56, v10;
	v58 =	vnsel vm15, $0x24, v11  }
0x6b: {  	v11 =	vsel vm15, $0x24, v11;
	vm4 =	vgt.f32 v18, v9;
	v9 =	vmax.f32 v9, v18  }
0x6c: {  	v19 =	vld [tilespmem:s4+$0x2280];
	v18 =	vmin.f32 v4, v57;
	v4 =	vmax.f32 v4, v57;
	vm11 =	vgt.f32 v61, v3  }
0x6d: {  	v15 =	vsel vm4, v58, v15;
	vm6 =	vgt.f32 v18, v12;
	v12 =	vmax.f32 v12, v18  }
0x6e: {  	v63 =	vnsel vm11, $0x25, v11;
	v11 =	vsel vm11, $0x25, v11;
	v16 =	vsel vm6, v59, v16  }
0x6f: {  	v24 =	vld [tilespmem:s4+$0x2300];
	vm7 =	vgt.f32 v17, v2;
	v18 =	vmin.f32 v2, v17;
	v2 =	vmax.f32 v2, v17  }
0x70: {  	v60 =	vnsel vm7, $0x5, v5;
	v5 =	vsel vm7, $0x5, v5;
	vm8 =	vgt.f32 v18, v6  }
0x71: {  	v6 =	vmax.f32 v6, v18;
	vm9 =	vgt.f32 v19, v1;
	v18 =	vmin.f32 v1, v19  }
0x72: {  	v17 =	vld [tilespmem:s4+$0x6280];
	v1 =	vmax.f32 v1, v19;
	v14 =	vsel vm8, v60, v14;
	v62 =	vnsel vm9, $0x15, v8  }
0x73: {  	v8 =	vsel vm9, $0x15, v8;
	vm10 =	vgt.f32 v18, v7;
	v7 =	vmax.f32 v7, v18  }
0x74: {  	v19 =	vld [tilespmem:s4+$0x300];
	v18 =	vmin.f32 v3, v61;
	v3 =	vmax.f32 v3, v61;
	vm5 =	vgt.f32 v24, v1  }
0x75: {  	v10 =	vsel vm10, v62, v10;
	vm12 =	vgt.f32 v18, v9;
	v9 =	vmax.f32 v9, v18  }
0x76: {  	v26 =	vnsel vm5, $0x16, v8;
	v8 =	vsel vm5, $0x16, v8;
	v15 =	vsel vm12, v63, v15  }
0x77: {  	v28 =	vld [tilespmem:s4+$0x380];
	vm13 =	vgt.f32 v17, v4;
	v18 =	vmin.f32 v4, v17;
	v4 =	vmax.f32 v4, v17  }
0x78: {  	v0 =	vnsel vm13, $0x35, v13;
	v13 =	vsel vm13, $0x35, v13;
	vm14 =	vgt.f32 v18, v12  }
0x79: {  	v12 =	vmax.f32 v12, v18;
	vm15 =	vgt.f32 v19, v2;
	v18 =	vmin.f32 v2, v19  }
0x7a: {  	v17 =	vld [tilespmem:s4+$0x4300];
	v2 =	vmax.f32 v2, v19;
	v16 =	vsel vm14, v0, v16;
	v25 =	vnsel vm15, $0x6, v5  }
0x7b: {  	v5 =	vsel vm15, $0x6, v5;
	vm4 =	vgt.f32 v18, v6;
	v6 =	vmax.f32 v6, v18  }
0x7c: {  	v19 =	vld [tilespmem:s4+$0x6300];
	v18 =	vmin.f32 v1, v24;
	v1 =	vmax.f32 v1, v24;
	vm11 =	vgt.f32 v28, v2  }
0x7d: {  	v14 =	vsel vm4, v25, v14;
	vm6 =	vgt.f32 v18, v7;
	v7 =	vmax.f32 v7, v18  }
0x7e: {  	v30 =	vnsel vm11, $0x7, v5;
	v5 =	vsel vm11, $0x7, v5;
	v10 =	vsel vm6, v26, v10  }
0x7f: {  	v32 =	vld [tilespmem:s4+$0x6380];
	vm7 =	vgt.f32 v17, v3;
	v18 =	vmin.f32 v3, v17;
	v3 =	vmax.f32 v3, v17  }
0x80: {  	v27 =	vnsel vm7, $0x26, v11;
	v11 =	vsel vm7, $0x26, v11;
	vm8 =	vgt.f32 v18, v9  }
0x81: {  	v9 =	vmax.f32 v9, v18;
	vm9 =	vgt.f32 v19, v4;
	v18 =	vmin.f32 v4, v19  }
0x82: {  	v17 =	vld [tilespmem:s4+$0x2380];
	v4 =	vmax.f32 v4, v19;
	v15 =	vsel vm8, v27, v15;
	v29 =	vnsel vm9, $0x36, v13  }
0x83: {  	v13 =	vsel vm9, $0x36, v13;
	vm10 =	vgt.f32 v18, v12;
	v12 =	vmax.f32 v12, v18  }
0x84: {  	v19 =	vld [tilespmem:s4+$0x4380];
	v18 =	vmin.f32 v2, v28;
	v2 =	vmax.f32 v2, v28;
	vm5 =	vgt.f32 v32, v4  }
0x85: {  	v16 =	vsel vm10, v29, v16;
	vm12 =	vgt.f32 v18, v6;
	v6 =	vmax.f32 v6, v18  }
0x86: {  	v34 =	vnsel vm5, $0x37, v13;
	v13 =	vsel vm5, $0x37, v13;
	v14 =	vsel vm12, v30, v14  }
0x87: {  	v36 =	vld [tilespmem:s4+$0x5000];
	vm13 =	vgt.f32 v17, v1;
	v18 =	vmin.f32 v1, v17;
	v1 =	vmax.f32 v1, v17  }
0x88: {  	v31 =	vnsel vm13, $0x17, v8;
	v8 =	vsel vm13, $0x17, v8;
	vm14 =	vgt.f32 v18, v7  }
0x89: {  	v7 =	vmax.f32 v7, v18;
	vm15 =	vgt.f32 v19, v3;
	v18 =	vmin.f32 v3, v19  }
0x8a: {  	v17 =	vld [tilespmem:s4+$0x1000];
	v3 =	vmax.f32 v3, v19;
	v10 =	vsel vm14, v31, v10;
	v33 =	vnsel vm15, $0x27, v11  }
0x8b: {  	v11 =	vsel vm15, $0x27, v11;
	vm4 =	vgt.f32 v18, v9;
	v9 =	vmax.f32 v9, v18  }
0x8c: {  	v19 =	vld [tilespmem:s4+$0x3000];
	v18 =	vmin.f32 v4, v32;
	v4 =	vmax.f32 v4, v32;
	vm11 =	vgt.f32 v36, v3  }
0x8d: {  	v15 =	vsel vm4, v33, v15;
	vm6 =	vgt.f32 v18, v12;
	v12 =	vmax.f32 v12, v18  }
0x8e: {  	v38 =	vnsel vm11, $0x28, v11;
	v11 =	vsel vm11, $0x28, v11;
	v16 =	vsel vm6, v34, v16  }
0x8f: {  	v40 =	vld [tilespmem:s4+$0x3080];
	vm7 =	vgt.f32 v17, v2;
	v18 =	vmin.f32 v2, v17;
	v2 =	vmax.f32 v2, v17  }
0x90: {  	v35 =	vnsel vm7, $0x8, v5;
	v5 =	vsel vm7, $0x8, v5;
	vm8 =	vgt.f32 v18, v6  }
0x91: {  	v6 =	vmax.f32 v6, v18;
	vm9 =	vgt.f32 v19, v1;
	v18 =	vmin.f32 v1, v19  }
0x92: {  	v17 =	vld [tilespmem:s4+$0x7000];
	v1 =	vmax.f32 v1, v19;
	v14 =	vsel vm8, v35, v14;
	v37 =	vnsel vm9, $0x18, v8  }
0x93: {  	v8 =	vsel vm9, $0x18, v8;
	vm10 =	vgt.f32 v18, v7;
	v7 =	vmax.f32 v7, v18  }
0x94: {  	v19 =	vld [tilespmem:s4+$0x1080];
	v18 =	vmin.f32 v3, v36;
	v3 =	vmax.f32 v3, v36;
	vm5 =	vgt.f32 v40, v1  }
0x95: {  	v10 =	vsel vm10, v37, v10;
	vm12 =	vgt.f32 v18, v9;
	v9 =	vmax.f32 v9, v18  }
0x96: {  	v42 =	vnsel vm5, $0x19, v8;
	v8 =	vsel vm5, $0x19, v8;
	v15 =	vsel vm12, v38, v15  }
0x97: {  	v44 =	vld [tilespmem:s4+$0x1100];
	vm13 =	vgt.f32 v17, v4;
	v18 =	vmin.f32 v4, v17;
	v4 =	vmax.f32 v4, v17  }
0x98: {  	v39 =	vnsel vm13, $0x38, v13;
	v13 =	vsel vm13, $0x38, v13;
	vm14 =	vgt.f32 v18, v12  }
0x99: {  	v12 =	vmax.f32 v12, v18;
	vm15 =	vgt.f32 v19, v2;
	v18 =	vmin.f32 v2, v19  }
0x9a: {  	v17 =	vld [tilespmem:s4+$0x5080];
	v2 =	vmax.f32 v2, v19;
	v16 =	vsel vm14, v39, v16;
	v41 =	vnsel vm15, $0x9, v5  }
0x9b: {  	v5 =	vsel vm15, $0x9, v5;
	vm4 =	vgt.f32 v18, v6;
	v6 =	vmax.f32 v6, v18  }
0x9c: {  	v19 =	vld [tilespmem:s4+$0x7080];
	v18 =	vmin.f32 v1, v40;
	v1 =	vmax.f32 v1, v40;
	vm11 =	vgt.f32 v44, v2  }
0x9d: {  	v14 =	vsel vm4, v41, v14;
	vm6 =	vgt.f32 v18, v7;
	v7 =	vmax.f32 v7, v18  }
0x9e: {  	v46 =	vnsel vm11, $0xA, v5;
	v5 =	vsel vm11, $0xA, v5;
	v10 =	vsel vm6, v42, v10  }
0x9f: {  	v48 =	vld [tilespmem:s4+$0x7100];
	vm7 =	vgt.f32 v17, v3;
	v18 =	vmin.f32 v3, v17;
	v3 =	vmax.f32 v3, v17  }
0xa0: {  	v43 =	vnsel vm7, $0x29, v11;
	v11 =	vsel vm7, $0x29, v11;
	vm8 =	vgt.f32 v18, v9  }
0xa1: {  	v9 =	vmax.f32 v9, v18;
	vm9 =	vgt.f32 v19, v4;
	v18 =	vmin.f32 v4, v19  }
0xa2: {  	v17 =	vld [tilespmem:s4+$0x3100];
	v4 =	vmax.f32 v4, v19;
	v15 =	vsel vm8, v43, v15;
	v45 =	vnsel vm9, $0x39, v13  }
0xa3: {  	v13 =	vsel vm9, $0x39, v13;
	vm10 =	vgt.f32 v18, v12;
	v12 =	vmax.f32 v12, v18  }
0xa4: {  	v19 =	vld [tilespmem:s4+$0x5100];
	v18 =	vmin.f32 v2, v44;
	v2 =	vmax.f32 v2, v44;
	vm5 =	vgt.f32 v48, v4  }
0xa5: {  	v16 =	vsel vm10, v45, v16;
	vm12 =	vgt.f32 v18, v6;
	v6 =	vmax.f32 v6, v18  }
0xa6: {  	v50 =	vnsel vm5, $0x3A, v13;
	v13 =	vsel vm5, $0x3A, v13;
	v14 =	vsel vm12, v46, v14  }
0xa7: {  	v52 =	vld [tilespmem:s4+$0x5180];
	vm13 =	vgt.f32 v17, v1;
	v18 =	vmin.f32 v1, v17;
	v1 =	vmax.f32 v1, v17  }
0xa8: {  	v47 =	vnsel vm13, $0x1A, v8;
	v8 =	vsel vm13, $0x1A, v8;
	vm14 =	vgt.f32 v18, v7  }
0xa9: {  	v7 =	vmax.f32 v7, v18;
	vm15 =	vgt.f32 v19, v3;
	v18 =	vmin.f32 v3, v19  }
0xaa: {  	v17 =	vld [tilespmem:s4+$0x1180];
	v3 =	vmax.f32 v3, v19;
	v10 =	vsel vm14, v47, v10;
	v49 =	vnsel vm15, $0x2A, v11  }
0xab: {  	v11 =	vsel vm15, $0x2A, v11;
	vm4 =	vgt.f32 v18, v9;
	v9 =	vmax.f32 v9, v18  }
0xac: {  	v19 =	vld [tilespmem:s4+$0x3180];
	v18 =	vmin.f32 v4, v48;
	v4 =	vmax.f32 v4, v48;
	vm11 =	vgt.f32 v52, v3  }
0xad: {  	v15 =	vsel vm4, v49, v15;
	vm6 =	vgt.f32 v18, v12;
	v12 =	vmax.f32 v12, v18  }
0xae: {  	v54 =	vnsel vm11, $0x2B, v11;
	v11 =	vsel vm11, $0x2B, v11;
	v16 =	vsel vm6, v50, v16  }
0xaf: {  	vm7 =	vgt.f32 v17, v2;
	v18 =	vmin.f32 v2, v17;
	v2 =	vmax.f32 v2, v17  }
0xb0: {  	v51 =	vnsel vm7, $0xB, v5;
	v0 =	vsel vm7, $0xB, v5;
	vm8 =	vgt.f32 v18, v6  }
0xb1: {  	v17 =	vld [tilespmem:s4+$0x7180];
	v6 =	vmax.f32 v6, v18;
	vm9 =	vgt.f32 v19, v1;
	v18 =	vmin.f32 v1, v19  }
0xb2: {  	v1 =	vmax.f32 v1, v19;
	v14 =	vsel vm8, v51, v14;
	v53 =	vnsel vm9, $0x1B, v8  }
0xb3: {  	v19 =	vld [tilespmem:s4+$0x1200];
	vm10 =	vgt.f32 v18, v7;
	v7 =	vmax.f32 v7, v18;
	v18 =	vmin.f32 v3, v52  }
0xb4: {  	v8 =	vsel vm9, $0x1B, v8;
	v3 =	vmax.f32 v3, v52;
	vm12 =	vgt.f32 v18, v9  }
0xb5: {  	v22 =	vld [tilespmem:s4+$0x1280];
	v10 =	vsel vm10, v53, v10;
	v9 =	vmax.f32 v9, v18;
	v15 =	vsel vm12, v54, v15  }
0xb6: {  	v18 =	vld [tilespmem:s4+$0x3200];
	vm13 =	vgt.f32 v17, v4;
	v55 =	vmin.f32 v4, v17;
	v4 =	vmax.f32 v4, v17  }
0xb7: {  	v56 =	vnsel vm13, $0x3B, v13;
	v13 =	vsel vm13, $0x3B, v13;
	vm14 =	vgt.f32 v55, v12  }
0xb8: {  	v62 =	vld [tilespmem:s4+$0x3280];
	v12 =	vmax.f32 v12, v55;
	vm15 =	vgt.f32 v19, v2;
	v58 =	vmin.f32 v2, v19  }
0xb9: {  	v17 =	vld [tilespmem:s4+$0x5200];
	v2 =	vmax.f32 v2, v19;
	v57 =	vsel vm14, v56, v16;
	v59 =	vnsel vm15, $0xC, v0  }
0xba: {  	vm11 =	vgt.f32 v58, v6;
	v6 =	vmax.f32 v6, v58;
	vm7 =	vgt.f32 v22, v2  }
0xbb: {  	v19 =	vld [tilespmem:s4+$0x7200];
	vm3 =	vgt.f32 v18, v1;
	v14 =	vsel vm11, v59, v14;
	v60 =	vmin.f32 v1, v18  }
0xbc: {  	v21 =	vld [tilespmem:s4+$0x1300];
	v1 =	vmax.f32 v1, v18;
	v61 =	vnsel vm3, $0x1C, v8;
	vm12 =	vgt.f32 v60, v7  }
0xbd: {  	v7 =	vmax.f32 v7, v60;
	vm8 =	vgt.f32 v62, v1;
	v10 =	vsel vm12, v61, v10  }
0xbe: {  	vm4 =	vgt.f32 v17, v3;
	v18 =	vmin.f32 v3, v17;
	v5 =	vmax.f32 v3, v17  }
0xbf: {  	v29 =	vld [tilespmem:s4+$0x1380];
	v3 =	vmax.f32 v2, v22;
	vm9 =	vgt.f32 v18, v9;
	v9 =	vmax.f32 v9, v18  }
0xc0: {  	v17 =	vld [tilespmem:s4+$0x5280];
	vm6 =	vgt.f32 v19, v4;
	v18 =	vmin.f32 v4, v19;
	v4 =	vmax.f32 v4, v19  }
0xc1: {  	v19 =	vld [tilespmem:s4+$0x7280];
	v32 =	vmin.f32 v3, v21;
	v34 =	vmax.f32 v3, v21;
	vm11 =	vgt.f32 v18, v12  }
0xc2: {  	v23 =	vld [tilespmem:s4+$0x5300];
	v12 =	vmax.f32 v12, v18;
	v18 =	vmin.f32 v2, v22;
	v2 =	vmax.f32 v1, v62  }
0xc3: {  	v22 =	vld [tilespmem:s4+$0x3300];
	vm10 =	vgt.f32 v18, v6;
	v6 =	vmax.f32 v6, v18;
	v18 =	vmin.f32 v1, v62  }
0xc4: {  	v25 =	vld [tilespmem:s4+$0x7300];
	v47 =	vmin.f32 v34, v29;
	v48 =	vmax.f32 v34, v29;
	v20 =	vmax.f32 v7, v18  }
0xc5: {  	v37 =	vld [tilespmem:s4+$0x5380];
	v35 =	vmax.f32 v6, v32;
	v24 =	vmin.f32 v5, v17;
	v26 =	vmax.f32 v5, v17  }
0xc6: {  	v33 =	vld [tilespmem:s4+$0x3380];
	v49 =	vmax.f32 v35, v47;
	v27 =	vmax.f32 v9, v24;
	v28 =	vmin.f32 v4, v19  }
0xc7: {  	v41 =	vld [tilespmem:s4+$0x7380];
	v30 =	vmax.f32 v4, v19;
	v40 =	vmin.f32 v26, v23;
	v42 =	vmax.f32 v26, v23  }
0xc8: {  	v31 =	vmax.f32 v12, v28;
	v36 =	vmin.f32 v2, v22;
	v38 =	vmax.f32 v2, v22  }
0xc9: {  	v43 =	vmax.f32 v27, v40;
	v44 =	vmin.f32 v30, v25;
	v45 =	vmax.f32 v30, v25  }
0xca: {  	v53 =	vmin.f32 v42, v37;
	v54 =	vmax.f32 v42, v37;
	v39 =	vmax.f32 v20, v36  }
0xcb: {  	v46 =	vmax.f32 v31, v44;
	v50 =	vmin.f32 v38, v33;
	v51 =	vmax.f32 v38, v33  }
0xcc: {  	[tilespmem:$0x1FFF0] =	vst v57;
	v55 =	vmax.f32 v43, v53;
	v56 =	vmin.f32 v45, v41;
	v57 =	vmax.f32 v45, v41  }
0xcd: {  	v52 =	vmax.f32 v39, v50;
	v58 =	vmax.f32 v46, v56;
	vm5 =	vge.f32 v48, v51  }
0xce: {  	v59 =	vmax.f32 v48, v51;
	v60 =	vmax.f32 v49, v51;
	vm2 =	vge.f32 v54, v57  }
0xcf: {  	v62 =	vmax.f32 v55, v57;
	v61 =	vmax.f32 v48, v52;
	v63 =	vmax.f32 v54, v58  }
0xd0: {  	v60 =	vsel vm5, v60, v61;
	v61 =	vmax.f32 v54, v57;
	v62 =	vsel vm2, v62, v63  }
0xd1: {  	v16 =	vmovc v0;
	vm1 =	vge.f32 v59, v61;
	v63 =	vmax.f32 v60, v61;
	v0 =	vmax.f32 v59, v62  }
0xd2: {  	v16 =	vsel vm15, $0xC, v16;
	v1 =	vsel vm1, v63, v0;
	v0 =	vmax.f32 v59, v61  }
0xd3: {  	vm13 =	vgt.f32 v18, v7;
	v63 =	vnsel vm4, $0x2C, v11;
	v0 =	vsub.f32 v1, v0  }
0xd4: {  	v7 =	vsel vm3, $0x1C, v8;
	vm12 =	vgt.f32 v32, v6;
	v15 =	vsel vm9, v63, v15;
	v63 =	vld [tilespmem:$0x1FFF0]  }
0xd5: {  	vm3 =	vgt.f32 v17, v5;
	vm14 =	vgt.f32 v24, v9;
	v0 =	vmul.f32 $1.442695020e+00, v0  }
0xd6: {  	vm0 =	vgt.f32 v19, v4;
	v4 =	vsel vm6, $0x3C, v13;
	vm15 =	vgt.f32 v28, v12  }
0xd7: {  	v12 =	vsel vm8, $0x1D, v7;
	v1 =	vnsel vm6, $0x3C, v13;
	(erf) = vpow2.f32 v0  }
0xd8: {  	vm6 =	vgt.f32 v21, v3;
	v21 =	vnsel vm0, $0x3D, v4;
	v4 =	vsel vm0, $0x3D, v4  }
0xd9: {  	vm9 =	vgt.f32 v25, v30;
	v0 =	vsel vm4, $0x2C, v11;
	v1 =	vsel vm11, v1, v63  }
0xda: {  	v63 =	vnsel vm7, $0xD, v16;
	v13 =	vnsel vm3, $0x2D, v0;
	v0 =	vsel vm3, $0x2D, v0  }
0xdb: {  	vm11 =	vgt.f32 v29, v34;
	v5 =	vsel vm10, v63, v14;
	v14 =	vnsel vm8, $0x1D, v7  }
0xdc: {  	v63 =	vsel vm7, $0xD, v16;
	vm8 =	vgt.f32 v22, v2;
	v1 =	vsel vm15, v21, v1  }
0xdd: {  	vm15 =	vgt.f32 v40, v27;
	vm10 =	vgt.f32 v44, v31;
	v40 =	vnsel vm9, $0x3E, v4  }
0xde: {  	v4 =	vsel vm9, $0x3E, v4;
	vm7 =	vgt.f32 v53, v43;
	vm9 =	vgt.f32 v56, v46  }
0xdf: {  	v8 =	vsel vm13, v14, v10;
	v14 =	vsel vm14, v13, v15;
	vm13 =	vgt.f32 v36, v20  }
0xe0: {  	v22 =	vnsel vm6, $0xE, v63;
	v24 =	vnsel vm8, $0x1E, v12;
	vm14 =	vgt.f32 v23, v26;
	v36 =	vpop (erf)  }
0xe1: {  	v3 =	vsel vm6, $0xE, v63;
	v1 =	vsel vm10, v40, v1;
	v44 =	vadd.f32 $1.000000000e+00, v36  }
0xe2: {  	v6 =	vsel vm8, $0x1E, v12;
	vm8 =	vgt.f32 v41, v45;
	vm10 =	vge.f32 v49, v51  }
0xe3: {  	v5 =	vsel vm12, v22, v5;
	v28 =	vsel vm13, v24, v8;
	(erf) = vrcp.f32 v44  }
0xe4: {  	v32 =	vnsel vm14, $0x2E, v0;
	vm12 =	vgt.f32 v47, v35;
	v47 =	vnsel vm11, $0xF, v3  }
0xe5: {  	vm13 =	vgt.f32 v33, v38;
	v0 =	vsel vm14, $0x2E, v0;
	vm14 =	vgt.f32 v50, v39  }
0xe6: {  	v3 =	vsel vm11, $0xF, v3;
	v56 =	vnsel vm8, $0x3F, v4;
	v4 =	vsel vm8, $0x3F, v4  }
0xe7: {  	vm11 =	vge.f32 v48, v52;
	v2 =	vsel vm15, v32, v14;
	v5 =	vsel vm12, v47, v5  }
0xe8: {  	vm15 =	vgt.f32 v37, v42;
	v50 =	vnsel vm13, $0x1F, v6;
	v6 =	vsel vm13, $0x1F, v6  }
0xe9: {  	v1 =	vsel vm9, v56, v1;
	vm12 =	vge.f32 v55, v57;
	vm13 =	vge.f32 v54, v58  }
0xea: {  	v53 =	vnsel vm15, $0x2F, v0;
	v7 =	vsel vm14, v50, v28;
	v0 =	vsel vm15, $0x2F, v0  }
0xeb: {  	v5 =	vsel vm10, v5, v6;
	vm14 =	vge.f32 v60, v61;
	v2 =	vsel vm7, v53, v2  }
0xec: {  	p0 =	sne.s32 s3, $0xF0;
	vm15 =	vge.f32 v59, v62;
	v7 =	vsel vm11, v3, v7;
	v2 =	vsel vm12, v2, v4;
	v57 =	vpop (erf)  }
.Ltmp0:
0xed: {  	v4 =	vsel vm2, v0, v4;
	v0 =	vsel vm13, v0, v1;
	v58 =	vmul.f32 v57, v36;
	(pc) =	sbr.rel @p0 .LBB2_2-.Ltmp0, $4  }
0xee: {  	v3 =	vsel vm5, v3, v6;
	v5 =	vsel vm5, v5, v7;
	v0 =	vsel vm2, v2, v0;
	[tilespmem:s26+$0x0] =	vst v57  }
0xef: {  	v63 =	vsel vm14, v5, v4;
	v4 =	vsel vm1, v3, v4;
	v0 =	vsel vm15, v3, v0;
	[tilespmem:s25+$0x0] =	vst v58  }
0xf0: {  	s28 =	sadd.s32 $0x80, s28;
	s3 =	sadd.s32 $0x10, s3;
	v0 =	vsel vm1, v63, v0;
	s26 =	sadd.s32 $0x10, s26;
	[tilespmem:s1+$0x0] =	vst v4  }
0xf1: {  	v16 =	vimm.s32 $0x0;
	s25 =	sadd.s32 $0x10, s25;
	s1 =	sadd.s32 $0x10, s1;
	[tilespmem:s30+$0x0] =	vst v0;
	s30 =	sadd.s32 $0x10, s30  }
0xf2: {  	_ =	swait.ge [sflag:s0], $0x4000;
	s30 =	simm.s32 $0x100;
	s1 =	simm.s32 $0x800  }
0xf3: {  	s25 =	simm.s32 $0x8100;
	s26 =	simm.s32 $0x8300;
	[sflag:s0] =	ssyncset.done $0x0  }
0xf4: {  	s28 =	simm.s32 $0x8500;
	s3 =	simm.s32 $0x8700;
	[sflag:s0] =	ssyncadd.s32 $0xFFFFC000  }
.LBB2_4:
0xf5: {  	s4 =	sand.u32 $0x70, s30;
	s5 =	sand.u32 $0xC00, s1  }
0xf6: {  	s4 =	sor.u32 s4, s5  }
0xf7: {  	v0 =	vld [tilespmem:s4+$0x2000]  }
0xf8: {  	v1 =	vld [tilespmem:s4+$0x0]  }
0xf9: {  	v2 =	vld [tilespmem:s4+$0x4000]  }
0xfa: {  	v3 =	vld [tilespmem:s4+$0x6000]  }
0xfb: {  	v4 =	vld [tilespmem:s4+$0x80]  }
0xfc: {  	v9 =	vld [tilespmem:s4+$0x2080]  }
0xfd: {  	vm0 =	vlt.f32 v0, $-Inf;
	vm1 =	vgt.f32 v0, $-Inf;
	v5 =	vmin.f32 v1, $-Inf  }
0xfe: {  	v6 =	vmin.f32 v0, $-Inf;
	vm6 =	vlt.f32 v2, $-Inf;
	vm2 =	vgt.f32 v2, $-Inf  }
0xff: {  	v8 =	vmin.f32 v2, $-Inf;
	vm8 =	vlt.f32 v3, $-Inf;
	vm9 =	vgt.f32 v3, $-Inf  }
0x100: {  	v11 =	vmin.f32 v3, $-Inf;
	vm10 =	vgt.f32 v4, v1;
	v13 =	vmin.f32 v1, v4  }
0x101: {  	v1 =	vmax.f32 v1, v4;
	vm13 =	vgt.f32 v9, v0;
	v15 =	vmin.f32 v0, v9  }
0x102: {  	v14 =	vld [tilespmem:s4+$0x4080];
	v0 =	vmax.f32 v0, v9;
	vm0 =	vmor vm1, vm0;
	vm7 =	vmor vm2, vm6  }
0x103: {  	v17 =	vld [tilespmem:s4+$0x6080];
	vm11 =	vmneg vm10;
	v45 =	vsel vm10, $0x1, v16;
	vm12 =	vgt.f32 v13, v5  }
0x104: {  	vm14 =	vgt.f32 v15, v6;
	v7 =	vsel vm0, $0x10, v16;
	vm0 =	vmor vm9, vm8  }
0x105: {  	v6 =	vmax.f32 v6, v15;
	v15 =	vld [tilespmem:s4+$0x100];
	v12 =	vsel vm0, $0x30, v16;
	vm0 =	vmand vm12, vm11  }
0x106: {  	v10 =	vsel vm7, $0x20, v16;
	v46 =	vsel vm0, $0x1, v16;
	v16 =	vnsel vm13, $0x11, v7  }
0x107: {  	vm15 =	vgt.f32 v14, v2;
	v47 =	vnsel vm14, $0x0, v16;
	v16 =	vmin.f32 v2, v14  }
0x108: {  	v20 =	vld [tilespmem:s4+$0x4100];
	vm5 =	vgt.f32 v17, v3;
	v18 =	vnsel vm15, $0x21, v10;
	vm4 =	vgt.f32 v16, v8  }
0x109: {  	v8 =	vmax.f32 v8, v16;
	v16 =	vmin.f32 v3, v17;
	v3 =	vmax.f32 v3, v17  }
0x10a: {  	vm7 =	vgt.f32 v15, v1;
	v17 =	vmin.f32 v1, v15;
	v1 =	vmax.f32 v1, v15;
	v15 =	vld [tilespmem:s4+$0x6100]  }
0x10b: {  	v5 =	vmax.f32 v5, v13;
	v10 =	vsel vm15, $0x21, v10;
	v48 =	vnsel vm4, $0x0, v18;
	v18 =	vld [tilespmem:s4+$0x2100]  }
0x10c: {  	v7 =	vsel vm13, $0x11, v7;
	v19 =	vnsel vm5, $0x31, v12;
	v2 =	vmax.f32 v2, v14  }
0x10d: {  	v12 =	vsel vm5, $0x31, v12;
	vm11 =	vgt.f32 v20, v2;
	vm6 =	vgt.f32 v16, v11  }
0x10e: {  	v49 =	vld [tilespmem:s4+$0x2180];
	v11 =	vmax.f32 v11, v16;
	v4 =	vsel vm7, $0x2, v45;
	vm8 =	vgt.f32 v17, v5  }
0x10f: {  	v5 =	vmax.f32 v5, v17;
	v16 =	vnsel vm6, $0x0, v19;
	v19 =	vnsel vm7, $0x2, v45  }
0x110: {  	v13 =	vsel vm8, v19, v46;
	vm13 =	vgt.f32 v15, v3;
	vm9 =	vgt.f32 v18, v0  }
0x111: {  	v17 =	vmin.f32 v0, v18;
	v0 =	vmax.f32 v0, v18;
	v19 =	vnsel vm9, $0x12, v7  }
0x112: {  	v7 =	vsel vm9, $0x12, v7;
	vm10 =	vgt.f32 v17, v6;
	v6 =	vmax.f32 v6, v17  }
0x113: {  	v18 =	vld [tilespmem:s4+$0x180];
	v17 =	vmin.f32 v2, v20;
	v2 =	vmax.f32 v2, v20;
	vm5 =	vgt.f32 v49, v0  }
0x114: {  	v9 =	vsel vm10, v19, v47;
	v19 =	vnsel vm11, $0x22, v10;
	v10 =	vsel vm11, $0x22, v10  }
0x115: {  	vm12 =	vgt.f32 v17, v8;
	v8 =	vmax.f32 v8, v17;
	v17 =	vmin.f32 v3, v15  }
0x116: {  	v50 =	vld [tilespmem:s4+$0x200];
	v3 =	vmax.f32 v3, v15;
	v14 =	vsel vm12, v19, v48;
	v19 =	vnsel vm13, $0x32, v12  }
0x117: {  	v12 =	vsel vm13, $0x32, v12;
	vm14 =	vgt.f32 v17, v11;
	v11 =	vmax.f32 v11, v17  }
0x118: {  	v15 =	vsel vm14, v19, v16;
	v16 =	vld [tilespmem:s4+$0x4180];
	vm15 =	vgt.f32 v18, v1;
	v17 =	vmin.f32 v1, v18  }
0x119: {  	v1 =	vmax.f32 v1, v18;
	v19 =	vnsel vm15, $0x3, v4;
	v4 =	vsel vm15, $0x3, v4  }
0x11a: {  	vm4 =	vgt.f32 v17, v5;
	v5 =	vmax.f32 v5, v17;
	v17 =	vmin.f32 v0, v49  }
0x11b: {  	v18 =	vld [tilespmem:s4+$0x6180];
	v0 =	vmax.f32 v0, v49;
	vm11 =	vgt.f32 v50, v1;
	v13 =	vsel vm4, v19, v13  }
0x11c: {  	v19 =	vnsel vm5, $0x13, v7;
	v7 =	vsel vm5, $0x13, v7;
	vm6 =	vgt.f32 v17, v6  }
0x11d: {  	v6 =	vmax.f32 v6, v17;
	v9 =	vsel vm6, v19, v9;
	vm7 =	vgt.f32 v16, v2  }
0x11e: {  	v51 =	vld [tilespmem:s4+$0x6200];
	v17 =	vmin.f32 v2, v16;
	v2 =	vmax.f32 v2, v16;
	v19 =	vnsel vm7, $0x23, v10  }
0x11f: {  	v10 =	vsel vm7, $0x23, v10;
	vm8 =	vgt.f32 v17, v8;
	v8 =	vmax.f32 v8, v17  }
0x120: {  	v16 =	vld [tilespmem:s4+$0x2200];
	vm9 =	vgt.f32 v18, v3;
	v17 =	vmin.f32 v3, v18;
	v3 =	vmax.f32 v3, v18  }
0x121: {  	v14 =	vsel vm8, v19, v14;
	v19 =	vnsel vm9, $0x33, v12;
	v12 =	vsel vm9, $0x33, v12  }
0x122: {  	vm10 =	vgt.f32 v17, v11;
	v11 =	vmax.f32 v11, v17;
	v17 =	vmin.f32 v1, v50  }
0x123: {  	v18 =	vld [tilespmem:s4+$0x4200];
	v1 =	vmax.f32 v1, v50;
	vm5 =	vgt.f32 v51, v3;
	v15 =	vsel vm10, v19, v15  }
0x124: {  	v19 =	vnsel vm11, $0x4, v4;
	v4 =	vsel vm11, $0x4, v4;
	vm12 =	vgt.f32 v17, v5  }
0x125: {  	v5 =	vmax.f32 v5, v17;
	v13 =	vsel vm12, v19, v13;
	vm13 =	vgt.f32 v16, v0  }
0x126: {  	v52 =	vld [tilespmem:s4+$0x4280];
	v17 =	vmin.f32 v0, v16;
	v0 =	vmax.f32 v0, v16;
	v19 =	vnsel vm13, $0x14, v7  }
0x127: {  	v7 =	vsel vm13, $0x14, v7;
	vm14 =	vgt.f32 v17, v6;
	v6 =	vmax.f32 v6, v17  }
0x128: {  	v16 =	vld [tilespmem:s4+$0x280];
	vm15 =	vgt.f32 v18, v2;
	v17 =	vmin.f32 v2, v18;
	v2 =	vmax.f32 v2, v18  }
0x129: {  	v9 =	vsel vm14, v19, v9;
	v19 =	vnsel vm15, $0x24, v10;
	v10 =	vsel vm15, $0x24, v10  }
0x12a: {  	vm4 =	vgt.f32 v17, v8;
	v8 =	vmax.f32 v8, v17;
	v17 =	vmin.f32 v3, v51  }
0x12b: {  	v18 =	vld [tilespmem:s4+$0x2280];
	v3 =	vmax.f32 v3, v51;
	vm11 =	vgt.f32 v52, v2;
	v14 =	vsel vm4, v19, v14  }
0x12c: {  	v19 =	vnsel vm5, $0x34, v12;
	v12 =	vsel vm5, $0x34, v12;
	vm6 =	vgt.f32 v17, v11  }
0x12d: {  	v11 =	vmax.f32 v11, v17;
	v15 =	vsel vm6, v19, v15;
	vm7 =	vgt.f32 v16, v1  }
0x12e: {  	v53 =	vld [tilespmem:s4+$0x2300];
	v17 =	vmin.f32 v1, v16;
	v1 =	vmax.f32 v1, v16;
	v19 =	vnsel vm7, $0x5, v4  }
0x12f: {  	v4 =	vsel vm7, $0x5, v4;
	vm8 =	vgt.f32 v17, v5;
	v5 =	vmax.f32 v5, v17  }
0x130: {  	v16 =	vld [tilespmem:s4+$0x6280];
	vm9 =	vgt.f32 v18, v0;
	v17 =	vmin.f32 v0, v18;
	v0 =	vmax.f32 v0, v18  }
0x131: {  	v13 =	vsel vm8, v19, v13;
	v19 =	vnsel vm9, $0x15, v7;
	v7 =	vsel vm9, $0x15, v7  }
0x132: {  	vm10 =	vgt.f32 v17, v6;
	v6 =	vmax.f32 v6, v17;
	v17 =	vmin.f32 v2, v52  }
0x133: {  	v18 =	vld [tilespmem:s4+$0x300];
	v2 =	vmax.f32 v2, v52;
	vm5 =	vgt.f32 v53, v0;
	v9 =	vsel vm10, v19, v9  }
0x134: {  	v19 =	vnsel vm11, $0x25, v10;
	v10 =	vsel vm11, $0x25, v10;
	vm12 =	vgt.f32 v17, v8  }
0x135: {  	v8 =	vmax.f32 v8, v17;
	v14 =	vsel vm12, v19, v14;
	vm13 =	vgt.f32 v16, v3  }
0x136: {  	v54 =	vld [tilespmem:s4+$0x380];
	v17 =	vmin.f32 v3, v16;
	v3 =	vmax.f32 v3, v16;
	v19 =	vnsel vm13, $0x35, v12  }
0x137: {  	v12 =	vsel vm13, $0x35, v12;
	vm14 =	vgt.f32 v17, v11;
	v11 =	vmax.f32 v11, v17  }
0x138: {  	v16 =	vld [tilespmem:s4+$0x4300];
	vm15 =	vgt.f32 v18, v1;
	v17 =	vmin.f32 v1, v18;
	v1 =	vmax.f32 v1, v18  }
0x139: {  	v15 =	vsel vm14, v19, v15;
	v19 =	vnsel vm15, $0x6, v4;
	v4 =	vsel vm15, $0x6, v4  }
0x13a: {  	vm4 =	vgt.f32 v17, v5;
	v5 =	vmax.f32 v5, v17;
	v17 =	vmin.f32 v0, v53  }
0x13b: {  	v18 =	vld [tilespmem:s4+$0x6300];
	v0 =	vmax.f32 v0, v53;
	vm11 =	vgt.f32 v54, v1;
	v13 =	vsel vm4, v19, v13  }
0x13c: {  	v19 =	vnsel vm5, $0x16, v7;
	v7 =	vsel vm5, $0x16, v7;
	vm6 =	vgt.f32 v17, v6  }
0x13d: {  	v6 =	vmax.f32 v6, v17;
	v9 =	vsel vm6, v19, v9;
	vm7 =	vgt.f32 v16, v2  }
0x13e: {  	v55 =	vld [tilespmem:s4+$0x6380];
	v17 =	vmin.f32 v2, v16;
	v2 =	vmax.f32 v2, v16;
	v19 =	vnsel vm7, $0x26, v10  }
0x13f: {  	v10 =	vsel vm7, $0x26, v10;
	vm8 =	vgt.f32 v17, v8;
	v8 =	vmax.f32 v8, v17  }
0x140: {  	v16 =	vld [tilespmem:s4+$0x2380];
	vm9 =	vgt.f32 v18, v3;
	v17 =	vmin.f32 v3, v18;
	v3 =	vmax.f32 v3, v18  }
0x141: {  	v14 =	vsel vm8, v19, v14;
	v19 =	vnsel vm9, $0x36, v12;
	v12 =	vsel vm9, $0x36, v12  }
0x142: {  	vm10 =	vgt.f32 v17, v11;
	v11 =	vmax.f32 v11, v17;
	v17 =	vmin.f32 v1, v54  }
0x143: {  	v18 =	vld [tilespmem:s4+$0x4380];
	v1 =	vmax.f32 v1, v54;
	vm5 =	vgt.f32 v55, v3;
	v15 =	vsel vm10, v19, v15  }
0x144: {  	v19 =	vnsel vm11, $0x7, v4;
	v4 =	vsel vm11, $0x7, v4;
	vm12 =	vgt.f32 v17, v5  }
0x145: {  	v5 =	vmax.f32 v5, v17;
	v13 =	vsel vm12, v19, v13;
	vm13 =	vgt.f32 v16, v0  }
0x146: {  	v56 =	vld [tilespmem:s4+$0x5000];
	v17 =	vmin.f32 v0, v16;
	v0 =	vmax.f32 v0, v16;
	v19 =	vnsel vm13, $0x17, v7  }
0x147: {  	v7 =	vsel vm13, $0x17, v7;
	vm14 =	vgt.f32 v17, v6;
	v6 =	vmax.f32 v6, v17  }
0x148: {  	v16 =	vld [tilespmem:s4+$0x1000];
	vm15 =	vgt.f32 v18, v2;
	v17 =	vmin.f32 v2, v18;
	v2 =	vmax.f32 v2, v18  }
0x149: {  	v9 =	vsel vm14, v19, v9;
	v19 =	vnsel vm15, $0x27, v10;
	v10 =	vsel vm15, $0x27, v10  }
0x14a: {  	vm4 =	vgt.f32 v17, v8;
	v8 =	vmax.f32 v8, v17;
	v17 =	vmin.f32 v3, v55  }
0x14b: {  	v18 =	vld [tilespmem:s4+$0x3000];
	v3 =	vmax.f32 v3, v55;
	vm11 =	vgt.f32 v56, v2;
	v14 =	vsel vm4, v19, v14  }
0x14c: {  	v19 =	vnsel vm5, $0x37, v12;
	v12 =	vsel vm5, $0x37, v12;
	vm6 =	vgt.f32 v17, v11  }
0x14d: {  	v11 =	vmax.f32 v11, v17;
	v15 =	vsel vm6, v19, v15;
	vm7 =	vgt.f32 v16, v1  }
0x14e: {  	v57 =	vld [tilespmem:s4+$0x3080];
	v17 =	vmin.f32 v1, v16;
	v1 =	vmax.f32 v1, v16;
	v19 =	vnsel vm7, $0x8, v4  }
0x14f: {  	v4 =	vsel vm7, $0x8, v4;
	vm8 =	vgt.f32 v17, v5;
	v5 =	vmax.f32 v5, v17  }
0x150: {  	v16 =	vld [tilespmem:s4+$0x7000];
	vm9 =	vgt.f32 v18, v0;
	v17 =	vmin.f32 v0, v18;
	v0 =	vmax.f32 v0, v18  }
0x151: {  	v13 =	vsel vm8, v19, v13;
	v19 =	vnsel vm9, $0x18, v7;
	v7 =	vsel vm9, $0x18, v7  }
0x152: {  	vm10 =	vgt.f32 v17, v6;
	v6 =	vmax.f32 v6, v17;
	v17 =	vmin.f32 v2, v56  }
0x153: {  	v18 =	vld [tilespmem:s4+$0x1080];
	v2 =	vmax.f32 v2, v56;
	vm5 =	vgt.f32 v57, v0;
	v9 =	vsel vm10, v19, v9  }
0x154: {  	v19 =	vnsel vm11, $0x28, v10;
	v10 =	vsel vm11, $0x28, v10;
	vm12 =	vgt.f32 v17, v8  }
0x155: {  	v8 =	vmax.f32 v8, v17;
	v14 =	vsel vm12, v19, v14;
	vm13 =	vgt.f32 v16, v3  }
0x156: {  	v58 =	vld [tilespmem:s4+$0x1100];
	v17 =	vmin.f32 v3, v16;
	v3 =	vmax.f32 v3, v16;
	v19 =	vnsel vm13, $0x38, v12  }
0x157: {  	v12 =	vsel vm13, $0x38, v12;
	vm14 =	vgt.f32 v17, v11;
	v11 =	vmax.f32 v11, v17  }
0x158: {  	v16 =	vld [tilespmem:s4+$0x5080];
	vm15 =	vgt.f32 v18, v1;
	v17 =	vmin.f32 v1, v18;
	v1 =	vmax.f32 v1, v18  }
0x159: {  	v15 =	vsel vm14, v19, v15;
	v19 =	vnsel vm15, $0x9, v4;
	v4 =	vsel vm15, $0x9, v4  }
0x15a: {  	vm4 =	vgt.f32 v17, v5;
	v5 =	vmax.f32 v5, v17;
	v17 =	vmin.f32 v0, v57  }
0x15b: {  	v18 =	vld [tilespmem:s4+$0x7080];
	v0 =	vmax.f32 v0, v57;
	vm11 =	vgt.f32 v58, v1;
	v13 =	vsel vm4, v19, v13  }
0x15c: {  	v19 =	vnsel vm5, $0x19, v7;
	v7 =	vsel vm5, $0x19, v7;
	vm6 =	vgt.f32 v17, v6  }
0x15d: {  	v6 =	vmax.f32 v6, v17;
	v9 =	vsel vm6, v19, v9;
	vm7 =	vgt.f32 v16, v2  }
0x15e: {  	v59 =	vld [tilespmem:s4+$0x7100];
	v17 =	vmin.f32 v2, v16;
	v2 =	vmax.f32 v2, v16;
	v19 =	vnsel vm7, $0x29, v10  }
0x15f: {  	v10 =	vsel vm7, $0x29, v10;
	vm8 =	vgt.f32 v17, v8;
	v8 =	vmax.f32 v8, v17  }
0x160: {  	v16 =	vld [tilespmem:s4+$0x3100];
	vm9 =	vgt.f32 v18, v3;
	v17 =	vmin.f32 v3, v18;
	v3 =	vmax.f32 v3, v18  }
0x161: {  	v14 =	vsel vm8, v19, v14;
	v19 =	vnsel vm9, $0x39, v12;
	v12 =	vsel vm9, $0x39, v12  }
0x162: {  	vm10 =	vgt.f32 v17, v11;
	v11 =	vmax.f32 v11, v17;
	v17 =	vmin.f32 v1, v58  }
0x163: {  	v18 =	vld [tilespmem:s4+$0x5100];
	v1 =	vmax.f32 v1, v58;
	vm5 =	vgt.f32 v59, v3;
	v15 =	vsel vm10, v19, v15  }
0x164: {  	v19 =	vnsel vm11, $0xA, v4;
	v4 =	vsel vm11, $0xA, v4;
	vm12 =	vgt.f32 v17, v5  }
0x165: {  	v5 =	vmax.f32 v5, v17;
	v13 =	vsel vm12, v19, v13;
	vm13 =	vgt.f32 v16, v0  }
0x166: {  	v60 =	vld [tilespmem:s4+$0x5180];
	v17 =	vmin.f32 v0, v16;
	v0 =	vmax.f32 v0, v16;
	v19 =	vnsel vm13, $0x1A, v7  }
0x167: {  	v7 =	vsel vm13, $0x1A, v7;
	vm14 =	vgt.f32 v17, v6;
	v6 =	vmax.f32 v6, v17  }
0x168: {  	v16 =	vld [tilespmem:s4+$0x1180];
	vm15 =	vgt.f32 v18, v2;
	v17 =	vmin.f32 v2, v18;
	v2 =	vmax.f32 v2, v18  }
0x169: {  	v9 =	vsel vm14, v19, v9;
	v19 =	vnsel vm15, $0x2A, v10;
	v10 =	vsel vm15, $0x2A, v10  }
0x16a: {  	vm4 =	vgt.f32 v17, v8;
	v8 =	vmax.f32 v8, v17;
	v17 =	vmin.f32 v3, v59  }
0x16b: {  	v18 =	vld [tilespmem:s4+$0x3180];
	v3 =	vmax.f32 v3, v59;
	vm11 =	vgt.f32 v60, v2;
	v14 =	vsel vm4, v19, v14  }
0x16c: {  	v19 =	vnsel vm5, $0x3A, v12;
	v12 =	vsel vm5, $0x3A, v12;
	vm6 =	vgt.f32 v17, v11  }
0x16d: {  	v11 =	vmax.f32 v11, v17;
	v15 =	vsel vm6, v19, v15;
	vm7 =	vgt.f32 v16, v1  }
0x16e: {  	v17 =	vmin.f32 v1, v16;
	v1 =	vmax.f32 v1, v16;
	v19 =	vnsel vm7, $0xB, v4  }
0x16f: {  	v4 =	vsel vm7, $0xB, v4;
	vm8 =	vgt.f32 v17, v5;
	v5 =	vmax.f32 v5, v17  }
0x170: {  	v16 =	vld [tilespmem:s4+$0x7180];
	vm9 =	vgt.f32 v18, v0;
	v17 =	vmin.f32 v0, v18;
	v0 =	vmax.f32 v0, v18  }
0x171: {  	v13 =	vsel vm8, v19, v13;
	v19 =	vnsel vm9, $0x1B, v7;
	v7 =	vsel vm9, $0x1B, v7  }
0x172: {  	v18 =	vld [tilespmem:s4+$0x1200];
	vm10 =	vgt.f32 v17, v6;
	v6 =	vmax.f32 v6, v17;
	v17 =	vmin.f32 v2, v60  }
0x173: {  	v2 =	vmax.f32 v2, v60;
	v9 =	vsel vm10, v19, v9;
	v19 =	vnsel vm11, $0x2B, v10  }
0x174: {  	v21 =	vld [tilespmem:s4+$0x1280];
	v10 =	vsel vm11, $0x2B, v10;
	vm12 =	vgt.f32 v17, v8;
	v8 =	vmax.f32 v8, v17  }
0x175: {  	v17 =	vld [tilespmem:s4+$0x3200];
	v14 =	vsel vm12, v19, v14;
	vm13 =	vgt.f32 v16, v3;
	v19 =	vmin.f32 v3, v16  }
0x176: {  	v3 =	vmax.f32 v3, v16;
	v61 =	vnsel vm13, $0x3B, v12;
	vm14 =	vgt.f32 v19, v11  }
0x177: {  	v16 =	vld [tilespmem:s4+$0x5200];
	v11 =	vmax.f32 v11, v19;
	vm15 =	vgt.f32 v18, v1;
	v19 =	vmin.f32 v1, v18  }
0x178: {  	v1 =	vmax.f32 v1, v18;
	v15 =	vsel vm14, v61, v15;
	v62 =	vnsel vm15, $0xC, v4  }
0x179: {  	v18 =	vld [tilespmem:s4+$0x7200];
	vm11 =	vgt.f32 v19, v5;
	v5 =	vmax.f32 v5, v19;
	vm7 =	vgt.f32 v21, v1  }
0x17a: {  	v20 =	vld [tilespmem:s4+$0x1300];
	vm3 =	vgt.f32 v17, v0;
	v13 =	vsel vm11, v62, v13;
	v19 =	vmin.f32 v0, v17  }
0x17b: {  	v0 =	vmax.f32 v0, v17;
	v63 =	vnsel vm3, $0x1C, v7;
	vm12 =	vgt.f32 v19, v6  }
0x17c: {  	v28 =	vld [tilespmem:s4+$0x1380];
	v6 =	vmax.f32 v6, v19;
	v9 =	vsel vm12, v63, v9;
	vm4 =	vgt.f32 v16, v2  }
0x17d: {  	[tilespmem:$0x1FFE0] =	vst v4;
	v19 =	vld [tilespmem:s4+$0x3280];
	v17 =	vmin.f32 v2, v16;
	v4 =	vmax.f32 v2, v16;
	v2 =	vmax.f32 v1, v21  }
0x17e: {  	vm9 =	vgt.f32 v17, v8;
	v8 =	vmax.f32 v8, v17;
	vm6 =	vgt.f32 v18, v3  }
0x17f: {  	v16 =	vld [tilespmem:s4+$0x5280];
	v17 =	vmin.f32 v3, v18;
	v3 =	vmax.f32 v3, v18;
	v31 =	vmin.f32 v2, v20  }
0x180: {  	v18 =	vld [tilespmem:s4+$0x7280];
	v33 =	vmax.f32 v2, v20;
	vm11 =	vgt.f32 v17, v11;
	v11 =	vmax.f32 v11, v17  }
0x181: {  	v22 =	vld [tilespmem:s4+$0x5300];
	v17 =	vmin.f32 v1, v21;
	v46 =	vmin.f32 v33, v28;
	v47 =	vmax.f32 v33, v28  }
0x182: {  	v21 =	vld [tilespmem:s4+$0x3300];
	vm10 =	vgt.f32 v17, v5;
	v5 =	vmax.f32 v5, v17;
	vm8 =	vgt.f32 v19, v0  }
0x183: {  	v24 =	vld [tilespmem:s4+$0x7300];
	v17 =	vmin.f32 v0, v19;
	v1 =	vmax.f32 v0, v19;
	v34 =	vmax.f32 v5, v31  }
0x184: {  	v36 =	vld [tilespmem:s4+$0x5380];
	v19 =	vmax.f32 v6, v17;
	v23 =	vmin.f32 v4, v16;
	v25 =	vmax.f32 v4, v16  }
0x185: {  	v32 =	vld [tilespmem:s4+$0x3380];
	v48 =	vmax.f32 v34, v46;
	v26 =	vmax.f32 v8, v23;
	v27 =	vmin.f32 v3, v18  }
0x186: {  	v40 =	vld [tilespmem:s4+$0x7380];
	v29 =	vmax.f32 v3, v18;
	v39 =	vmin.f32 v25, v22;
	v41 =	vmax.f32 v25, v22  }
0x187: {  	v30 =	vmax.f32 v11, v27;
	v35 =	vmin.f32 v1, v21;
	v37 =	vmax.f32 v1, v21  }
0x188: {  	v42 =	vmax.f32 v26, v39;
	v43 =	vmin.f32 v29, v24;
	v44 =	vmax.f32 v29, v24  }
0x189: {  	v52 =	vmin.f32 v41, v36;
	v53 =	vmax.f32 v41, v36;
	v38 =	vmax.f32 v19, v35  }
0x18a: {  	v45 =	vmax.f32 v30, v43;
	v49 =	vmin.f32 v37, v32;
	v50 =	vmax.f32 v37, v32  }
0x18b: {  	v54 =	vmax.f32 v42, v52;
	v55 =	vmin.f32 v44, v40;
	v56 =	vmax.f32 v44, v40  }
0x18c: {  	v51 =	vmax.f32 v38, v49;
	v57 =	vmax.f32 v45, v55;
	vm5 =	vge.f32 v47, v50  }
0x18d: {  	v58 =	vmax.f32 v47, v50;
	v59 =	vmax.f32 v48, v50;
	vm2 =	vge.f32 v53, v56  }
0x18e: {  	v61 =	vmax.f32 v54, v56;
	v60 =	vmax.f32 v47, v51;
	v62 =	vmax.f32 v53, v57  }
0x18f: {  	v59 =	vsel vm5, v59, v60;
	v60 =	vmax.f32 v53, v56;
	v61 =	vsel vm2, v61, v62  }
0x190: {  	vm1 =	vge.f32 v58, v60;
	v0 =	vmax.f32 v59, v60;
	v63 =	vmax.f32 v58, v61  }
0x191: {  	v12 =	vsel vm13, $0x3B, v12;
	v62 =	vsel vm1, v0, v63;
	v0 =	vmax.f32 v58, v60  }
0x192: {  	v0 =	vsub.f32 v62, v0;
	v62 =	vnsel vm6, $0x3C, v12  }
0x193: {  	vm12 =	vgt.f32 v31, v5;
	v15 =	vsel vm11, v62, v15;
	v62 =	vld [tilespmem:$0x1FFE0]  }
0x194: {  	vm13 =	vgt.f32 v17, v6;
	v6 =	vsel vm3, $0x1C, v7;
	vm3 =	vgt.f32 v16, v4  }
0x195: {  	vm14 =	vgt.f32 v23, v8;
	v63 =	vnsel vm4, $0x2C, v10;
	v0 =	vmul.f32 $1.442695020e+00, v0  }
0x196: {  	vm0 =	vgt.f32 v18, v3;
	v3 =	vsel vm6, $0x3C, v12;
	v14 =	vsel vm9, v63, v14  }
0x197: {  	vm6 =	vgt.f32 v20, v2;
	v12 =	vsel vm8, $0x1D, v6;
	(erf) = vpow2.f32 v0  }
0x198: {  	vm9 =	vgt.f32 v24, v29;
	vm11 =	vgt.f32 v28, v33;
	v62 =	vsel vm15, $0xC, v62  }
0x199: {  	v0 =	vsel vm4, $0x2C, v10;
	vm15 =	vgt.f32 v27, v11;
	v63 =	vnsel vm7, $0xD, v62  }
0x19a: {  	v4 =	vsel vm10, v63, v13;
	v13 =	vnsel vm8, $0x1D, v6;
	v63 =	vsel vm7, $0xD, v62  }
0x19b: {  	vm8 =	vgt.f32 v21, v1;
	v21 =	vnsel vm0, $0x3D, v3;
	v3 =	vsel vm0, $0x3D, v3  }
0x19c: {  	vm10 =	vgt.f32 v43, v30;
	vm7 =	vgt.f32 v52, v42;
	v7 =	vsel vm13, v13, v9  }
0x19d: {  	v13 =	vnsel vm3, $0x2D, v0;
	vm13 =	vgt.f32 v35, v19;
	v23 =	vnsel vm6, $0xE, v63  }
0x19e: {  	v27 =	vnsel vm8, $0x1E, v12;
	v6 =	vsel vm15, v21, v15;
	v0 =	vsel vm3, $0x2D, v0  }
0x19f: {  	vm15 =	vgt.f32 v39, v26;
	v2 =	vsel vm6, $0xE, v63;
	v39 =	vnsel vm9, $0x3E, v3  }
0x1a0: {  	v5 =	vsel vm8, $0x1E, v12;
	v3 =	vsel vm9, $0x3E, v3;
	vm8 =	vgt.f32 v40, v44;
	v35 =	vpop (erf)  }
0x1a1: {  	vm9 =	vgt.f32 v55, v45;
	v20 =	vsel vm14, v13, v14;
	v43 =	vadd.f32 $1.000000000e+00, v35  }
0x1a2: {  	v4 =	vsel vm12, v23, v4;
	v7 =	vsel vm13, v27, v7;
	vm14 =	vgt.f32 v22, v25  }
0x1a3: {  	v6 =	vsel vm10, v39, v6;
	vm12 =	vgt.f32 v46, v34;
	(erf) = vrcp.f32 v43  }
0x1a4: {  	v46 =	vnsel vm11, $0xF, v2;
	vm13 =	vgt.f32 v32, v37;
	v2 =	vsel vm11, $0xF, v2  }
0x1a5: {  	v55 =	vnsel vm8, $0x3F, v3;
	v3 =	vsel vm8, $0x3F, v3;
	vm10 =	vge.f32 v48, v50  }
0x1a6: {  	vm11 =	vge.f32 v47, v51;
	v31 =	vnsel vm14, $0x2E, v0;
	v4 =	vsel vm12, v46, v4  }
0x1a7: {  	v0 =	vsel vm14, $0x2E, v0;
	vm14 =	vgt.f32 v49, v38;
	v49 =	vnsel vm13, $0x1F, v5  }
0x1a8: {  	v5 =	vsel vm13, $0x1F, v5;
	v6 =	vsel vm9, v55, v6;
	vm12 =	vge.f32 v54, v56  }
0x1a9: {  	vm13 =	vge.f32 v53, v57;
	v1 =	vsel vm15, v31, v20;
	vm15 =	vgt.f32 v36, v41  }
0x1aa: {  	v7 =	vsel vm14, v49, v7;
	v4 =	vsel vm10, v4, v5;
	v52 =	vnsel vm15, $0x2F, v0  }
0x1ab: {  	vm14 =	vge.f32 v59, v60;
	v0 =	vsel vm15, $0x2F, v0;
	v1 =	vsel vm7, v52, v1  }
0x1ac: {  	p0 =	sne.s32 s30, $0x1F0;
	v7 =	vsel vm11, v2, v7;
	v2 =	vsel vm5, v2, v5;
	v1 =	vsel vm12, v1, v3;
	v57 =	vpop (erf)  }
.Ltmp1:
0x1ad: {  	v3 =	vsel vm2, v0, v3;
	v0 =	vsel vm13, v0, v6;
	v62 =	vmul.f32 v57, v35;
	(pc) =	sbr.rel @p0 .LBB2_4-.Ltmp1, $4  }
0x1ae: {  	vm15 =	vge.f32 v58, v61;
	v4 =	vsel vm5, v4, v7;
	v0 =	vsel vm2, v1, v0;
	[tilespmem:s25+$0x0] =	vst v57  }
0x1af: {  	v63 =	vsel vm14, v4, v3;
	v3 =	vsel vm1, v2, v3;
	v0 =	vsel vm15, v2, v0;
	[tilespmem:s26+$0x0] =	vst v62  }
0x1b0: {  	s1 =	sadd.s32 $0x80, s1;
	s30 =	sadd.s32 $0x10, s30;
	v0 =	vsel vm1, v63, v0;
	s25 =	sadd.s32 $0x10, s25;
	[tilespmem:s28+$0x0] =	vst v3  }
0x1b1: {  	v16 =	vimm.s32 $0x0;
	s26 =	sadd.s32 $0x10, s26;
	s28 =	sadd.s32 $0x10, s28;
	[tilespmem:s3+$0x0] =	vst v0;
	s3 =	sadd.s32 $0x10, s3  }
0x1b2: {  	s1 =	rddreg [dreg:$0x5];
	s3 =	simm.s32 $0x8000  }
0x1b3: {  	[hbm4b:s1+s2] =	stream.linear.scatter [tilespmem:s3], [sflag:$0x3], $0x200, $0x38;
	[tilespmem:$0x8800] =	vst v63  }
0x1b4: {  	_ =	swait.ge [sflag:s24], $0x200  }
0x1b5: {  	[sflag:s24] =	ssyncset.done $0x0  }
0x1b6: {  	s26 =	simm.s32 $0x8200;
	[sflag:s24] =	ssyncadd.s32 $0xFFFFFE00  }
0x1b7: {  	[hbm4b:s6+s2] =	stream.linear.scatter [tilespmem:s26], [sflag:$0x3], $0x200, $0x38;
	[tilespmem:$0x8800] =	vst v63  }
0x1b8: {  	_ =	swait.ge [sflag:s24], $0x200  }
0x1b9: {  	[sflag:s24] =	ssyncset.done $0x0  }
0x1ba: {  	s28 =	simm.s32 $0x8400;
	[sflag:s24] =	ssyncadd.s32 $0xFFFFFE00  }
0x1bb: {  	[hbm4b:s7+s2] =	stream.linear.scatter [tilespmem:s28], [sflag:$0x3], $0x200, $0x38;
	[tilespmem:$0x8800] =	vst v63  }
0x1bc: {  	s29 =	sadd.s32 $0x1, s29;
	_ =	swait.ge [sflag:s24], $0x200  }
0x1bd: {  	p0 =	sne.s32 s29, s9;
	[sflag:s24] =	ssyncset.done $0x0  }
.Ltmp2:
0x1be: {  	s30 =	simm.s32 $0x8600;
	[sflag:s24] =	ssyncadd.s32 $0xFFFFFE00;
	(pc) =	sbr.rel @p0 .LBB2_1-.Ltmp2, $4  }
0x1bf: {  	[hbm4b:s8+s2] =	stream.linear.scatter [tilespmem:s30], [sflag:$0x3], $0x200, $0x38;
	[tilespmem:$0x8800] =	vst v63  }
0x1c0: {  	_ =	swait.ge [sflag:s24], $0x200  }
0x1c1: {  	[sflag:s24] =	ssyncset.done $0x0  }
0x1c2: {  	[sflag:s24] =	ssyncadd.s32 $0xFFFFFE00  }
0x1c3: {  	_ =	sfence.sel $0x180000  }
0x1c4: {  	[bflag:$0x0] =	sbarrier.arrive $0xFFFF  }
0x1c5: {  	_ =	strace $0x90000047  }
0x1c6: {  	s0 =	stileid.u32;
	[bflag:$0x2] =	sbarrier.arrive $0xFFFF  }
0x1c7: {  	p0 =	sne.s32 s0, $0x0;
	s0 =	rddreg [dreg:$0x2]  }
0x1c8: {  	s0 =	sadd.s32 @!p0 $0x100000, s0  }
0x1c9: {  	[sflag:s0] =	ssyncadd.tile.s32 @!p0 $0x1;
	_ =	shalt  }
.Lfunc_end2:
_tile_overlayer_lowered:
.L_overlay_start_2:
0x1ca: {  	(tag) =	ssettag $0x2  }
0x1cb: {  	s0 =	rddreg [dreg:$0x0];
	s2 =	stileid.u32  }
0x1cc: {  	s1 =	rddreg [dreg:$0x1];
	p0 =	sne.s32 s2, $0x0  }
0x1cd: {  	s3 =	rddreg [dreg:$0x2];
	[bflag:$0x3] =	sbarrier.arrive $0xFFFF;
	s2 =	simm.s32 @!p0 $0x1C03  }
0x1ce: {  	[timem:s3], [sflag:s2] =	dma.local @!p0 [hbm:s0], s1  }
0x1cf: {  	s0 =	simm.s32 @!p0 $0x3  }
0x1d0: {  	_ =	swait.ge @!p0 [sflag:s0], s1  }
0x1d1: {  	s1 =	ssub.s32 @!p0 $0x0, s1;
	[sflag:s0] =	ssyncset.done @!p0 $0x0  }
0x1d2: {  	[sflag:s0] =	ssyncadd.s32 @!p0 s1  }
0x1d3: {  	[bflag:$0x3] =	sbarrier.arrive $0xFFFF  }
0x1d4: {  	_ =	shalt  }

</sc_bundles>
